<compile_context>
chip_gen: v7x
topology: tpu7x:2x2x1
jax: 0.10.2.dev20260603
libtpu: 0.0.44.dev20260713+nightly
codegen_flags: <defaults>
</compile_context>

<pallas_src>
import jax
import jax.numpy as jnp
from jax import lax
from jax.experimental import pallas as pl
from jax.experimental.pallas import tpu as pltpu
from jax.experimental.pallas import tpu_sc as plsc

N = 10000
E = 320000
H = 128
OUT = 40
G = 64
NLAYERS = 3
BN_EPS = 1e-5

NC = 2
NS = 16
NW = NC * NS
CHUNK = 80
TILE_EDGES = E // NW
NCHUNK = TILE_EDGES // CHUNK
NPAD = 10240
STRIPE = NPAD // NS
NB = 5120
GRID = NPAD // NB


def _sc_agg_body(tab, src_h, dst_h, zer, out,
                 src_v, dst_v, rows0, rows1, acc, sem0, sem1, sem2, sem3):
    c = lax.axis_index("c")
    s = lax.axis_index("s")
    wid = c * NS + s
    pltpu.sync_copy(zer.at[pl.ds(s * STRIPE, STRIPE)],
                    acc.at[pl.ds(s * STRIPE, STRIPE)])
    pltpu.sync_copy(src_h.at[pl.ds(wid * TILE_EDGES, TILE_EDGES)], src_v)
    pltpu.sync_copy(dst_h.at[wid], dst_v)
    plsc.subcore_barrier()

    def sidx(g):
        return src_v.at[pl.ds(g * CHUNK, CHUNK)]

    def gwait0():
        pltpu.make_async_copy(tab.at[sidx(0)], rows0, sem0).wait()

    def gwait1():
        pltpu.make_async_copy(tab.at[sidx(0)], rows1, sem1).wait()

    def swait0():
        pltpu.make_async_copy(rows0, acc.at[dst_v.at[0]], sem2).wait()

    def swait1():
        pltpu.make_async_copy(rows1, acc.at[dst_v.at[0]], sem3).wait()

    pltpu.async_copy(tab.at[sidx(0)], rows0, sem0)
    pltpu.async_copy(tab.at[sidx(1)], rows1, sem1)

    def step(k, carry):
        g = 2 * k
        gwait0()
        pltpu.async_copy(rows0, acc.at[dst_v.at[g]], sem2, add=True)
        gwait1()
        pltpu.async_copy(rows1, acc.at[dst_v.at[g + 1]], sem3, add=True)
        swait0()
        pltpu.async_copy(tab.at[sidx(g + 2)], rows0, sem0)
        swait1()
        pltpu.async_copy(tab.at[sidx(g + 3)], rows1, sem1)
        return carry

    lax.fori_loop(0, (NCHUNK - 3) // 2, step, 0)
    gwait0()
    pltpu.async_copy(rows0, acc.at[dst_v.at[NCHUNK - 3]], sem2, add=True)
    gwait1()
    pltpu.async_copy(rows1, acc.at[dst_v.at[NCHUNK - 2]], sem3, add=True)
    swait0()
    pltpu.async_copy(tab.at[sidx(NCHUNK - 1)], rows0, sem0)
    swait1()
    gwait0()
    pltpu.sync_copy(rows0, acc.at[dst_v.at[NCHUNK - 1]], add=True)
    plsc.subcore_barrier()
    pltpu.sync_copy(acc.at[pl.ds(s * STRIPE, STRIPE)],
                    out.at[c, pl.ds(s * STRIPE, STRIPE)])


_sc_agg = pl.kernel(
    _sc_agg_body,
    out_type=jax.ShapeDtypeStruct((NC, NPAD, H), jnp.float32),
    mesh=plsc.VectorSubcoreMesh(core_axis_name="c", subcore_axis_name="s"),
    scratch_types=[
        pltpu.VMEM((TILE_EDGES,), jnp.int32),
        pltpu.VMEM((NCHUNK, CHUNK), jnp.int32),
        pltpu.VMEM((CHUNK, H), jnp.float32),
        pltpu.VMEM((CHUNK, H), jnp.float32),
        pltpu.VMEM_SHARED((NPAD, H), jnp.float32),
        pltpu.SemaphoreType.DMA,
        pltpu.SemaphoreType.DMA,
        pltpu.SemaphoreType.DMA,
        pltpu.SemaphoreType.DMA,
    ],
)


DW = 128
CHUNKD = 128
NCHUNKD = 79


def _sc_deg_body(dst_h, onesr_h, zer_h, out, dst_v, rows, acc, sem0, sem1):
    c = lax.axis_index("c")
    s = lax.axis_index("s")
    wid = c * NS + s
    pltpu.sync_copy(zer_h.at[pl.ds(s * STRIPE, STRIPE)],
                    acc.at[pl.ds(s * STRIPE, STRIPE)])
    pltpu.sync_copy(dst_h.at[wid], dst_v)
    pltpu.sync_copy(onesr_h, rows)
    plsc.subcore_barrier()

    def step(k, carry):
        g = 2 * k
        pltpu.async_copy(rows, acc.at[dst_v.at[g]], sem0, add=True)
        pltpu.async_copy(rows, acc.at[dst_v.at[g + 1]], sem1, add=True)
        pltpu.make_async_copy(rows, acc.at[dst_v.at[0]], sem0).wait()
        pltpu.make_async_copy(rows, acc.at[dst_v.at[0]], sem1).wait()
        return carry

    lax.fori_loop(0, NCHUNKD // 2, step, 0)
    pltpu.sync_copy(rows, acc.at[dst_v.at[NCHUNKD - 1]], add=True)
    plsc.subcore_barrier()
    pltpu.sync_copy(acc.at[pl.ds(s * STRIPE, STRIPE)],
                    out.at[c, pl.ds(s * STRIPE, STRIPE)])


_sc_deg = pl.kernel(
    _sc_deg_body,
    out_type=jax.ShapeDtypeStruct((NC, NPAD, DW), jnp.float32),
    mesh=plsc.VectorSubcoreMesh(core_axis_name="c", subcore_axis_name="s"),
    scratch_types=[
        pltpu.VMEM((NCHUNKD, CHUNKD), jnp.int32),
        pltpu.VMEM((CHUNKD, DW), jnp.float32),
        pltpu.VMEM_SHARED((NPAD, DW), jnp.float32),
        pltpu.SemaphoreType.DMA,
        pltpu.SemaphoreType.DMA,
    ],
)


def _lin_body(h_ref, w_ref, b_ref, o_ref):
    o_ref[...] = (
        jnp.dot(h_ref[...], w_ref[...], preferred_element_type=jnp.float32)
        + b_ref[...]
    )


_lin = pl.pallas_call(
    _lin_body,
    grid=(GRID,),
    in_specs=[
        pl.BlockSpec((NB, H), lambda i: (i, 0)),
        pl.BlockSpec((H, H), lambda i: (0, 0)),
        pl.BlockSpec((1, H), lambda i: (0, 0)),
    ],
    out_specs=pl.BlockSpec((NB, H), lambda i: (i, 0)),
    out_shape=jax.ShapeDtypeStruct((NPAD, H), jnp.float32),
)


def _sage_update(p_ref, pc_ref, h_ref, wl_ref, bl_ref, gm_ref, bt_ref):
    ssum = p_ref[0] + p_ref[1]
    cnt = (pc_ref[0] + pc_ref[1])[:, 0:1]
    mean = ssum / jnp.maximum(cnt, 1.0)
    out = mean + jnp.dot(h_ref[...], wl_ref[...],
                         preferred_element_type=jnp.float32) + bl_ref[...]
    nrm = jnp.sqrt(jnp.sum(out * out, axis=1, keepdims=True))
    out = out / jnp.maximum(nrm, 1e-12)
    out = out * (gm_ref[...] / jnp.sqrt(1.0 + BN_EPS)) + bt_ref[...]
    return jnp.maximum(out, 0.0)


def _upd_lin_body(p_ref, pc_ref, h_ref, wl_ref, bl_ref, gm_ref, bt_ref,
                  wr_ref, br_ref, h_out, y_out):
    h = _sage_update(p_ref, pc_ref, h_ref, wl_ref, bl_ref, gm_ref, bt_ref)
    h_out[...] = h
    y_out[...] = jnp.dot(h, wr_ref[...],
                         preferred_element_type=jnp.float32) + br_ref[...]


_vec = pl.BlockSpec((1, H), lambda i: (0, 0))
_mat = pl.BlockSpec((H, H), lambda i: (0, 0))
_row = pl.BlockSpec((NB, H), lambda i: (i, 0))

_upd_lin = pl.pallas_call(
    _upd_lin_body,
    grid=(GRID,),
    in_specs=[
        pl.BlockSpec((NC, NB, H), lambda i: (0, i, 0)),
        pl.BlockSpec((NC, NB, DW), lambda i: (0, i, 0)),
        _row, _mat, _vec, _vec, _vec, _mat, _vec,
    ],
    out_specs=(_row, _row),
    out_shape=(jax.ShapeDtypeStruct((NPAD, H), jnp.float32),
               jax.ShapeDtypeStruct((NPAD, H), jnp.float32)),
)


def _upd_head_body(p_ref, pc_ref, h_ref, wl_ref, bl_ref, gm_ref, bt_ref,
                   w1_ref, b1_ref, w2_ref, b2_ref, b_ref, o_ref):
    i = pl.program_id(0)
    h = _sage_update(p_ref, pc_ref, h_ref, wl_ref, bl_ref, gm_ref, bt_ref)
    z = jnp.dot(h, w1_ref[...], preferred_element_type=jnp.float32) + b1_ref[...]
    z = jnp.dot(z, w2_ref[...], preferred_element_type=jnp.float32) + b2_ref[...]

    @pl.when(i == 0)
    def _():
        o_ref[...] = jnp.zeros_like(o_ref)

    onehot = (b_ref[...] == lax.broadcasted_iota(jnp.int32, (1, G), 1)
              ).astype(jnp.float32)
    o_ref[...] += lax.dot_general(onehot, z, (((0,), (0,)), ((), ())),
                                  preferred_element_type=jnp.float32)

    @pl.when(i == GRID - 1)
    def _():
        x = o_ref[...]
        col = lax.broadcasted_iota(jnp.int32, (G, H), 1)
        valid = col < OUT
        m = jnp.max(jnp.where(valid, x, jnp.float32(-1e30)),
                    axis=1, keepdims=True)
        e = jnp.where(valid, jnp.exp(x - m), 0.0)
        o_ref[...] = x - m - jnp.log(jnp.sum(e, axis=1, keepdims=True))


_upd_head = pl.pallas_call(
    _upd_head_body,
    grid=(GRID,),
    in_specs=[
        pl.BlockSpec((NC, NB, H), lambda i: (0, i, 0)),
        pl.BlockSpec((NC, NB, DW), lambda i: (0, i, 0)),
        _row, _mat, _vec, _vec, _vec, _mat, _vec, _mat, _vec,
        pl.BlockSpec((NB, 1), lambda i: (i, 0)),
    ],
    out_specs=pl.BlockSpec((G, H), lambda i: (0, 0)),
    out_shape=jax.ShapeDtypeStruct((G, H), jnp.float32),
)


def kernel(x, edge_index, batch, lin_l_w, lin_l_b, lin_r_w, lin_r_b,
           bn_gamma, bn_beta, W1, b1, W2, b2):
    src2 = edge_index[0]
    dst2 = edge_index[1].reshape(NW, NCHUNK, CHUNK)
    zeros = jnp.zeros((NPAD, H), jnp.float32)
    x = jnp.concatenate([x, jnp.zeros((NPAD - N, H), jnp.float32)])
    batch2 = jnp.concatenate(
        [batch, jnp.full((NPAD - N,), G, jnp.int32)]).reshape(NPAD, 1)
    W2p = jnp.zeros((H, H), jnp.float32).at[:, :OUT].set(W2)
    b2p = jnp.zeros((1, H), jnp.float32).at[0, :OUT].set(b2)

    padd = NCHUNKD * CHUNKD - TILE_EDGES
    dstd = jnp.concatenate(
        [edge_index[1].reshape(NW, TILE_EDGES),
         jnp.broadcast_to(N + jnp.arange(padd, dtype=jnp.int32) % (NPAD - N),
                          (NW, padd))],
        axis=1).reshape(NW, NCHUNKD, CHUNKD)
    pc = _sc_deg(dstd, jnp.ones((CHUNKD, DW), jnp.float32),
                 jnp.zeros((NPAD, DW), jnp.float32))
    h = x
    y = _lin(x, lin_r_w[0], lin_r_b[0].reshape(1, H))
    for i in range(NLAYERS - 1):
        p = _sc_agg(y, src2, dst2, zeros)
        h, y = _upd_lin(p, pc, h, lin_l_w[i], lin_l_b[i].reshape(1, H),
                        bn_gamma[i].reshape(1, H), bn_beta[i].reshape(1, H),
                        lin_r_w[i + 1], lin_r_b[i + 1].reshape(1, H))
    p = _sc_agg(y, src2, dst2, zeros)
    i = NLAYERS - 1
    pooled = _upd_head(p, pc, h, lin_l_w[i], lin_l_b[i].reshape(1, H),
                       bn_gamma[i].reshape(1, H), bn_beta[i].reshape(1, H),
                       W1, b1.reshape(1, H), W2p, b2p, batch2)
    return pooled[:, :OUT]

# --- scband reference (transcript-rebuilt; emitter-appended) ---
"""Pipeline reference for scband-gnn-51058571215597 (READ-ONLY COPY).

The authoritative reference and input builder live on the scoring server;
editing this copy changes nothing except your own understanding.
"""

import jax, jax.numpy as jnp
import numpy as np

N = 10000
E = 320000
D = 128
H = 128
OUT = 40
G = 64
L = 3
BN_EPS = 1e-5


def setup_inputs(seed: int = 0) -> dict:
    key = jax.random.key(seed)
    ks = jax.random.split(key, 16)
    x = jax.random.normal(ks[0], (N, D), dtype=jnp.float32)
    edge_index = jax.random.randint(ks[1], (2, E), 0, N, dtype=jnp.int32)
    batch = jnp.sort(jax.random.randint(ks[2], (N,), 0, G, dtype=jnp.int32))
    s = 0.05
    lin_l_w = jax.random.normal(ks[3], (L, H, H), dtype=jnp.float32) * s
    lin_l_b = jax.random.normal(ks[4], (L, H), dtype=jnp.float32) * s
    lin_r_w = jax.random.normal(ks[5], (L, H, H), dtype=jnp.float32) * s
    lin_r_b = jax.random.normal(ks[6], (L, H), dtype=jnp.float32) * s
    bn_gamma = jnp.ones((L, H), dtype=jnp.float32)
    bn_beta = jnp.zeros((L, H), dtype=jnp.float32)
    W1 = jax.random.normal(ks[7], (H, H), dtype=jnp.float32) * s
    b1 = jnp.zeros((H,), dtype=jnp.float32)
    W2 = jax.random.normal(ks[8], (H, OUT), dtype=jnp.float32) * s
    b2 = jnp.zeros((OUT,), dtype=jnp.float32)
    return {"x": x, "edge_index": edge_index, "batch": batch,
            "lin_l_w": lin_l_w, "lin_l_b": lin_l_b,
            "lin_r_w": lin_r_w, "lin_r_b": lin_r_b,
            "bn_gamma": bn_gamma, "bn_beta": bn_beta,
            "W1": W1, "b1": b1, "W2": W2, "b2": b2}


def _sage_layer(h, Wl, bl, Wr, br, src, dst, n_nodes):
    # message: lin_r(x_j)
    msg = h[src] @ Wr + br
    # aggregate: scatter mean over destination nodes
    summed = jax.ops.segment_sum(msg, dst, num_segments=n_nodes)
    cnt = jax.ops.segment_sum(jnp.ones((src.shape[0],), dtype=h.dtype), dst, num_segments=n_nodes)
    mean = summed / jnp.clip(cnt, 1.0, None)[:, None]
    # update: p + lin_l(x)
    out = mean + h @ Wl + bl
    # F.normalize (L2 per row)
    nrm = jnp.sqrt(jnp.sum(out * out, axis=1, keepdims=True))
    out = out / jnp.maximum(nrm, 1e-12)
    return out


def reference(x, edge_index, batch, lin_l_w, lin_l_b, lin_r_w, lin_r_b, bn_gamma, bn_beta, W1, b1, W2, b2):
    src = edge_index[0]
    dst = edge_index[1]
    h = x
    for i in range(L):
        h = _sage_layer(h, lin_l_w[i], lin_l_b[i], lin_r_w[i], lin_r_b[i], src, dst, N)
        # BatchNorm1d in eval mode (running_mean=0, running_var=1)
        h = (h / jnp.sqrt(1.0 + BN_EPS)) * bn_gamma[i] + bn_beta[i]
        h = jax.nn.relu(h)
        # dropout is identity in eval mode
    # postMP: Linear -> (Dropout eval) -> Linear
    h = h @ W1 + b1
    h = h @ W2 + b2
    # global_add_pool over graphs
    pooled = jax.ops.segment_sum(h, batch, num_segments=G)
    return jax.nn.log_softmax(pooled, axis=1)

if __name__ == "__main__":
    import jax
    _d = setup_inputs()
    print(jax.jit(kernel)(*tuple(_d.values())))

</pallas_src>

<mosaic_0001>
#map = affine_map<(d0, d1) -> (0, 0, 0)>
#map1 = affine_map<(d0, d1) -> (0, 0)>
module attributes {stable_mosaic.version = 14 : i64} {
  func.func @_sc_deg_body(%arg0: i32, %arg1: i32, %arg2: memref<32x79x128xi32, #tpu.memory_space<hbm>>, %arg3: memref<128x128xf32, #tpu.memory_space<hbm>>, %arg4: memref<10240x128xf32, #tpu.memory_space<hbm>>, %arg5: memref<2x10240x128xf32, #tpu.memory_space<hbm>>, %arg6: memref<79x128xi32, #tpu.memory_space<vmem>>, %arg7: memref<128x128xf32, #tpu.memory_space<vmem>>, %arg8: memref<10240x128xf32, #tpu.memory_space<vmem_shared>>, %arg9: memref<!tpu.dma_semaphore, #tpu.memory_space<semaphore_mem>>, %arg10: memref<!tpu.dma_semaphore, #tpu.memory_space<semaphore_mem>>) attributes {dimension_semantics = [#tpu.dimension_semantics<core_parallel>, #tpu.dimension_semantics<subcore_parallel>], iteration_bounds = array<i64: 2, 16>, scalar_prefetch = 0 : i64, scratch_operands = 5 : i64, tpu.core_type = #tpu.core_type<sc_vector_subcore>, window_params = [{transform_indices = #map}, {transform_indices = #map1}, {transform_indices = #map1}, {transform_indices = #map}]} {
    %mul3A = arith.constant 16 : i32
    %mul3A_0 = arith.muli %arg0, %mul3A : i32
    %add3A = arith.addi %mul3A_0, %arg1 : i32
    %mul3A_1 = arith.constant 640 : i32
    %mul3A_2 = arith.muli %arg1, %mul3A_1 : i32
    %mul3A_3 = arith.constant 640 : i32
    %mul3A_4 = arith.muli %arg1, %mul3A_3 : i32
    "tpu.region"() ({
      %run_scoped3A_15 = tpu.sem_alloc : memref<!tpu.dma_semaphore, #tpu.memory_space<semaphore_mem>>
      %dma_start3A = arith.constant 0 : i32
      %dma_start3A_16 = tpu.memref_slice %arg8[%mul3A_4, %dma_start3A] : memref<10240x128xf32, #tpu.memory_space<vmem_shared>> -> memref<640x128xf32, #tpu.memory_space<vmem_shared>>
      %dma_start3A_17 = arith.constant 0 : i32
      %dma_start3A_18 = tpu.memref_slice %arg4[%mul3A_2, %dma_start3A_17] : memref<10240x128xf32, #tpu.memory_space<hbm>> -> memref<640x128xf32, #tpu.memory_space<hbm>>
      tpu.enqueue_dma source(%dma_start3A_18 : memref<640x128xf32, #tpu.memory_space<hbm>>) target(%dma_start3A_16 : memref<640x128xf32, #tpu.memory_space<vmem_shared>>) target_semaphore(%run_scoped3A_15 : memref<!tpu.dma_semaphore, #tpu.memory_space<semaphore_mem>>)
      %dma_wait3A = arith.constant 0 : i32
      %dma_wait3A_19 = tpu.memref_slice %arg8[%mul3A_4, %dma_wait3A] : memref<10240x128xf32, #tpu.memory_space<vmem_shared>> -> memref<640x128xf32, #tpu.memory_space<vmem_shared>>
      %dma_wait3A_20 = arith.constant 0 : i32
      %dma_wait3A_21 = tpu.memref_slice %arg4[%mul3A_2, %dma_wait3A_20] : memref<10240x128xf32, #tpu.memory_space<hbm>> -> memref<640x128xf32, #tpu.memory_space<hbm>>
      tpu.wait_dma2 semaphore(%run_scoped3A_15 : memref<!tpu.dma_semaphore, #tpu.memory_space<semaphore_mem>>) src(%dma_wait3A_21 : memref<640x128xf32, #tpu.memory_space<hbm>>) dst(%dma_wait3A_19 : memref<640x128xf32, #tpu.memory_space<vmem_shared>>)
      tpu.yield
    }) : () -> ()
    "tpu.region"() ({
      %run_scoped3A_15 = tpu.sem_alloc : memref<!tpu.dma_semaphore, #tpu.memory_space<semaphore_mem>>
      %dma_start3A = arith.constant 0 : i32
      %dma_start3A_16 = arith.constant 0 : i32
      %dma_start3A_17 = tpu.memref_slice %arg2[%add3A, %dma_start3A, %dma_start3A_16] : memref<32x79x128xi32, #tpu.memory_space<hbm>> -> memref<1x79x128xi32, #tpu.memory_space<hbm>>
      %dma_start3A_18 = tpu.memref_squeeze %dma_start3A_17 : memref<1x79x128xi32, #tpu.memory_space<hbm>> -> memref<79x128xi32, #tpu.memory_space<hbm>>
      %dma_start3A_19 = arith.constant 0 : i32
      %dma_start3A_20 = arith.constant 0 : i32
      %dma_start3A_21 = tpu.memref_slice %arg2[%add3A, %dma_start3A_19, %dma_start3A_20] : memref<32x79x128xi32, #tpu.memory_space<hbm>> -> memref<1x79x128xi32, #tpu.memory_space<hbm>>
      %dma_start3A_22 = tpu.memref_squeeze %dma_start3A_21 : memref<1x79x128xi32, #tpu.memory_space<hbm>> -> memref<79x128xi32, #tpu.memory_space<hbm>>
      tpu.enqueue_dma source(%dma_start3A_22 : memref<79x128xi32, #tpu.memory_space<hbm>>) target(%arg6 : memref<79x128xi32, #tpu.memory_space<vmem>>) target_semaphore(%run_scoped3A_15 : memref<!tpu.dma_semaphore, #tpu.memory_space<semaphore_mem>>)
      %dma_wait3A = arith.constant 0 : i32
      %dma_wait3A_23 = arith.constant 0 : i32
      %dma_wait3A_24 = tpu.memref_slice %arg2[%add3A, %dma_wait3A, %dma_wait3A_23] : memref<32x79x128xi32, #tpu.memory_space<hbm>> -> memref<1x79x128xi32, #tpu.memory_space<hbm>>
      %dma_wait3A_25 = tpu.memref_squeeze %dma_wait3A_24 : memref<1x79x128xi32, #tpu.memory_space<hbm>> -> memref<79x128xi32, #tpu.memory_space<hbm>>
      %dma_wait3A_26 = arith.constant 0 : i32
      %dma_wait3A_27 = arith.constant 0 : i32
      %dma_wait3A_28 = tpu.memref_slice %arg2[%add3A, %dma_wait3A_26, %dma_wait3A_27] : memref<32x79x128xi32, #tpu.memory_space<hbm>> -> memref<1x79x128xi32, #tpu.memory_space<hbm>>
      %dma_wait3A_29 = tpu.memref_squeeze %dma_wait3A_28 : memref<1x79x128xi32, #tpu.memory_space<hbm>> -> memref<79x128xi32, #tpu.memory_space<hbm>>
      tpu.wait_dma2 semaphore(%run_scoped3A_15 : memref<!tpu.dma_semaphore, #tpu.memory_space<semaphore_mem>>) src(%dma_wait3A_29 : memref<79x128xi32, #tpu.memory_space<hbm>>) dst(%arg6 : memref<79x128xi32, #tpu.memory_space<vmem>>)
      tpu.yield
    }) : () -> ()
    "tpu.region"() ({
      %run_scoped3A_15 = tpu.sem_alloc : memref<!tpu.dma_semaphore, #tpu.memory_space<semaphore_mem>>
      tpu.enqueue_dma source(%arg3 : memref<128x128xf32, #tpu.memory_space<hbm>>) target(%arg7 : memref<128x128xf32, #tpu.memory_space<vmem>>) target_semaphore(%run_scoped3A_15 : memref<!tpu.dma_semaphore, #tpu.memory_space<semaphore_mem>>)
      tpu.wait_dma2 semaphore(%run_scoped3A_15 : memref<!tpu.dma_semaphore, #tpu.memory_space<semaphore_mem>>) src(%arg3 : memref<128x128xf32, #tpu.memory_space<hbm>>) dst(%arg7 : memref<128x128xf32, #tpu.memory_space<vmem>>)
      tpu.yield
    }) : () -> ()
    %barrier3A = arith.constant 0 : index
    tpu.barrier barrier_id(%barrier3A)
    %scan3A = arith.constant 0 : i32
    %scan3A_5 = arith.constant 0 : i32
    %scan3A_6 = arith.constant 39 : i32
    %scan3A_7 = arith.addi %scan3A_5, %scan3A_6 : i32
    %scan3A_8 = arith.constant 1 : i32
    scf.for %scan3A_15 = %scan3A_5 to %scan3A_7 step %scan3A_8  : i32 {
      %mul3A_16 = arith.constant 2 : i32
      %mul3A_17 = arith.muli %mul3A_16, %scan3A_15 : i32
      %dma_start3A = arith.constant 0 : i32
      %dma_start3A_18 = tpu.memref_slice %arg6[%mul3A_17, %dma_start3A] : memref<79x128xi32, #tpu.memory_space<vmem>> -> memref<1x128xi32, #tpu.memory_space<vmem>>
      %dma_start3A_19 = tpu.memref_squeeze %dma_start3A_18 : memref<1x128xi32, #tpu.memory_space<vmem>> -> memref<128xi32, #tpu.memory_space<vmem>>
      %dma_start3A_20 = arith.constant 0 : i32
      %dma_start3A_21 = arith.constant 0 : i32
      %dma_start3A_22 = tpu.memref_slice %arg8[%dma_start3A_20, %dma_start3A_21] : memref<10240x128xf32, #tpu.memory_space<vmem_shared>> -> memref<10240x128xf32, #tpu.memory_space<vmem_shared>>
      tpu.enqueue_indirect_dma source(%arg7 : memref<128x128xf32, #tpu.memory_space<vmem>>) target(%dma_start3A_22 : memref<10240x128xf32, #tpu.memory_space<vmem_shared>>) offsets(%dma_start3A_19 : memref<128xi32, #tpu.memory_space<vmem>>) semaphore(%arg9 : memref<!tpu.dma_semaphore, #tpu.memory_space<semaphore_mem>>) {add = true}
      %add3A_23 = arith.constant 1 : i32
      %add3A_24 = arith.addi %mul3A_17, %add3A_23 : i32
      %dma_start3A_25 = arith.constant 0 : i32
      %dma_start3A_26 = tpu.memref_slice %arg6[%add3A_24, %dma_start3A_25] : memref<79x128xi32, #tpu.memory_space<vmem>> -> memref<1x128xi32, #tpu.memory_space<vmem>>
      %dma_start3A_27 = tpu.memref_squeeze %dma_start3A_26 : memref<1x128xi32, #tpu.memory_space<vmem>> -> memref<128xi32, #tpu.memory_space<vmem>>
      %dma_start3A_28 = arith.constant 0 : i32
      %dma_start3A_29 = arith.constant 0 : i32
      %dma_start3A_30 = tpu.memref_slice %arg8[%dma_start3A_28, %dma_start3A_29] : memref<10240x128xf32, #tpu.memory_space<vmem_shared>> -> memref<10240x128xf32, #tpu.memory_space<vmem_shared>>
      tpu.enqueue_indirect_dma source(%arg7 : memref<128x128xf32, #tpu.memory_space<vmem>>) target(%dma_start3A_30 : memref<10240x128xf32, #tpu.memory_space<vmem_shared>>) offsets(%dma_start3A_27 : memref<128xi32, #tpu.memory_space<vmem>>) semaphore(%arg10 : memref<!tpu.dma_semaphore, #tpu.memory_space<semaphore_mem>>) {add = true}
      %dma_wait3A = arith.constant 0 : i32
      %dma_wait3A_31 = arith.constant 0 : i32
      %dma_wait3A_32 = tpu.memref_slice %arg6[%dma_wait3A, %dma_wait3A_31] : memref<79x128xi32, #tpu.memory_space<vmem>> -> memref<1x128xi32, #tpu.memory_space<vmem>>
      %dma_wait3A_33 = tpu.memref_squeeze %dma_wait3A_32 : memref<1x128xi32, #tpu.memory_space<vmem>> -> memref<128xi32, #tpu.memory_space<vmem>>
      %dma_wait3A_34 = arith.constant 0 : i32
      %dma_wait3A_35 = arith.constant 0 : i32
      %dma_wait3A_36 = tpu.memref_slice %arg8[%dma_wait3A_34, %dma_wait3A_35] : memref<10240x128xf32, #tpu.memory_space<vmem_shared>> -> memref<10240x128xf32, #tpu.memory_space<vmem_shared>>
      tpu.wait_indirect_dma semaphore(%arg9 : memref<!tpu.dma_semaphore, #tpu.memory_space<semaphore_mem>>) src(%arg7 : memref<128x128xf32, #tpu.memory_space<vmem>>) dst(%dma_wait3A_36 : memref<10240x128xf32, #tpu.memory_space<vmem_shared>>)
      %dma_wait3A_37 = arith.constant 0 : i32
      %dma_wait3A_38 = arith.constant 0 : i32
      %dma_wait3A_39 = tpu.memref_slice %arg6[%dma_wait3A_37, %dma_wait3A_38] : memref<79x128xi32, #tpu.memory_space<vmem>> -> memref<1x128xi32, #tpu.memory_space<vmem>>
      %dma_wait3A_40 = tpu.memref_squeeze %dma_wait3A_39 : memref<1x128xi32, #tpu.memory_space<vmem>> -> memref<128xi32, #tpu.memory_space<vmem>>
      %dma_wait3A_41 = arith.constant 0 : i32
      %dma_wait3A_42 = arith.constant 0 : i32
      %dma_wait3A_43 = tpu.memref_slice %arg8[%dma_wait3A_41, %dma_wait3A_42] : memref<10240x128xf32, #tpu.memory_space<vmem_shared>> -> memref<10240x128xf32, #tpu.memory_space<vmem_shared>>
      tpu.wait_indirect_dma semaphore(%arg10 : memref<!tpu.dma_semaphore, #tpu.memory_space<semaphore_mem>>) src(%arg7 : memref<128x128xf32, #tpu.memory_space<vmem>>) dst(%dma_wait3A_43 : memref<10240x128xf32, #tpu.memory_space<vmem_shared>>)
    }
    %scan3A_9 = arith.constant 39 : i32
    %run_scoped3A = arith.constant 78 : i32
    "tpu.region"() ({
      %run_scoped3A_15 = tpu.sem_alloc : memref<!tpu.dma_semaphore, #tpu.memory_space<semaphore_mem>>
      %dma_start3A = arith.constant 0 : i32
      %dma_start3A_16 = tpu.memref_slice %arg6[%run_scoped3A, %dma_start3A] : memref<79x128xi32, #tpu.memory_space<vmem>> -> memref<1x128xi32, #tpu.memory_space<vmem>>
      %dma_start3A_17 = tpu.memref_squeeze %dma_start3A_16 : memref<1x128xi32, #tpu.memory_space<vmem>> -> memref<128xi32, #tpu.memory_space<vmem>>
      %dma_start3A_18 = arith.constant 0 : i32
      %dma_start3A_19 = arith.constant 0 : i32
      %dma_start3A_20 = tpu.memref_slice %arg8[%dma_start3A_18, %dma_start3A_19] : memref<10240x128xf32, #tpu.memory_space<vmem_shared>> -> memref<10240x128xf32, #tpu.memory_space<vmem_shared>>
      tpu.enqueue_indirect_dma source(%arg7 : memref<128x128xf32, #tpu.memory_space<vmem>>) target(%dma_start3A_20 : memref<10240x128xf32, #tpu.memory_space<vmem_shared>>) offsets(%dma_start3A_17 : memref<128xi32, #tpu.memory_space<vmem>>) semaphore(%run_scoped3A_15 : memref<!tpu.dma_semaphore, #tpu.memory_space<semaphore_mem>>) {add = true}
      %dma_wait3A = arith.constant 0 : i32
      %dma_wait3A_21 = tpu.memref_slice %arg6[%run_scoped3A, %dma_wait3A] : memref<79x128xi32, #tpu.memory_space<vmem>> -> memref<1x128xi32, #tpu.memory_space<vmem>>
      %dma_wait3A_22 = tpu.memref_squeeze %dma_wait3A_21 : memref<1x128xi32, #tpu.memory_space<vmem>> -> memref<128xi32, #tpu.memory_space<vmem>>
      %dma_wait3A_23 = arith.constant 0 : i32
      %dma_wait3A_24 = arith.constant 0 : i32
      %dma_wait3A_25 = tpu.memref_slice %arg8[%dma_wait3A_23, %dma_wait3A_24] : memref<10240x128xf32, #tpu.memory_space<vmem_shared>> -> memref<10240x128xf32, #tpu.memory_space<vmem_shared>>
      tpu.wait_indirect_dma semaphore(%run_scoped3A_15 : memref<!tpu.dma_semaphore, #tpu.memory_space<semaphore_mem>>) src(%arg7 : memref<128x128xf32, #tpu.memory_space<vmem>>) dst(%dma_wait3A_25 : memref<10240x128xf32, #tpu.memory_space<vmem_shared>>)
      tpu.yield
    }) : () -> ()
    %barrier3A_10 = arith.constant 0 : index
    tpu.barrier barrier_id(%barrier3A_10)
    %mul3A_11 = arith.constant 640 : i32
    %mul3A_12 = arith.muli %arg1, %mul3A_11 : i32
    %mul3A_13 = arith.constant 640 : i32
    %mul3A_14 = arith.muli %arg1, %mul3A_13 : i32
    "tpu.region"() ({
      %run_scoped3A_15 = tpu.sem_alloc : memref<!tpu.dma_semaphore, #tpu.memory_space<semaphore_mem>>
      %dma_start3A = arith.constant 0 : i32
      %dma_start3A_16 = tpu.memref_slice %arg5[%arg0, %mul3A_14, %dma_start3A] : memref<2x10240x128xf32, #tpu.memory_space<hbm>> -> memref<1x640x128xf32, #tpu.memory_space<hbm>>
      %dma_start3A_17 = tpu.memref_squeeze %dma_start3A_16 : memref<1x640x128xf32, #tpu.memory_space<hbm>> -> memref<640x128xf32, #tpu.memory_space<hbm>>
      %dma_start3A_18 = arith.constant 0 : i32
      %dma_start3A_19 = tpu.memref_slice %arg8[%mul3A_12, %dma_start3A_18] : memref<10240x128xf32, #tpu.memory_space<vmem_shared>> -> memref<640x128xf32, #tpu.memory_space<vmem_shared>>
      tpu.enqueue_dma source(%dma_start3A_19 : memref<640x128xf32, #tpu.memory_space<vmem_shared>>) target(%dma_start3A_17 : memref<640x128xf32, #tpu.memory_space<hbm>>) target_semaphore(%run_scoped3A_15 : memref<!tpu.dma_semaphore, #tpu.memory_space<semaphore_mem>>)
      %dma_wait3A = arith.constant 0 : i32
      %dma_wait3A_20 = tpu.memref_slice %arg5[%arg0, %mul3A_14, %dma_wait3A] : memref<2x10240x128xf32, #tpu.memory_space<hbm>> -> memref<1x640x128xf32, #tpu.memory_space<hbm>>
      %dma_wait3A_21 = tpu.memref_squeeze %dma_wait3A_20 : memref<1x640x128xf32, #tpu.memory_space<hbm>> -> memref<640x128xf32, #tpu.memory_space<hbm>>
      %dma_wait3A_22 = arith.constant 0 : i32
      %dma_wait3A_23 = tpu.memref_slice %arg8[%mul3A_12, %dma_wait3A_22] : memref<10240x128xf32, #tpu.memory_space<vmem_shared>> -> memref<640x128xf32, #tpu.memory_space<vmem_shared>>
      tpu.wait_dma2 semaphore(%run_scoped3A_15 : memref<!tpu.dma_semaphore, #tpu.memory_space<semaphore_mem>>) src(%dma_wait3A_23 : memref<640x128xf32, #tpu.memory_space<vmem_shared>>) dst(%dma_wait3A_21 : memref<640x128xf32, #tpu.memory_space<hbm>>)
      tpu.yield
    }) : () -> ()
    return
  }
}

#map = affine_map<(d0, d1) -> (0, 0)>
#map1 = affine_map<(d0, d1) -> (0)>
#map2 = affine_map<(d0, d1) -> (0, 0, 0)>
module attributes {stable_mosaic.version = 14 : i64} {
  func.func @_sc_agg_body(%arg0: i32, %arg1: i32, %arg2: memref<10240x128xf32, #tpu.memory_space<hbm>>, %arg3: memref<320000xi32, #tpu.memory_space<hbm>>, %arg4: memref<32x125x80xi32, #tpu.memory_space<hbm>>, %arg5: memref<10240x128xf32, #tpu.memory_space<hbm>>, %arg6: memref<2x10240x128xf32, #tpu.memory_space<hbm>>, %arg7: memref<10000xi32, #tpu.memory_space<vmem>>, %arg8: memref<125x80xi32, #tpu.memory_space<vmem>>, %arg9: memref<80x128xf32, #tpu.memory_space<vmem>>, %arg10: memref<80x128xf32, #tpu.memory_space<vmem>>, %arg11: memref<10240x128xf32, #tpu.memory_space<vmem_shared>>, %arg12: memref<!tpu.dma_semaphore, #tpu.memory_space<semaphore_mem>>, %arg13: memref<!tpu.dma_semaphore, #tpu.memory_space<semaphore_mem>>, %arg14: memref<!tpu.dma_semaphore, #tpu.memory_space<semaphore_mem>>, %arg15: memref<!tpu.dma_semaphore, #tpu.memory_space<semaphore_mem>>) attributes {dimension_semantics = [#tpu.dimension_semantics<core_parallel>, #tpu.dimension_semantics<subcore_parallel>], iteration_bounds = array<i64: 2, 16>, scalar_prefetch = 0 : i64, scratch_operands = 9 : i64, tpu.core_type = #tpu.core_type<sc_vector_subcore>, window_params = [{transform_indices = #map}, {transform_indices = #map1}, {transform_indices = #map2}, {transform_indices = #map}, {transform_indices = #map2}]} {
    %mul3A = arith.constant 16 : i32
    %mul3A_0 = arith.muli %arg0, %mul3A : i32
    %add3A = arith.addi %mul3A_0, %arg1 : i32
    %mul3A_1 = arith.constant 640 : i32
    %mul3A_2 = arith.muli %arg1, %mul3A_1 : i32
    %mul3A_3 = arith.constant 640 : i32
    %mul3A_4 = arith.muli %arg1, %mul3A_3 : i32
    "tpu.region"() ({
      %run_scoped3A_73 = tpu.sem_alloc : memref<!tpu.dma_semaphore, #tpu.memory_space<semaphore_mem>>
      %dma_start3A_74 = arith.constant 0 : i32
      %dma_start3A_75 = tpu.memref_slice %arg11[%mul3A_4, %dma_start3A_74] : memref<10240x128xf32, #tpu.memory_space<vmem_shared>> -> memref<640x128xf32, #tpu.memory_space<vmem_shared>>
      %dma_start3A_76 = arith.constant 0 : i32
      %dma_start3A_77 = tpu.memref_slice %arg5[%mul3A_2, %dma_start3A_76] : memref<10240x128xf32, #tpu.memory_space<hbm>> -> memref<640x128xf32, #tpu.memory_space<hbm>>
      tpu.enqueue_dma source(%dma_start3A_77 : memref<640x128xf32, #tpu.memory_space<hbm>>) target(%dma_start3A_75 : memref<640x128xf32, #tpu.memory_space<vmem_shared>>) target_semaphore(%run_scoped3A_73 : memref<!tpu.dma_semaphore, #tpu.memory_space<semaphore_mem>>)
      %dma_wait3A_78 = arith.constant 0 : i32
      %dma_wait3A_79 = tpu.memref_slice %arg11[%mul3A_4, %dma_wait3A_78] : memref<10240x128xf32, #tpu.memory_space<vmem_shared>> -> memref<640x128xf32, #tpu.memory_space<vmem_shared>>
      %dma_wait3A_80 = arith.constant 0 : i32
      %dma_wait3A_81 = tpu.memref_slice %arg5[%mul3A_2, %dma_wait3A_80] : memref<10240x128xf32, #tpu.memory_space<hbm>> -> memref<640x128xf32, #tpu.memory_space<hbm>>
      tpu.wait_dma2 semaphore(%run_scoped3A_73 : memref<!tpu.dma_semaphore, #tpu.memory_space<semaphore_mem>>) src(%dma_wait3A_81 : memref<640x128xf32, #tpu.memory_space<hbm>>) dst(%dma_wait3A_79 : memref<640x128xf32, #tpu.memory_space<vmem_shared>>)
      tpu.yield
    }) : () -> ()
    %mul3A_5 = arith.constant 10000 : i32
    %mul3A_6 = arith.muli %add3A, %mul3A_5 : i32
    "tpu.region"() ({
      %run_scoped3A_73 = tpu.sem_alloc : memref<!tpu.dma_semaphore, #tpu.memory_space<semaphore_mem>>
      %dma_start3A_74 = tpu.memref_slice %arg3[%mul3A_6] : memref<320000xi32, #tpu.memory_space<hbm>> -> memref<10000xi32, #tpu.memory_space<hbm>>
      %dma_start3A_75 = tpu.memref_slice %arg3[%mul3A_6] : memref<320000xi32, #tpu.memory_space<hbm>> -> memref<10000xi32, #tpu.memory_space<hbm>>
      tpu.enqueue_dma source(%dma_start3A_75 : memref<10000xi32, #tpu.memory_space<hbm>>) target(%arg7 : memref<10000xi32, #tpu.memory_space<vmem>>) target_semaphore(%run_scoped3A_73 : memref<!tpu.dma_semaphore, #tpu.memory_space<semaphore_mem>>)
      %dma_wait3A_76 = tpu.memref_slice %arg3[%mul3A_6] : memref<320000xi32, #tpu.memory_space<hbm>> -> memref<10000xi32, #tpu.memory_space<hbm>>
      %dma_wait3A_77 = tpu.memref_slice %arg3[%mul3A_6] : memref<320000xi32, #tpu.memory_space<hbm>> -> memref<10000xi32, #tpu.memory_space<hbm>>
      tpu.wait_dma2 semaphore(%run_scoped3A_73 : memref<!tpu.dma_semaphore, #tpu.memory_space<semaphore_mem>>) src(%dma_wait3A_77 : memref<10000xi32, #tpu.memory_space<hbm>>) dst(%arg7 : memref<10000xi32, #tpu.memory_space<vmem>>)
      tpu.yield
    }) : () -> ()
    "tpu.region"() ({
      %run_scoped3A_73 = tpu.sem_alloc : memref<!tpu.dma_semaphore, #tpu.memory_space<semaphore_mem>>
      %dma_start3A_74 = arith.constant 0 : i32
      %dma_start3A_75 = arith.constant 0 : i32
      %dma_start3A_76 = tpu.memref_slice %arg4[%add3A, %dma_start3A_74, %dma_start3A_75] : memref<32x125x80xi32, #tpu.memory_space<hbm>> -> memref<1x125x80xi32, #tpu.memory_space<hbm>>
      %dma_start3A_77 = tpu.memref_squeeze %dma_start3A_76 : memref<1x125x80xi32, #tpu.memory_space<hbm>> -> memref<125x80xi32, #tpu.memory_space<hbm>>
      %dma_start3A_78 = arith.constant 0 : i32
      %dma_start3A_79 = arith.constant 0 : i32
      %dma_start3A_80 = tpu.memref_slice %arg4[%add3A, %dma_start3A_78, %dma_start3A_79] : memref<32x125x80xi32, #tpu.memory_space<hbm>> -> memref<1x125x80xi32, #tpu.memory_space<hbm>>
      %dma_start3A_81 = tpu.memref_squeeze %dma_start3A_80 : memref<1x125x80xi32, #tpu.memory_space<hbm>> -> memref<125x80xi32, #tpu.memory_space<hbm>>
      tpu.enqueue_dma source(%dma_start3A_81 : memref<125x80xi32, #tpu.memory_space<hbm>>) target(%arg8 : memref<125x80xi32, #tpu.memory_space<vmem>>) target_semaphore(%run_scoped3A_73 : memref<!tpu.dma_semaphore, #tpu.memory_space<semaphore_mem>>)
      %dma_wait3A_82 = arith.constant 0 : i32
      %dma_wait3A_83 = arith.constant 0 : i32
      %dma_wait3A_84 = tpu.memref_slice %arg4[%add3A, %dma_wait3A_82, %dma_wait3A_83] : memref<32x125x80xi32, #tpu.memory_space<hbm>> -> memref<1x125x80xi32, #tpu.memory_space<hbm>>
      %dma_wait3A_85 = tpu.memref_squeeze %dma_wait3A_84 : memref<1x125x80xi32, #tpu.memory_space<hbm>> -> memref<125x80xi32, #tpu.memory_space<hbm>>
      %dma_wait3A_86 = arith.constant 0 : i32
      %dma_wait3A_87 = arith.constant 0 : i32
      %dma_wait3A_88 = tpu.memref_slice %arg4[%add3A, %dma_wait3A_86, %dma_wait3A_87] : memref<32x125x80xi32, #tpu.memory_space<hbm>> -> memref<1x125x80xi32, #tpu.memory_space<hbm>>
      %dma_wait3A_89 = tpu.memref_squeeze %dma_wait3A_88 : memref<1x125x80xi32, #tpu.memory_space<hbm>> -> memref<125x80xi32, #tpu.memory_space<hbm>>
      tpu.wait_dma2 semaphore(%run_scoped3A_73 : memref<!tpu.dma_semaphore, #tpu.memory_space<semaphore_mem>>) src(%dma_wait3A_89 : memref<125x80xi32, #tpu.memory_space<hbm>>) dst(%arg8 : memref<125x80xi32, #tpu.memory_space<vmem>>)
      tpu.yield
    }) : () -> ()
    %barrier3A = arith.constant 0 : index
    tpu.barrier barrier_id(%barrier3A)
    %dma_start3A = arith.constant 0 : i32
    %dma_start3A_7 = tpu.memref_slice %arg7[%dma_start3A] : memref<10000xi32, #tpu.memory_space<vmem>> -> memref<80xi32, #tpu.memory_space<vmem>>
    %dma_start3A_8 = arith.constant 0 : i32
    %dma_start3A_9 = arith.constant 0 : i32
    %dma_start3A_10 = tpu.memref_slice %arg2[%dma_start3A_8, %dma_start3A_9] : memref<10240x128xf32, #tpu.memory_space<hbm>> -> memref<10240x128xf32, #tpu.memory_space<hbm>>
    tpu.enqueue_indirect_dma source(%dma_start3A_10 : memref<10240x128xf32, #tpu.memory_space<hbm>>) target(%arg9 : memref<80x128xf32, #tpu.memory_space<vmem>>) offsets(%dma_start3A_7 : memref<80xi32, #tpu.memory_space<vmem>>) semaphore(%arg12 : memref<!tpu.dma_semaphore, #tpu.memory_space<semaphore_mem>>)
    %dma_start3A_11 = arith.constant 80 : i32
    %dma_start3A_12 = tpu.memref_slice %arg7[%dma_start3A_11] : memref<10000xi32, #tpu.memory_space<vmem>> -> memref<80xi32, #tpu.memory_space<vmem>>
    %dma_start3A_13 = arith.constant 0 : i32
    %dma_start3A_14 = arith.constant 0 : i32
    %dma_start3A_15 = tpu.memref_slice %arg2[%dma_start3A_13, %dma_start3A_14] : memref<10240x128xf32, #tpu.memory_space<hbm>> -> memref<10240x128xf32, #tpu.memory_space<hbm>>
    tpu.enqueue_indirect_dma source(%dma_start3A_15 : memref<10240x128xf32, #tpu.memory_space<hbm>>) target(%arg10 : memref<80x128xf32, #tpu.memory_space<vmem>>) offsets(%dma_start3A_12 : memref<80xi32, #tpu.memory_space<vmem>>) semaphore(%arg13 : memref<!tpu.dma_semaphore, #tpu.memory_space<semaphore_mem>>)
    %scan3A = arith.constant 0 : i32
    %scan3A_16 = arith.constant 0 : i32
    %scan3A_17 = arith.constant 61 : i32
    %scan3A_18 = arith.addi %scan3A_16, %scan3A_17 : i32
    %scan3A_19 = arith.constant 1 : i32
    scf.for %scan3A_73 = %scan3A_16 to %scan3A_18 step %scan3A_19  : i32 {
      %mul3A_74 = arith.constant 2 : i32
      %mul3A_75 = arith.muli %mul3A_74, %scan3A_73 : i32
      %dma_wait3A_76 = arith.constant 0 : i32
      %dma_wait3A_77 = tpu.memref_slice %arg7[%dma_wait3A_76] : memref<10000xi32, #tpu.memory_space<vmem>> -> memref<80xi32, #tpu.memory_space<vmem>>
      %dma_wait3A_78 = arith.constant 0 : i32
      %dma_wait3A_79 = arith.constant 0 : i32
      %dma_wait3A_80 = tpu.memref_slice %arg2[%dma_wait3A_78, %dma_wait3A_79] : memref<10240x128xf32, #tpu.memory_space<hbm>> -> memref<10240x128xf32, #tpu.memory_space<hbm>>
      tpu.wait_indirect_dma semaphore(%arg12 : memref<!tpu.dma_semaphore, #tpu.memory_space<semaphore_mem>>) src(%dma_wait3A_80 : memref<10240x128xf32, #tpu.memory_space<hbm>>) dst(%arg9 : memref<80x128xf32, #tpu.memory_space<vmem>>)
      %dma_start3A_81 = arith.constant 0 : i32
      %dma_start3A_82 = tpu.memref_slice %arg8[%mul3A_75, %dma_start3A_81] : memref<125x80xi32, #tpu.memory_space<vmem>> -> memref<1x80xi32, #tpu.memory_space<vmem>>
      %dma_start3A_83 = tpu.memref_squeeze %dma_start3A_82 : memref<1x80xi32, #tpu.memory_space<vmem>> -> memref<80xi32, #tpu.memory_space<vmem>>
      %dma_start3A_84 = arith.constant 0 : i32
      %dma_start3A_85 = arith.constant 0 : i32
      %dma_start3A_86 = tpu.memref_slice %arg11[%dma_start3A_84, %dma_start3A_85] : memref<10240x128xf32, #tpu.memory_space<vmem_shared>> -> memref<10240x128xf32, #tpu.memory_space<vmem_shared>>
      tpu.enqueue_indirect_dma source(%arg9 : memref<80x128xf32, #tpu.memory_space<vmem>>) target(%dma_start3A_86 : memref<10240x128xf32, #tpu.memory_space<vmem_shared>>) offsets(%dma_start3A_83 : memref<80xi32, #tpu.memory_space<vmem>>) semaphore(%arg14 : memref<!tpu.dma_semaphore, #tpu.memory_space<semaphore_mem>>) {add = true}
      %dma_wait3A_87 = arith.constant 0 : i32
      %dma_wait3A_88 = tpu.memref_slice %arg7[%dma_wait3A_87] : memref<10000xi32, #tpu.memory_space<vmem>> -> memref<80xi32, #tpu.memory_space<vmem>>
      %dma_wait3A_89 = arith.constant 0 : i32
      %dma_wait3A_90 = arith.constant 0 : i32
      %dma_wait3A_91 = tpu.memref_slice %arg2[%dma_wait3A_89, %dma_wait3A_90] : memref<10240x128xf32, #tpu.memory_space<hbm>> -> memref<10240x128xf32, #tpu.memory_space<hbm>>
      tpu.wait_indirect_dma semaphore(%arg13 : memref<!tpu.dma_semaphore, #tpu.memory_space<semaphore_mem>>) src(%dma_wait3A_91 : memref<10240x128xf32, #tpu.memory_space<hbm>>) dst(%arg10 : memref<80x128xf32, #tpu.memory_space<vmem>>)
      %add3A_92 = arith.constant 1 : i32
      %add3A_93 = arith.addi %mul3A_75, %add3A_92 : i32
      %dma_start3A_94 = arith.constant 0 : i32
      %dma_start3A_95 = tpu.memref_slice %arg8[%add3A_93, %dma_start3A_94] : memref<125x80xi32, #tpu.memory_space<vmem>> -> memref<1x80xi32, #tpu.memory_space<vmem>>
      %dma_start3A_96 = tpu.memref_squeeze %dma_start3A_95 : memref<1x80xi32, #tpu.memory_space<vmem>> -> memref<80xi32, #tpu.memory_space<vmem>>
      %dma_start3A_97 = arith.constant 0 : i32
      %dma_start3A_98 = arith.constant 0 : i32
      %dma_start3A_99 = tpu.memref_slice %arg11[%dma_start3A_97, %dma_start3A_98] : memref<10240x128xf32, #tpu.memory_space<vmem_shared>> -> memref<10240x128xf32, #tpu.memory_space<vmem_shared>>
      tpu.enqueue_indirect_dma source(%arg10 : memref<80x128xf32, #tpu.memory_space<vmem>>) target(%dma_start3A_99 : memref<10240x128xf32, #tpu.memory_space<vmem_shared>>) offsets(%dma_start3A_96 : memref<80xi32, #tpu.memory_space<vmem>>) semaphore(%arg15 : memref<!tpu.dma_semaphore, #tpu.memory_space<semaphore_mem>>) {add = true}
      %dma_wait3A_100 = arith.constant 0 : i32
      %dma_wait3A_101 = arith.constant 0 : i32
      %dma_wait3A_102 = tpu.memref_slice %arg8[%dma_wait3A_100, %dma_wait3A_101] : memref<125x80xi32, #tpu.memory_space<vmem>> -> memref<1x80xi32, #tpu.memory_space<vmem>>
      %dma_wait3A_103 = tpu.memref_squeeze %dma_wait3A_102 : memref<1x80xi32, #tpu.memory_space<vmem>> -> memref<80xi32, #tpu.memory_space<vmem>>
      %dma_wait3A_104 = arith.constant 0 : i32
      %dma_wait3A_105 = arith.constant 0 : i32
      %dma_wait3A_106 = tpu.memref_slice %arg11[%dma_wait3A_104, %dma_wait3A_105] : memref<10240x128xf32, #tpu.memory_space<vmem_shared>> -> memref<10240x128xf32, #tpu.memory_space<vmem_shared>>
      tpu.wait_indirect_dma semaphore(%arg14 : memref<!tpu.dma_semaphore, #tpu.memory_space<semaphore_mem>>) src(%arg9 : memref<80x128xf32, #tpu.memory_space<vmem>>) dst(%dma_wait3A_106 : memref<10240x128xf32, #tpu.memory_space<vmem_shared>>)
      %add3A_107 = arith.constant 2 : i32
      %add3A_108 = arith.addi %mul3A_75, %add3A_107 : i32
      %mul3A_109 = arith.constant 80 : i32
      %mul3A_110 = arith.muli %add3A_108, %mul3A_109 : i32
      %dma_start3A_111 = tpu.memref_slice %arg7[%mul3A_110] : memref<10000xi32, #tpu.memory_space<vmem>> -> memref<80xi32, #tpu.memory_space<vmem>>
      %dma_start3A_112 = arith.constant 0 : i32
      %dma_start3A_113 = arith.constant 0 : i32
      %dma_start3A_114 = tpu.memref_slice %arg2[%dma_start3A_112, %dma_start3A_113] : memref<10240x128xf32, #tpu.memory_space<hbm>> -> memref<10240x128xf32, #tpu.memory_space<hbm>>
      tpu.enqueue_indirect_dma source(%dma_start3A_114 : memref<10240x128xf32, #tpu.memory_space<hbm>>) target(%arg9 : memref<80x128xf32, #tpu.memory_space<vmem>>) offsets(%dma_start3A_111 : memref<80xi32, #tpu.memory_space<vmem>>) semaphore(%arg12 : memref<!tpu.dma_semaphore, #tpu.memory_space<semaphore_mem>>)
      %dma_wait3A_115 = arith.constant 0 : i32
      %dma_wait3A_116 = arith.constant 0 : i32
      %dma_wait3A_117 = tpu.memref_slice %arg8[%dma_wait3A_115, %dma_wait3A_116] : memref<125x80xi32, #tpu.memory_space<vmem>> -> memref<1x80xi32, #tpu.memory_space<vmem>>
      %dma_wait3A_118 = tpu.memref_squeeze %dma_wait3A_117 : memref<1x80xi32, #tpu.memory_space<vmem>> -> memref<80xi32, #tpu.memory_space<vmem>>
      %dma_wait3A_119 = arith.constant 0 : i32
      %dma_wait3A_120 = arith.constant 0 : i32
      %dma_wait3A_121 = tpu.memref_slice %arg11[%dma_wait3A_119, %dma_wait3A_120] : memref<10240x128xf32, #tpu.memory_space<vmem_shared>> -> memref<10240x128xf32, #tpu.memory_space<vmem_shared>>
      tpu.wait_indirect_dma semaphore(%arg15 : memref<!tpu.dma_semaphore, #tpu.memory_space<semaphore_mem>>) src(%arg10 : memref<80x128xf32, #tpu.memory_space<vmem>>) dst(%dma_wait3A_121 : memref<10240x128xf32, #tpu.memory_space<vmem_shared>>)
      %add3A_122 = arith.constant 3 : i32
      %add3A_123 = arith.addi %mul3A_75, %add3A_122 : i32
      %mul3A_124 = arith.constant 80 : i32
      %mul3A_125 = arith.muli %add3A_123, %mul3A_124 : i32
      %dma_start3A_126 = tpu.memref_slice %arg7[%mul3A_125] : memref<10000xi32, #tpu.memory_space<vmem>> -> memref<80xi32, #tpu.memory_space<vmem>>
      %dma_start3A_127 = arith.constant 0 : i32
      %dma_start3A_128 = arith.constant 0 : i32
      %dma_start3A_129 = tpu.memref_slice %arg2[%dma_start3A_127, %dma_start3A_128] : memref<10240x128xf32, #tpu.memory_space<hbm>> -> memref<10240x128xf32, #tpu.memory_space<hbm>>
      tpu.enqueue_indirect_dma source(%dma_start3A_129 : memref<10240x128xf32, #tpu.memory_space<hbm>>) target(%arg10 : memref<80x128xf32, #tpu.memory_space<vmem>>) offsets(%dma_start3A_126 : memref<80xi32, #tpu.memory_space<vmem>>) semaphore(%arg13 : memref<!tpu.dma_semaphore, #tpu.memory_space<semaphore_mem>>)
    }
    %scan3A_20 = arith.constant 61 : i32
    %dma_wait3A = arith.constant 0 : i32
    %dma_wait3A_21 = tpu.memref_slice %arg7[%dma_wait3A] : memref<10000xi32, #tpu.memory_space<vmem>> -> memref<80xi32, #tpu.memory_space<vmem>>
    %dma_wait3A_22 = arith.constant 0 : i32
    %dma_wait3A_23 = arith.constant 0 : i32
    %dma_wait3A_24 = tpu.memref_slice %arg2[%dma_wait3A_22, %dma_wait3A_23] : memref<10240x128xf32, #tpu.memory_space<hbm>> -> memref<10240x128xf32, #tpu.memory_space<hbm>>
    tpu.wait_indirect_dma semaphore(%arg12 : memref<!tpu.dma_semaphore, #tpu.memory_space<semaphore_mem>>) src(%dma_wait3A_24 : memref<10240x128xf32, #tpu.memory_space<hbm>>) dst(%arg9 : memref<80x128xf32, #tpu.memory_space<vmem>>)
    %dma_start3A_25 = arith.constant 122 : i32
    %dma_start3A_26 = arith.constant 0 : i32
    %dma_start3A_27 = tpu.memref_slice %arg8[%dma_start3A_25, %dma_start3A_26] : memref<125x80xi32, #tpu.memory_space<vmem>> -> memref<1x80xi32, #tpu.memory_space<vmem>>
    %dma_start3A_28 = tpu.memref_squeeze %dma_start3A_27 : memref<1x80xi32, #tpu.memory_space<vmem>> -> memref<80xi32, #tpu.memory_space<vmem>>
    %dma_start3A_29 = arith.constant 0 : i32
    %dma_start3A_30 = arith.constant 0 : i32
    %dma_start3A_31 = tpu.memref_slice %arg11[%dma_start3A_29, %dma_start3A_30] : memref<10240x128xf32, #tpu.memory_space<vmem_shared>> -> memref<10240x128xf32, #tpu.memory_space<vmem_shared>>
    tpu.enqueue_indirect_dma source(%arg9 : memref<80x128xf32, #tpu.memory_space<vmem>>) target(%dma_start3A_31 : memref<10240x128xf32, #tpu.memory_space<vmem_shared>>) offsets(%dma_start3A_28 : memref<80xi32, #tpu.memory_space<vmem>>) semaphore(%arg14 : memref<!tpu.dma_semaphore, #tpu.memory_space<semaphore_mem>>) {add = true}
    %dma_wait3A_32 = arith.constant 0 : i32
    %dma_wait3A_33 = tpu.memref_slice %arg7[%dma_wait3A_32] : memref<10000xi32, #tpu.memory_space<vmem>> -> memref<80xi32, #tpu.memory_space<vmem>>
    %dma_wait3A_34 = arith.constant 0 : i32
    %dma_wait3A_35 = arith.constant 0 : i32
    %dma_wait3A_36 = tpu.memref_slice %arg2[%dma_wait3A_34, %dma_wait3A_35] : memref<10240x128xf32, #tpu.memory_space<hbm>> -> memref<10240x128xf32, #tpu.memory_space<hbm>>
    tpu.wait_indirect_dma semaphore(%arg13 : memref<!tpu.dma_semaphore, #tpu.memory_space<semaphore_mem>>) src(%dma_wait3A_36 : memref<10240x128xf32, #tpu.memory_space<hbm>>) dst(%arg10 : memref<80x128xf32, #tpu.memory_space<vmem>>)
    %dma_start3A_37 = arith.constant 123 : i32
    %dma_start3A_38 = arith.constant 0 : i32
    %dma_start3A_39 = tpu.memref_slice %arg8[%dma_start3A_37, %dma_start3A_38] : memref<125x80xi32, #tpu.memory_space<vmem>> -> memref<1x80xi32, #tpu.memory_space<vmem>>
    %dma_start3A_40 = tpu.memref_squeeze %dma_start3A_39 : memref<1x80xi32, #tpu.memory_space<vmem>> -> memref<80xi32, #tpu.memory_space<vmem>>
    %dma_start3A_41 = arith.constant 0 : i32
    %dma_start3A_42 = arith.constant 0 : i32
    %dma_start3A_43 = tpu.memref_slice %arg11[%dma_start3A_41, %dma_start3A_42] : memref<10240x128xf32, #tpu.memory_space<vmem_shared>> -> memref<10240x128xf32, #tpu.memory_space<vmem_shared>>
    tpu.enqueue_indirect_dma source(%arg10 : memref<80x128xf32, #tpu.memory_space<vmem>>) target(%dma_start3A_43 : memref<10240x128xf32, #tpu.memory_space<vmem_shared>>) offsets(%dma_start3A_40 : memref<80xi32, #tpu.memory_space<vmem>>) semaphore(%arg15 : memref<!tpu.dma_semaphore, #tpu.memory_space<semaphore_mem>>) {add = true}
    %dma_wait3A_44 = arith.constant 0 : i32
    %dma_wait3A_45 = arith.constant 0 : i32
    %dma_wait3A_46 = tpu.memref_slice %arg8[%dma_wait3A_44, %dma_wait3A_45] : memref<125x80xi32, #tpu.memory_space<vmem>> -> memref<1x80xi32, #tpu.memory_space<vmem>>
    %dma_wait3A_47 = tpu.memref_squeeze %dma_wait3A_46 : memref<1x80xi32, #tpu.memory_space<vmem>> -> memref<80xi32, #tpu.memory_space<vmem>>
    %dma_wait3A_48 = arith.constant 0 : i32
    %dma_wait3A_49 = arith.constant 0 : i32
    %dma_wait3A_50 = tpu.memref_slice %arg11[%dma_wait3A_48, %dma_wait3A_49] : memref<10240x128xf32, #tpu.memory_space<vmem_shared>> -> memref<10240x128xf32, #tpu.memory_space<vmem_shared>>
    tpu.wait_indirect_dma semaphore(%arg14 : memref<!tpu.dma_semaphore, #tpu.memory_space<semaphore_mem>>) src(%arg9 : memref<80x128xf32, #tpu.memory_space<vmem>>) dst(%dma_wait3A_50 : memref<10240x128xf32, #tpu.memory_space<vmem_shared>>)
    %dma_start3A_51 = arith.constant 9920 : i32
    %dma_start3A_52 = tpu.memref_slice %arg7[%dma_start3A_51] : memref<10000xi32, #tpu.memory_space<vmem>> -> memref<80xi32, #tpu.memory_space<vmem>>
    %dma_start3A_53 = arith.constant 0 : i32
    %dma_start3A_54 = arith.constant 0 : i32
    %dma_start3A_55 = tpu.memref_slice %arg2[%dma_start3A_53, %dma_start3A_54] : memref<10240x128xf32, #tpu.memory_space<hbm>> -> memref<10240x128xf32, #tpu.memory_space<hbm>>
    tpu.enqueue_indirect_dma source(%dma_start3A_55 : memref<10240x128xf32, #tpu.memory_space<hbm>>) target(%arg9 : memref<80x128xf32, #tpu.memory_space<vmem>>) offsets(%dma_start3A_52 : memref<80xi32, #tpu.memory_space<vmem>>) semaphore(%arg12 : memref<!tpu.dma_semaphore, #tpu.memory_space<semaphore_mem>>)
    %dma_wait3A_56 = arith.constant 0 : i32
    %dma_wait3A_57 = arith.constant 0 : i32
    %dma_wait3A_58 = tpu.memref_slice %arg8[%dma_wait3A_56, %dma_wait3A_57] : memref<125x80xi32, #tpu.memory_space<vmem>> -> memref<1x80xi32, #tpu.memory_space<vmem>>
    %dma_wait3A_59 = tpu.memref_squeeze %dma_wait3A_58 : memref<1x80xi32, #tpu.memory_space<vmem>> -> memref<80xi32, #tpu.memory_space<vmem>>
    %dma_wait3A_60 = arith.constant 0 : i32
    %dma_wait3A_61 = arith.constant 0 : i32
    %dma_wait3A_62 = tpu.memref_slice %arg11[%dma_wait3A_60, %dma_wait3A_61] : memref<10240x128xf32, #tpu.memory_space<vmem_shared>> -> memref<10240x128xf32, #tpu.memory_space<vmem_shared>>
    tpu.wait_indirect_dma semaphore(%arg15 : memref<!tpu.dma_semaphore, #tpu.memory_space<semaphore_mem>>) src(%arg10 : memref<80x128xf32, #tpu.memory_space<vmem>>) dst(%dma_wait3A_62 : memref<10240x128xf32, #tpu.memory_space<vmem_shared>>)
    %dma_wait3A_63 = arith.constant 0 : i32
    %dma_wait3A_64 = tpu.memref_slice %arg7[%dma_wait3A_63] : memref<10000xi32, #tpu.memory_space<vmem>> -> memref<80xi32, #tpu.memory_space<vmem>>
    %dma_wait3A_65 = arith.constant 0 : i32
    %dma_wait3A_66 = arith.constant 0 : i32
    %dma_wait3A_67 = tpu.memref_slice %arg2[%dma_wait3A_65, %dma_wait3A_66] : memref<10240x128xf32, #tpu.memory_space<hbm>> -> memref<10240x128xf32, #tpu.memory_space<hbm>>
    tpu.wait_indirect_dma semaphore(%arg12 : memref<!tpu.dma_semaphore, #tpu.memory_space<semaphore_mem>>) src(%dma_wait3A_67 : memref<10240x128xf32, #tpu.memory_space<hbm>>) dst(%arg9 : memref<80x128xf32, #tpu.memory_space<vmem>>)
    %run_scoped3A = arith.constant 124 : i32
    "tpu.region"() ({
      %run_scoped3A_73 = tpu.sem_alloc : memref<!tpu.dma_semaphore, #tpu.memory_space<semaphore_mem>>
      %dma_start3A_74 = arith.constant 0 : i32
      %dma_start3A_75 = tpu.memref_slice %arg8[%run_scoped3A, %dma_start3A_74] : memref<125x80xi32, #tpu.memory_space<vmem>> -> memref<1x80xi32, #tpu.memory_space<vmem>>
      %dma_start3A_76 = tpu.memref_squeeze %dma_start3A_75 : memref<1x80xi32, #tpu.memory_space<vmem>> -> memref<80xi32, #tpu.memory_space<vmem>>
      %dma_start3A_77 = arith.constant 0 : i32
      %dma_start3A_78 = arith.constant 0 : i32
      %dma_start3A_79 = tpu.memref_slice %arg11[%dma_start3A_77, %dma_start3A_78] : memref<10240x128xf32, #tpu.memory_space<vmem_shared>> -> memref<10240x128xf32, #tpu.memory_space<vmem_shared>>
      tpu.enqueue_indirect_dma source(%arg9 : memref<80x128xf32, #tpu.memory_space<vmem>>) target(%dma_start3A_79 : memref<10240x128xf32, #tpu.memory_space<vmem_shared>>) offsets(%dma_start3A_76 : memref<80xi32, #tpu.memory_space<vmem>>) semaphore(%run_scoped3A_73 : memref<!tpu.dma_semaphore, #tpu.memory_space<semaphore_mem>>) {add = true}
      %dma_wait3A_80 = arith.constant 0 : i32
      %dma_wait3A_81 = tpu.memref_slice %arg8[%run_scoped3A, %dma_wait3A_80] : memref<125x80xi32, #tpu.memory_space<vmem>> -> memref<1x80xi32, #tpu.memory_space<vmem>>
      %dma_wait3A_82 = tpu.memref_squeeze %dma_wait3A_81 : memref<1x80xi32, #tpu.memory_space<vmem>> -> memref<80xi32, #tpu.memory_space<vmem>>
      %dma_wait3A_83 = arith.constant 0 : i32
      %dma_wait3A_84 = arith.constant 0 : i32
      %dma_wait3A_85 = tpu.memref_slice %arg11[%dma_wait3A_83, %dma_wait3A_84] : memref<10240x128xf32, #tpu.memory_space<vmem_shared>> -> memref<10240x128xf32, #tpu.memory_space<vmem_shared>>
      tpu.wait_indirect_dma semaphore(%run_scoped3A_73 : memref<!tpu.dma_semaphore, #tpu.memory_space<semaphore_mem>>) src(%arg9 : memref<80x128xf32, #tpu.memory_space<vmem>>) dst(%dma_wait3A_85 : memref<10240x128xf32, #tpu.memory_space<vmem_shared>>)
      tpu.yield
    }) : () -> ()
    %barrier3A_68 = arith.constant 0 : index
    tpu.barrier barrier_id(%barrier3A_68)
    %mul3A_69 = arith.constant 640 : i32
    %mul3A_70 = arith.muli %arg1, %mul3A_69 : i32
    %mul3A_71 = arith.constant 640 : i32
    %mul3A_72 = arith.muli %arg1, %mul3A_71 : i32
    "tpu.region"() ({
      %run_scoped3A_73 = tpu.sem_alloc : memref<!tpu.dma_semaphore, #tpu.memory_space<semaphore_mem>>
      %dma_start3A_74 = arith.constant 0 : i32
      %dma_start3A_75 = tpu.memref_slice %arg6[%arg0, %mul3A_72, %dma_start3A_74] : memref<2x10240x128xf32, #tpu.memory_space<hbm>> -> memref<1x640x128xf32, #tpu.memory_space<hbm>>
      %dma_start3A_76 = tpu.memref_squeeze %dma_start3A_75 : memref<1x640x128xf32, #tpu.memory_space<hbm>> -> memref<640x128xf32, #tpu.memory_space<hbm>>
      %dma_start3A_77 = arith.constant 0 : i32
      %dma_start3A_78 = tpu.memref_slice %arg11[%mul3A_70, %dma_start3A_77] : memref<10240x128xf32, #tpu.memory_space<vmem_shared>> -> memref<640x128xf32, #tpu.memory_space<vmem_shared>>
      tpu.enqueue_dma source(%dma_start3A_78 : memref<640x128xf32, #tpu.memory_space<vmem_shared>>) target(%dma_start3A_76 : memref<640x128xf32, #tpu.memory_space<hbm>>) target_semaphore(%run_scoped3A_73 : memref<!tpu.dma_semaphore, #tpu.memory_space<semaphore_mem>>)
      %dma_wait3A_79 = arith.constant 0 : i32
      %dma_wait3A_80 = tpu.memref_slice %arg6[%arg0, %mul3A_72, %dma_wait3A_79] : memref<2x10240x128xf32, #tpu.memory_space<hbm>> -> memref<1x640x128xf32, #tpu.memory_space<hbm>>
      %dma_wait3A_81 = tpu.memref_squeeze %dma_wait3A_80 : memref<1x640x128xf32, #tpu.memory_space<hbm>> -> memref<640x128xf32, #tpu.memory_space<hbm>>
      %dma_wait3A_82 = arith.constant 0 : i32
      %dma_wait3A_83 = tpu.memref_slice %arg11[%mul3A_70, %dma_wait3A_82] : memref<10240x128xf32, #tpu.memory_space<vmem_shared>> -> memref<640x128xf32, #tpu.memory_space<vmem_shared>>
      tpu.wait_dma2 semaphore(%run_scoped3A_73 : memref<!tpu.dma_semaphore, #tpu.memory_space<semaphore_mem>>) src(%dma_wait3A_83 : memref<640x128xf32, #tpu.memory_space<vmem_shared>>) dst(%dma_wait3A_81 : memref<640x128xf32, #tpu.memory_space<hbm>>)
      tpu.yield
    }) : () -> ()
    return
  }
}

#map = affine_map<(d0, d1) -> (0, 0)>
#map1 = affine_map<(d0, d1) -> (0)>
#map2 = affine_map<(d0, d1) -> (0, 0, 0)>
module attributes {stable_mosaic.version = 14 : i64} {
  func.func @_sc_agg_body(%arg0: i32, %arg1: i32, %arg2: memref<10240x128xf32, #tpu.memory_space<hbm>>, %arg3: memref<320000xi32, #tpu.memory_space<hbm>>, %arg4: memref<32x125x80xi32, #tpu.memory_space<hbm>>, %arg5: memref<10240x128xf32, #tpu.memory_space<hbm>>, %arg6: memref<2x10240x128xf32, #tpu.memory_space<hbm>>, %arg7: memref<10000xi32, #tpu.memory_space<vmem>>, %arg8: memref<125x80xi32, #tpu.memory_space<vmem>>, %arg9: memref<80x128xf32, #tpu.memory_space<vmem>>, %arg10: memref<80x128xf32, #tpu.memory_space<vmem>>, %arg11: memref<10240x128xf32, #tpu.memory_space<vmem_shared>>, %arg12: memref<!tpu.dma_semaphore, #tpu.memory_space<semaphore_mem>>, %arg13: memref<!tpu.dma_semaphore, #tpu.memory_space<semaphore_mem>>, %arg14: memref<!tpu.dma_semaphore, #tpu.memory_space<semaphore_mem>>, %arg15: memref<!tpu.dma_semaphore, #tpu.memory_space<semaphore_mem>>) attributes {dimension_semantics = [#tpu.dimension_semantics<core_parallel>, #tpu.dimension_semantics<subcore_parallel>], iteration_bounds = array<i64: 2, 16>, scalar_prefetch = 0 : i64, scratch_operands = 9 : i64, tpu.core_type = #tpu.core_type<sc_vector_subcore>, window_params = [{transform_indices = #map}, {transform_indices = #map1}, {transform_indices = #map2}, {transform_indices = #map}, {transform_indices = #map2}]} {
    %mul3A = arith.constant 16 : i32
    %mul3A_0 = arith.muli %arg0, %mul3A : i32
    %add3A = arith.addi %mul3A_0, %arg1 : i32
    %mul3A_1 = arith.constant 640 : i32
    %mul3A_2 = arith.muli %arg1, %mul3A_1 : i32
    %mul3A_3 = arith.constant 640 : i32
    %mul3A_4 = arith.muli %arg1, %mul3A_3 : i32
    "tpu.region"() ({
      %run_scoped3A_73 = tpu.sem_alloc : memref<!tpu.dma_semaphore, #tpu.memory_space<semaphore_mem>>
      %dma_start3A_74 = arith.constant 0 : i32
      %dma_start3A_75 = tpu.memref_slice %arg11[%mul3A_4, %dma_start3A_74] : memref<10240x128xf32, #tpu.memory_space<vmem_shared>> -> memref<640x128xf32, #tpu.memory_space<vmem_shared>>
      %dma_start3A_76 = arith.constant 0 : i32
      %dma_start3A_77 = tpu.memref_slice %arg5[%mul3A_2, %dma_start3A_76] : memref<10240x128xf32, #tpu.memory_space<hbm>> -> memref<640x128xf32, #tpu.memory_space<hbm>>
      tpu.enqueue_dma source(%dma_start3A_77 : memref<640x128xf32, #tpu.memory_space<hbm>>) target(%dma_start3A_75 : memref<640x128xf32, #tpu.memory_space<vmem_shared>>) target_semaphore(%run_scoped3A_73 : memref<!tpu.dma_semaphore, #tpu.memory_space<semaphore_mem>>)
      %dma_wait3A_78 = arith.constant 0 : i32
      %dma_wait3A_79 = tpu.memref_slice %arg11[%mul3A_4, %dma_wait3A_78] : memref<10240x128xf32, #tpu.memory_space<vmem_shared>> -> memref<640x128xf32, #tpu.memory_space<vmem_shared>>
      %dma_wait3A_80 = arith.constant 0 : i32
      %dma_wait3A_81 = tpu.memref_slice %arg5[%mul3A_2, %dma_wait3A_80] : memref<10240x128xf32, #tpu.memory_space<hbm>> -> memref<640x128xf32, #tpu.memory_space<hbm>>
      tpu.wait_dma2 semaphore(%run_scoped3A_73 : memref<!tpu.dma_semaphore, #tpu.memory_space<semaphore_mem>>) src(%dma_wait3A_81 : memref<640x128xf32, #tpu.memory_space<hbm>>) dst(%dma_wait3A_79 : memref<640x128xf32, #tpu.memory_space<vmem_shared>>)
      tpu.yield
    }) : () -> ()
    %mul3A_5 = arith.constant 10000 : i32
    %mul3A_6 = arith.muli %add3A, %mul3A_5 : i32
    "tpu.region"() ({
      %run_scoped3A_73 = tpu.sem_alloc : memref<!tpu.dma_semaphore, #tpu.memory_space<semaphore_mem>>
      %dma_start3A_74 = tpu.memref_slice %arg3[%mul3A_6] : memref<320000xi32, #tpu.memory_space<hbm>> -> memref<10000xi32, #tpu.memory_space<hbm>>
      %dma_start3A_75 = tpu.memref_slice %arg3[%mul3A_6] : memref<320000xi32, #tpu.memory_space<hbm>> -> memref<10000xi32, #tpu.memory_space<hbm>>
      tpu.enqueue_dma source(%dma_start3A_75 : memref<10000xi32, #tpu.memory_space<hbm>>) target(%arg7 : memref<10000xi32, #tpu.memory_space<vmem>>) target_semaphore(%run_scoped3A_73 : memref<!tpu.dma_semaphore, #tpu.memory_space<semaphore_mem>>)
      %dma_wait3A_76 = tpu.memref_slice %arg3[%mul3A_6] : memref<320000xi32, #tpu.memory_space<hbm>> -> memref<10000xi32, #tpu.memory_space<hbm>>
      %dma_wait3A_77 = tpu.memref_slice %arg3[%mul3A_6] : memref<320000xi32, #tpu.memory_space<hbm>> -> memref<10000xi32, #tpu.memory_space<hbm>>
      tpu.wait_dma2 semaphore(%run_scoped3A_73 : memref<!tpu.dma_semaphore, #tpu.memory_space<semaphore_mem>>) src(%dma_wait3A_77 : memref<10000xi32, #tpu.memory_space<hbm>>) dst(%arg7 : memref<10000xi32, #tpu.memory_space<vmem>>)
      tpu.yield
    }) : () -> ()
    "tpu.region"() ({
      %run_scoped3A_73 = tpu.sem_alloc : memref<!tpu.dma_semaphore, #tpu.memory_space<semaphore_mem>>
      %dma_start3A_74 = arith.constant 0 : i32
      %dma_start3A_75 = arith.constant 0 : i32
      %dma_start3A_76 = tpu.memref_slice %arg4[%add3A, %dma_start3A_74, %dma_start3A_75] : memref<32x125x80xi32, #tpu.memory_space<hbm>> -> memref<1x125x80xi32, #tpu.memory_space<hbm>>
      %dma_start3A_77 = tpu.memref_squeeze %dma_start3A_76 : memref<1x125x80xi32, #tpu.memory_space<hbm>> -> memref<125x80xi32, #tpu.memory_space<hbm>>
      %dma_start3A_78 = arith.constant 0 : i32
      %dma_start3A_79 = arith.constant 0 : i32
      %dma_start3A_80 = tpu.memref_slice %arg4[%add3A, %dma_start3A_78, %dma_start3A_79] : memref<32x125x80xi32, #tpu.memory_space<hbm>> -> memref<1x125x80xi32, #tpu.memory_space<hbm>>
      %dma_start3A_81 = tpu.memref_squeeze %dma_start3A_80 : memref<1x125x80xi32, #tpu.memory_space<hbm>> -> memref<125x80xi32, #tpu.memory_space<hbm>>
      tpu.enqueue_dma source(%dma_start3A_81 : memref<125x80xi32, #tpu.memory_space<hbm>>) target(%arg8 : memref<125x80xi32, #tpu.memory_space<vmem>>) target_semaphore(%run_scoped3A_73 : memref<!tpu.dma_semaphore, #tpu.memory_space<semaphore_mem>>)
      %dma_wait3A_82 = arith.constant 0 : i32
      %dma_wait3A_83 = arith.constant 0 : i32
      %dma_wait3A_84 = tpu.memref_slice %arg4[%add3A, %dma_wait3A_82, %dma_wait3A_83] : memref<32x125x80xi32, #tpu.memory_space<hbm>> -> memref<1x125x80xi32, #tpu.memory_space<hbm>>
      %dma_wait3A_85 = tpu.memref_squeeze %dma_wait3A_84 : memref<1x125x80xi32, #tpu.memory_space<hbm>> -> memref<125x80xi32, #tpu.memory_space<hbm>>
      %dma_wait3A_86 = arith.constant 0 : i32
      %dma_wait3A_87 = arith.constant 0 : i32
      %dma_wait3A_88 = tpu.memref_slice %arg4[%add3A, %dma_wait3A_86, %dma_wait3A_87] : memref<32x125x80xi32, #tpu.memory_space<hbm>> -> memref<1x125x80xi32, #tpu.memory_space<hbm>>
      %dma_wait3A_89 = tpu.memref_squeeze %dma_wait3A_88 : memref<1x125x80xi32, #tpu.memory_space<hbm>> -> memref<125x80xi32, #tpu.memory_space<hbm>>
      tpu.wait_dma2 semaphore(%run_scoped3A_73 : memref<!tpu.dma_semaphore, #tpu.memory_space<semaphore_mem>>) src(%dma_wait3A_89 : memref<125x80xi32, #tpu.memory_space<hbm>>) dst(%arg8 : memref<125x80xi32, #tpu.memory_space<vmem>>)
      tpu.yield
    }) : () -> ()
    %barrier3A = arith.constant 0 : index
    tpu.barrier barrier_id(%barrier3A)
    %dma_start3A = arith.constant 0 : i32
    %dma_start3A_7 = tpu.memref_slice %arg7[%dma_start3A] : memref<10000xi32, #tpu.memory_space<vmem>> -> memref<80xi32, #tpu.memory_space<vmem>>
    %dma_start3A_8 = arith.constant 0 : i32
    %dma_start3A_9 = arith.constant 0 : i32
    %dma_start3A_10 = tpu.memref_slice %arg2[%dma_start3A_8, %dma_start3A_9] : memref<10240x128xf32, #tpu.memory_space<hbm>> -> memref<10240x128xf32, #tpu.memory_space<hbm>>
    tpu.enqueue_indirect_dma source(%dma_start3A_10 : memref<10240x128xf32, #tpu.memory_space<hbm>>) target(%arg9 : memref<80x128xf32, #tpu.memory_space<vmem>>) offsets(%dma_start3A_7 : memref<80xi32, #tpu.memory_space<vmem>>) semaphore(%arg12 : memref<!tpu.dma_semaphore, #tpu.memory_space<semaphore_mem>>)
    %dma_start3A_11 = arith.constant 80 : i32
    %dma_start3A_12 = tpu.memref_slice %arg7[%dma_start3A_11] : memref<10000xi32, #tpu.memory_space<vmem>> -> memref<80xi32, #tpu.memory_space<vmem>>
    %dma_start3A_13 = arith.constant 0 : i32
    %dma_start3A_14 = arith.constant 0 : i32
    %dma_start3A_15 = tpu.memref_slice %arg2[%dma_start3A_13, %dma_start3A_14] : memref<10240x128xf32, #tpu.memory_space<hbm>> -> memref<10240x128xf32, #tpu.memory_space<hbm>>
    tpu.enqueue_indirect_dma source(%dma_start3A_15 : memref<10240x128xf32, #tpu.memory_space<hbm>>) target(%arg10 : memref<80x128xf32, #tpu.memory_space<vmem>>) offsets(%dma_start3A_12 : memref<80xi32, #tpu.memory_space<vmem>>) semaphore(%arg13 : memref<!tpu.dma_semaphore, #tpu.memory_space<semaphore_mem>>)
    %scan3A = arith.constant 0 : i32
    %scan3A_16 = arith.constant 0 : i32
    %scan3A_17 = arith.constant 61 : i32
    %scan3A_18 = arith.addi %scan3A_16, %scan3A_17 : i32
    %scan3A_19 = arith.constant 1 : i32
    scf.for %scan3A_73 = %scan3A_16 to %scan3A_18 step %scan3A_19  : i32 {
      %mul3A_74 = arith.constant 2 : i32
      %mul3A_75 = arith.muli %mul3A_74, %scan3A_73 : i32
      %dma_wait3A_76 = arith.constant 0 : i32
      %dma_wait3A_77 = tpu.memref_slice %arg7[%dma_wait3A_76] : memref<10000xi32, #tpu.memory_space<vmem>> -> memref<80xi32, #tpu.memory_space<vmem>>
      %dma_wait3A_78 = arith.constant 0 : i32
      %dma_wait3A_79 = arith.constant 0 : i32
      %dma_wait3A_80 = tpu.memref_slice %arg2[%dma_wait3A_78, %dma_wait3A_79] : memref<10240x128xf32, #tpu.memory_space<hbm>> -> memref<10240x128xf32, #tpu.memory_space<hbm>>
      tpu.wait_indirect_dma semaphore(%arg12 : memref<!tpu.dma_semaphore, #tpu.memory_space<semaphore_mem>>) src(%dma_wait3A_80 : memref<10240x128xf32, #tpu.memory_space<hbm>>) dst(%arg9 : memref<80x128xf32, #tpu.memory_space<vmem>>)
      %dma_start3A_81 = arith.constant 0 : i32
      %dma_start3A_82 = tpu.memref_slice %arg8[%mul3A_75, %dma_start3A_81] : memref<125x80xi32, #tpu.memory_space<vmem>> -> memref<1x80xi32, #tpu.memory_space<vmem>>
      %dma_start3A_83 = tpu.memref_squeeze %dma_start3A_82 : memref<1x80xi32, #tpu.memory_space<vmem>> -> memref<80xi32, #tpu.memory_space<vmem>>
      %dma_start3A_84 = arith.constant 0 : i32
      %dma_start3A_85 = arith.constant 0 : i32
      %dma_start3A_86 = tpu.memref_slice %arg11[%dma_start3A_84, %dma_start3A_85] : memref<10240x128xf32, #tpu.memory_space<vmem_shared>> -> memref<10240x128xf32, #tpu.memory_space<vmem_shared>>
      tpu.enqueue_indirect_dma source(%arg9 : memref<80x128xf32, #tpu.memory_space<vmem>>) target(%dma_start3A_86 : memref<10240x128xf32, #tpu.memory_space<vmem_shared>>) offsets(%dma_start3A_83 : memref<80xi32, #tpu.memory_space<vmem>>) semaphore(%arg14 : memref<!tpu.dma_semaphore, #tpu.memory_space<semaphore_mem>>) {add = true}
      %dma_wait3A_87 = arith.constant 0 : i32
      %dma_wait3A_88 = tpu.memref_slice %arg7[%dma_wait3A_87] : memref<10000xi32, #tpu.memory_space<vmem>> -> memref<80xi32, #tpu.memory_space<vmem>>
      %dma_wait3A_89 = arith.constant 0 : i32
      %dma_wait3A_90 = arith.constant 0 : i32
      %dma_wait3A_91 = tpu.memref_slice %arg2[%dma_wait3A_89, %dma_wait3A_90] : memref<10240x128xf32, #tpu.memory_space<hbm>> -> memref<10240x128xf32, #tpu.memory_space<hbm>>
      tpu.wait_indirect_dma semaphore(%arg13 : memref<!tpu.dma_semaphore, #tpu.memory_space<semaphore_mem>>) src(%dma_wait3A_91 : memref<10240x128xf32, #tpu.memory_space<hbm>>) dst(%arg10 : memref<80x128xf32, #tpu.memory_space<vmem>>)
      %add3A_92 = arith.constant 1 : i32
      %add3A_93 = arith.addi %mul3A_75, %add3A_92 : i32
      %dma_start3A_94 = arith.constant 0 : i32
      %dma_start3A_95 = tpu.memref_slice %arg8[%add3A_93, %dma_start3A_94] : memref<125x80xi32, #tpu.memory_space<vmem>> -> memref<1x80xi32, #tpu.memory_space<vmem>>
      %dma_start3A_96 = tpu.memref_squeeze %dma_start3A_95 : memref<1x80xi32, #tpu.memory_space<vmem>> -> memref<80xi32, #tpu.memory_space<vmem>>
      %dma_start3A_97 = arith.constant 0 : i32
      %dma_start3A_98 = arith.constant 0 : i32
      %dma_start3A_99 = tpu.memref_slice %arg11[%dma_start3A_97, %dma_start3A_98] : memref<10240x128xf32, #tpu.memory_space<vmem_shared>> -> memref<10240x128xf32, #tpu.memory_space<vmem_shared>>
      tpu.enqueue_indirect_dma source(%arg10 : memref<80x128xf32, #tpu.memory_space<vmem>>) target(%dma_start3A_99 : memref<10240x128xf32, #tpu.memory_space<vmem_shared>>) offsets(%dma_start3A_96 : memref<80xi32, #tpu.memory_space<vmem>>) semaphore(%arg15 : memref<!tpu.dma_semaphore, #tpu.memory_space<semaphore_mem>>) {add = true}
      %dma_wait3A_100 = arith.constant 0 : i32
      %dma_wait3A_101 = arith.constant 0 : i32
      %dma_wait3A_102 = tpu.memref_slice %arg8[%dma_wait3A_100, %dma_wait3A_101] : memref<125x80xi32, #tpu.memory_space<vmem>> -> memref<1x80xi32, #tpu.memory_space<vmem>>
      %dma_wait3A_103 = tpu.memref_squeeze %dma_wait3A_102 : memref<1x80xi32, #tpu.memory_space<vmem>> -> memref<80xi32, #tpu.memory_space<vmem>>
      %dma_wait3A_104 = arith.constant 0 : i32
      %dma_wait3A_105 = arith.constant 0 : i32
      %dma_wait3A_106 = tpu.memref_slice %arg11[%dma_wait3A_104, %dma_wait3A_105] : memref<10240x128xf32, #tpu.memory_space<vmem_shared>> -> memref<10240x128xf32, #tpu.memory_space<vmem_shared>>
      tpu.wait_indirect_dma semaphore(%arg14 : memref<!tpu.dma_semaphore, #tpu.memory_space<semaphore_mem>>) src(%arg9 : memref<80x128xf32, #tpu.memory_space<vmem>>) dst(%dma_wait3A_106 : memref<10240x128xf32, #tpu.memory_space<vmem_shared>>)
      %add3A_107 = arith.constant 2 : i32
      %add3A_108 = arith.addi %mul3A_75, %add3A_107 : i32
      %mul3A_109 = arith.constant 80 : i32
      %mul3A_110 = arith.muli %add3A_108, %mul3A_109 : i32
      %dma_start3A_111 = tpu.memref_slice %arg7[%mul3A_110] : memref<10000xi32, #tpu.memory_space<vmem>> -> memref<80xi32, #tpu.memory_space<vmem>>
      %dma_start3A_112 = arith.constant 0 : i32
      %dma_start3A_113 = arith.constant 0 : i32
      %dma_start3A_114 = tpu.memref_slice %arg2[%dma_start3A_112, %dma_start3A_113] : memref<10240x128xf32, #tpu.memory_space<hbm>> -> memref<10240x128xf32, #tpu.memory_space<hbm>>
      tpu.enqueue_indirect_dma source(%dma_start3A_114 : memref<10240x128xf32, #tpu.memory_space<hbm>>) target(%arg9 : memref<80x128xf32, #tpu.memory_space<vmem>>) offsets(%dma_start3A_111 : memref<80xi32, #tpu.memory_space<vmem>>) semaphore(%arg12 : memref<!tpu.dma_semaphore, #tpu.memory_space<semaphore_mem>>)
      %dma_wait3A_115 = arith.constant 0 : i32
      %dma_wait3A_116 = arith.constant 0 : i32
      %dma_wait3A_117 = tpu.memref_slice %arg8[%dma_wait3A_115, %dma_wait3A_116] : memref<125x80xi32, #tpu.memory_space<vmem>> -> memref<1x80xi32, #tpu.memory_space<vmem>>
      %dma_wait3A_118 = tpu.memref_squeeze %dma_wait3A_117 : memref<1x80xi32, #tpu.memory_space<vmem>> -> memref<80xi32, #tpu.memory_space<vmem>>
      %dma_wait3A_119 = arith.constant 0 : i32
      %dma_wait3A_120 = arith.constant 0 : i32
      %dma_wait3A_121 = tpu.memref_slice %arg11[%dma_wait3A_119, %dma_wait3A_120] : memref<10240x128xf32, #tpu.memory_space<vmem_shared>> -> memref<10240x128xf32, #tpu.memory_space<vmem_shared>>
      tpu.wait_indirect_dma semaphore(%arg15 : memref<!tpu.dma_semaphore, #tpu.memory_space<semaphore_mem>>) src(%arg10 : memref<80x128xf32, #tpu.memory_space<vmem>>) dst(%dma_wait3A_121 : memref<10240x128xf32, #tpu.memory_space<vmem_shared>>)
      %add3A_122 = arith.constant 3 : i32
      %add3A_123 = arith.addi %mul3A_75, %add3A_122 : i32
      %mul3A_124 = arith.constant 80 : i32
      %mul3A_125 = arith.muli %add3A_123, %mul3A_124 : i32
      %dma_start3A_126 = tpu.memref_slice %arg7[%mul3A_125] : memref<10000xi32, #tpu.memory_space<vmem>> -> memref<80xi32, #tpu.memory_space<vmem>>
      %dma_start3A_127 = arith.constant 0 : i32
      %dma_start3A_128 = arith.constant 0 : i32
      %dma_start3A_129 = tpu.memref_slice %arg2[%dma_start3A_127, %dma_start3A_128] : memref<10240x128xf32, #tpu.memory_space<hbm>> -> memref<10240x128xf32, #tpu.memory_space<hbm>>
      tpu.enqueue_indirect_dma source(%dma_start3A_129 : memref<10240x128xf32, #tpu.memory_space<hbm>>) target(%arg10 : memref<80x128xf32, #tpu.memory_space<vmem>>) offsets(%dma_start3A_126 : memref<80xi32, #tpu.memory_space<vmem>>) semaphore(%arg13 : memref<!tpu.dma_semaphore, #tpu.memory_space<semaphore_mem>>)
    }
    %scan3A_20 = arith.constant 61 : i32
    %dma_wait3A = arith.constant 0 : i32
    %dma_wait3A_21 = tpu.memref_slice %arg7[%dma_wait3A] : memref<10000xi32, #tpu.memory_space<vmem>> -> memref<80xi32, #tpu.memory_space<vmem>>
    %dma_wait3A_22 = arith.constant 0 : i32
    %dma_wait3A_23 = arith.constant 0 : i32
    %dma_wait3A_24 = tpu.memref_slice %arg2[%dma_wait3A_22, %dma_wait3A_23] : memref<10240x128xf32, #tpu.memory_space<hbm>> -> memref<10240x128xf32, #tpu.memory_space<hbm>>
    tpu.wait_indirect_dma semaphore(%arg12 : memref<!tpu.dma_semaphore, #tpu.memory_space<semaphore_mem>>) src(%dma_wait3A_24 : memref<10240x128xf32, #tpu.memory_space<hbm>>) dst(%arg9 : memref<80x128xf32, #tpu.memory_space<vmem>>)
    %dma_start3A_25 = arith.constant 122 : i32
    %dma_start3A_26 = arith.constant 0 : i32
    %dma_start3A_27 = tpu.memref_slice %arg8[%dma_start3A_25, %dma_start3A_26] : memref<125x80xi32, #tpu.memory_space<vmem>> -> memref<1x80xi32, #tpu.memory_space<vmem>>
    %dma_start3A_28 = tpu.memref_squeeze %dma_start3A_27 : memref<1x80xi32, #tpu.memory_space<vmem>> -> memref<80xi32, #tpu.memory_space<vmem>>
    %dma_start3A_29 = arith.constant 0 : i32
    %dma_start3A_30 = arith.constant 0 : i32
    %dma_start3A_31 = tpu.memref_slice %arg11[%dma_start3A_29, %dma_start3A_30] : memref<10240x128xf32, #tpu.memory_space<vmem_shared>> -> memref<10240x128xf32, #tpu.memory_space<vmem_shared>>
    tpu.enqueue_indirect_dma source(%arg9 : memref<80x128xf32, #tpu.memory_space<vmem>>) target(%dma_start3A_31 : memref<10240x128xf32, #tpu.memory_space<vmem_shared>>) offsets(%dma_start3A_28 : memref<80xi32, #tpu.memory_space<vmem>>) semaphore(%arg14 : memref<!tpu.dma_semaphore, #tpu.memory_space<semaphore_mem>>) {add = true}
    %dma_wait3A_32 = arith.constant 0 : i32
    %dma_wait3A_33 = tpu.memref_slice %arg7[%dma_wait3A_32] : memref<10000xi32, #tpu.memory_space<vmem>> -> memref<80xi32, #tpu.memory_space<vmem>>
    %dma_wait3A_34 = arith.constant 0 : i32
    %dma_wait3A_35 = arith.constant 0 : i32
    %dma_wait3A_36 = tpu.memref_slice %arg2[%dma_wait3A_34, %dma_wait3A_35] : memref<10240x128xf32, #tpu.memory_space<hbm>> -> memref<10240x128xf32, #tpu.memory_space<hbm>>
    tpu.wait_indirect_dma semaphore(%arg13 : memref<!tpu.dma_semaphore, #tpu.memory_space<semaphore_mem>>) src(%dma_wait3A_36 : memref<10240x128xf32, #tpu.memory_space<hbm>>) dst(%arg10 : memref<80x128xf32, #tpu.memory_space<vmem>>)
    %dma_start3A_37 = arith.constant 123 : i32
    %dma_start3A_38 = arith.constant 0 : i32
    %dma_start3A_39 = tpu.memref_slice %arg8[%dma_start3A_37, %dma_start3A_38] : memref<125x80xi32, #tpu.memory_space<vmem>> -> memref<1x80xi32, #tpu.memory_space<vmem>>
    %dma_start3A_40 = tpu.memref_squeeze %dma_start3A_39 : memref<1x80xi32, #tpu.memory_space<vmem>> -> memref<80xi32, #tpu.memory_space<vmem>>
    %dma_start3A_41 = arith.constant 0 : i32
    %dma_start3A_42 = arith.constant 0 : i32
    %dma_start3A_43 = tpu.memref_slice %arg11[%dma_start3A_41, %dma_start3A_42] : memref<10240x128xf32, #tpu.memory_space<vmem_shared>> -> memref<10240x128xf32, #tpu.memory_space<vmem_shared>>
    tpu.enqueue_indirect_dma source(%arg10 : memref<80x128xf32, #tpu.memory_space<vmem>>) target(%dma_start3A_43 : memref<10240x128xf32, #tpu.memory_space<vmem_shared>>) offsets(%dma_start3A_40 : memref<80xi32, #tpu.memory_space<vmem>>) semaphore(%arg15 : memref<!tpu.dma_semaphore, #tpu.memory_space<semaphore_mem>>) {add = true}
    %dma_wait3A_44 = arith.constant 0 : i32
    %dma_wait3A_45 = arith.constant 0 : i32
    %dma_wait3A_46 = tpu.memref_slice %arg8[%dma_wait3A_44, %dma_wait3A_45] : memref<125x80xi32, #tpu.memory_space<vmem>> -> memref<1x80xi32, #tpu.memory_space<vmem>>
    %dma_wait3A_47 = tpu.memref_squeeze %dma_wait3A_46 : memref<1x80xi32, #tpu.memory_space<vmem>> -> memref<80xi32, #tpu.memory_space<vmem>>
    %dma_wait3A_48 = arith.constant 0 : i32
    %dma_wait3A_49 = arith.constant 0 : i32
    %dma_wait3A_50 = tpu.memref_slice %arg11[%dma_wait3A_48, %dma_wait3A_49] : memref<10240x128xf32, #tpu.memory_space<vmem_shared>> -> memref<10240x128xf32, #tpu.memory_space<vmem_shared>>
    tpu.wait_indirect_dma semaphore(%arg14 : memref<!tpu.dma_semaphore, #tpu.memory_space<semaphore_mem>>) src(%arg9 : memref<80x128xf32, #tpu.memory_space<vmem>>) dst(%dma_wait3A_50 : memref<10240x128xf32, #tpu.memory_space<vmem_shared>>)
    %dma_start3A_51 = arith.constant 9920 : i32
    %dma_start3A_52 = tpu.memref_slice %arg7[%dma_start3A_51] : memref<10000xi32, #tpu.memory_space<vmem>> -> memref<80xi32, #tpu.memory_space<vmem>>
    %dma_start3A_53 = arith.constant 0 : i32
    %dma_start3A_54 = arith.constant 0 : i32
    %dma_start3A_55 = tpu.memref_slice %arg2[%dma_start3A_53, %dma_start3A_54] : memref<10240x128xf32, #tpu.memory_space<hbm>> -> memref<10240x128xf32, #tpu.memory_space<hbm>>
    tpu.enqueue_indirect_dma source(%dma_start3A_55 : memref<10240x128xf32, #tpu.memory_space<hbm>>) target(%arg9 : memref<80x128xf32, #tpu.memory_space<vmem>>) offsets(%dma_start3A_52 : memref<80xi32, #tpu.memory_space<vmem>>) semaphore(%arg12 : memref<!tpu.dma_semaphore, #tpu.memory_space<semaphore_mem>>)
    %dma_wait3A_56 = arith.constant 0 : i32
    %dma_wait3A_57 = arith.constant 0 : i32
    %dma_wait3A_58 = tpu.memref_slice %arg8[%dma_wait3A_56, %dma_wait3A_57] : memref<125x80xi32, #tpu.memory_space<vmem>> -> memref<1x80xi32, #tpu.memory_space<vmem>>
    %dma_wait3A_59 = tpu.memref_squeeze %dma_wait3A_58 : memref<1x80xi32, #tpu.memory_space<vmem>> -> memref<80xi32, #tpu.memory_space<vmem>>
    %dma_wait3A_60 = arith.constant 0 : i32
    %dma_wait3A_61 = arith.constant 0 : i32
    %dma_wait3A_62 = tpu.memref_slice %arg11[%dma_wait3A_60, %dma_wait3A_61] : memref<10240x128xf32, #tpu.memory_space<vmem_shared>> -> memref<10240x128xf32, #tpu.memory_space<vmem_shared>>
    tpu.wait_indirect_dma semaphore(%arg15 : memref<!tpu.dma_semaphore, #tpu.memory_space<semaphore_mem>>) src(%arg10 : memref<80x128xf32, #tpu.memory_space<vmem>>) dst(%dma_wait3A_62 : memref<10240x128xf32, #tpu.memory_space<vmem_shared>>)
    %dma_wait3A_63 = arith.constant 0 : i32
    %dma_wait3A_64 = tpu.memref_slice %arg7[%dma_wait3A_63] : memref<10000xi32, #tpu.memory_space<vmem>> -> memref<80xi32, #tpu.memory_space<vmem>>
    %dma_wait3A_65 = arith.constant 0 : i32
    %dma_wait3A_66 = arith.constant 0 : i32
    %dma_wait3A_67 = tpu.memref_slice %arg2[%dma_wait3A_65, %dma_wait3A_66] : memref<10240x128xf32, #tpu.memory_space<hbm>> -> memref<10240x128xf32, #tpu.memory_space<hbm>>
    tpu.wait_indirect_dma semaphore(%arg12 : memref<!tpu.dma_semaphore, #tpu.memory_space<semaphore_mem>>) src(%dma_wait3A_67 : memref<10240x128xf32, #tpu.memory_space<hbm>>) dst(%arg9 : memref<80x128xf32, #tpu.memory_space<vmem>>)
    %run_scoped3A = arith.constant 124 : i32
    "tpu.region"() ({
      %run_scoped3A_73 = tpu.sem_alloc : memref<!tpu.dma_semaphore, #tpu.memory_space<semaphore_mem>>
      %dma_start3A_74 = arith.constant 0 : i32
      %dma_start3A_75 = tpu.memref_slice %arg8[%run_scoped3A, %dma_start3A_74] : memref<125x80xi32, #tpu.memory_space<vmem>> -> memref<1x80xi32, #tpu.memory_space<vmem>>
      %dma_start3A_76 = tpu.memref_squeeze %dma_start3A_75 : memref<1x80xi32, #tpu.memory_space<vmem>> -> memref<80xi32, #tpu.memory_space<vmem>>
      %dma_start3A_77 = arith.constant 0 : i32
      %dma_start3A_78 = arith.constant 0 : i32
      %dma_start3A_79 = tpu.memref_slice %arg11[%dma_start3A_77, %dma_start3A_78] : memref<10240x128xf32, #tpu.memory_space<vmem_shared>> -> memref<10240x128xf32, #tpu.memory_space<vmem_shared>>
      tpu.enqueue_indirect_dma source(%arg9 : memref<80x128xf32, #tpu.memory_space<vmem>>) target(%dma_start3A_79 : memref<10240x128xf32, #tpu.memory_space<vmem_shared>>) offsets(%dma_start3A_76 : memref<80xi32, #tpu.memory_space<vmem>>) semaphore(%run_scoped3A_73 : memref<!tpu.dma_semaphore, #tpu.memory_space<semaphore_mem>>) {add = true}
      %dma_wait3A_80 = arith.constant 0 : i32
      %dma_wait3A_81 = tpu.memref_slice %arg8[%run_scoped3A, %dma_wait3A_80] : memref<125x80xi32, #tpu.memory_space<vmem>> -> memref<1x80xi32, #tpu.memory_space<vmem>>
      %dma_wait3A_82 = tpu.memref_squeeze %dma_wait3A_81 : memref<1x80xi32, #tpu.memory_space<vmem>> -> memref<80xi32, #tpu.memory_space<vmem>>
      %dma_wait3A_83 = arith.constant 0 : i32
      %dma_wait3A_84 = arith.constant 0 : i32
      %dma_wait3A_85 = tpu.memref_slice %arg11[%dma_wait3A_83, %dma_wait3A_84] : memref<10240x128xf32, #tpu.memory_space<vmem_shared>> -> memref<10240x128xf32, #tpu.memory_space<vmem_shared>>
      tpu.wait_indirect_dma semaphore(%run_scoped3A_73 : memref<!tpu.dma_semaphore, #tpu.memory_space<semaphore_mem>>) src(%arg9 : memref<80x128xf32, #tpu.memory_space<vmem>>) dst(%dma_wait3A_85 : memref<10240x128xf32, #tpu.memory_space<vmem_shared>>)
      tpu.yield
    }) : () -> ()
    %barrier3A_68 = arith.constant 0 : index
    tpu.barrier barrier_id(%barrier3A_68)
    %mul3A_69 = arith.constant 640 : i32
    %mul3A_70 = arith.muli %arg1, %mul3A_69 : i32
    %mul3A_71 = arith.constant 640 : i32
    %mul3A_72 = arith.muli %arg1, %mul3A_71 : i32
    "tpu.region"() ({
      %run_scoped3A_73 = tpu.sem_alloc : memref<!tpu.dma_semaphore, #tpu.memory_space<semaphore_mem>>
      %dma_start3A_74 = arith.constant 0 : i32
      %dma_start3A_75 = tpu.memref_slice %arg6[%arg0, %mul3A_72, %dma_start3A_74] : memref<2x10240x128xf32, #tpu.memory_space<hbm>> -> memref<1x640x128xf32, #tpu.memory_space<hbm>>
      %dma_start3A_76 = tpu.memref_squeeze %dma_start3A_75 : memref<1x640x128xf32, #tpu.memory_space<hbm>> -> memref<640x128xf32, #tpu.memory_space<hbm>>
      %dma_start3A_77 = arith.constant 0 : i32
      %dma_start3A_78 = tpu.memref_slice %arg11[%mul3A_70, %dma_start3A_77] : memref<10240x128xf32, #tpu.memory_space<vmem_shared>> -> memref<640x128xf32, #tpu.memory_space<vmem_shared>>
      tpu.enqueue_dma source(%dma_start3A_78 : memref<640x128xf32, #tpu.memory_space<vmem_shared>>) target(%dma_start3A_76 : memref<640x128xf32, #tpu.memory_space<hbm>>) target_semaphore(%run_scoped3A_73 : memref<!tpu.dma_semaphore, #tpu.memory_space<semaphore_mem>>)
      %dma_wait3A_79 = arith.constant 0 : i32
      %dma_wait3A_80 = tpu.memref_slice %arg6[%arg0, %mul3A_72, %dma_wait3A_79] : memref<2x10240x128xf32, #tpu.memory_space<hbm>> -> memref<1x640x128xf32, #tpu.memory_space<hbm>>
      %dma_wait3A_81 = tpu.memref_squeeze %dma_wait3A_80 : memref<1x640x128xf32, #tpu.memory_space<hbm>> -> memref<640x128xf32, #tpu.memory_space<hbm>>
      %dma_wait3A_82 = arith.constant 0 : i32
      %dma_wait3A_83 = tpu.memref_slice %arg11[%mul3A_70, %dma_wait3A_82] : memref<10240x128xf32, #tpu.memory_space<vmem_shared>> -> memref<640x128xf32, #tpu.memory_space<vmem_shared>>
      tpu.wait_dma2 semaphore(%run_scoped3A_73 : memref<!tpu.dma_semaphore, #tpu.memory_space<semaphore_mem>>) src(%dma_wait3A_83 : memref<640x128xf32, #tpu.memory_space<vmem_shared>>) dst(%dma_wait3A_81 : memref<640x128xf32, #tpu.memory_space<hbm>>)
      tpu.yield
    }) : () -> ()
    return
  }
}

#map = affine_map<(d0, d1) -> (0, 0)>
#map1 = affine_map<(d0, d1) -> (0)>
#map2 = affine_map<(d0, d1) -> (0, 0, 0)>
module attributes {stable_mosaic.version = 14 : i64} {
  func.func @_sc_agg_body(%arg0: i32, %arg1: i32, %arg2: memref<10240x128xf32, #tpu.memory_space<hbm>>, %arg3: memref<320000xi32, #tpu.memory_space<hbm>>, %arg4: memref<32x125x80xi32, #tpu.memory_space<hbm>>, %arg5: memref<10240x128xf32, #tpu.memory_space<hbm>>, %arg6: memref<2x10240x128xf32, #tpu.memory_space<hbm>>, %arg7: memref<10000xi32, #tpu.memory_space<vmem>>, %arg8: memref<125x80xi32, #tpu.memory_space<vmem>>, %arg9: memref<80x128xf32, #tpu.memory_space<vmem>>, %arg10: memref<80x128xf32, #tpu.memory_space<vmem>>, %arg11: memref<10240x128xf32, #tpu.memory_space<vmem_shared>>, %arg12: memref<!tpu.dma_semaphore, #tpu.memory_space<semaphore_mem>>, %arg13: memref<!tpu.dma_semaphore, #tpu.memory_space<semaphore_mem>>, %arg14: memref<!tpu.dma_semaphore, #tpu.memory_space<semaphore_mem>>, %arg15: memref<!tpu.dma_semaphore, #tpu.memory_space<semaphore_mem>>) attributes {dimension_semantics = [#tpu.dimension_semantics<core_parallel>, #tpu.dimension_semantics<subcore_parallel>], iteration_bounds = array<i64: 2, 16>, scalar_prefetch = 0 : i64, scratch_operands = 9 : i64, tpu.core_type = #tpu.core_type<sc_vector_subcore>, window_params = [{transform_indices = #map}, {transform_indices = #map1}, {transform_indices = #map2}, {transform_indices = #map}, {transform_indices = #map2}]} {
    %mul3A = arith.constant 16 : i32
    %mul3A_0 = arith.muli %arg0, %mul3A : i32
    %add3A = arith.addi %mul3A_0, %arg1 : i32
    %mul3A_1 = arith.constant 640 : i32
    %mul3A_2 = arith.muli %arg1, %mul3A_1 : i32
    %mul3A_3 = arith.constant 640 : i32
    %mul3A_4 = arith.muli %arg1, %mul3A_3 : i32
    "tpu.region"() ({
      %run_scoped3A_73 = tpu.sem_alloc : memref<!tpu.dma_semaphore, #tpu.memory_space<semaphore_mem>>
      %dma_start3A_74 = arith.constant 0 : i32
      %dma_start3A_75 = tpu.memref_slice %arg11[%mul3A_4, %dma_start3A_74] : memref<10240x128xf32, #tpu.memory_space<vmem_shared>> -> memref<640x128xf32, #tpu.memory_space<vmem_shared>>
      %dma_start3A_76 = arith.constant 0 : i32
      %dma_start3A_77 = tpu.memref_slice %arg5[%mul3A_2, %dma_start3A_76] : memref<10240x128xf32, #tpu.memory_space<hbm>> -> memref<640x128xf32, #tpu.memory_space<hbm>>
      tpu.enqueue_dma source(%dma_start3A_77 : memref<640x128xf32, #tpu.memory_space<hbm>>) target(%dma_start3A_75 : memref<640x128xf32, #tpu.memory_space<vmem_shared>>) target_semaphore(%run_scoped3A_73 : memref<!tpu.dma_semaphore, #tpu.memory_space<semaphore_mem>>)
      %dma_wait3A_78 = arith.constant 0 : i32
      %dma_wait3A_79 = tpu.memref_slice %arg11[%mul3A_4, %dma_wait3A_78] : memref<10240x128xf32, #tpu.memory_space<vmem_shared>> -> memref<640x128xf32, #tpu.memory_space<vmem_shared>>
      %dma_wait3A_80 = arith.constant 0 : i32
      %dma_wait3A_81 = tpu.memref_slice %arg5[%mul3A_2, %dma_wait3A_80] : memref<10240x128xf32, #tpu.memory_space<hbm>> -> memref<640x128xf32, #tpu.memory_space<hbm>>
      tpu.wait_dma2 semaphore(%run_scoped3A_73 : memref<!tpu.dma_semaphore, #tpu.memory_space<semaphore_mem>>) src(%dma_wait3A_81 : memref<640x128xf32, #tpu.memory_space<hbm>>) dst(%dma_wait3A_79 : memref<640x128xf32, #tpu.memory_space<vmem_shared>>)
      tpu.yield
    }) : () -> ()
    %mul3A_5 = arith.constant 10000 : i32
    %mul3A_6 = arith.muli %add3A, %mul3A_5 : i32
    "tpu.region"() ({
      %run_scoped3A_73 = tpu.sem_alloc : memref<!tpu.dma_semaphore, #tpu.memory_space<semaphore_mem>>
      %dma_start3A_74 = tpu.memref_slice %arg3[%mul3A_6] : memref<320000xi32, #tpu.memory_space<hbm>> -> memref<10000xi32, #tpu.memory_space<hbm>>
      %dma_start3A_75 = tpu.memref_slice %arg3[%mul3A_6] : memref<320000xi32, #tpu.memory_space<hbm>> -> memref<10000xi32, #tpu.memory_space<hbm>>
      tpu.enqueue_dma source(%dma_start3A_75 : memref<10000xi32, #tpu.memory_space<hbm>>) target(%arg7 : memref<10000xi32, #tpu.memory_space<vmem>>) target_semaphore(%run_scoped3A_73 : memref<!tpu.dma_semaphore, #tpu.memory_space<semaphore_mem>>)
      %dma_wait3A_76 = tpu.memref_slice %arg3[%mul3A_6] : memref<320000xi32, #tpu.memory_space<hbm>> -> memref<10000xi32, #tpu.memory_space<hbm>>
      %dma_wait3A_77 = tpu.memref_slice %arg3[%mul3A_6] : memref<320000xi32, #tpu.memory_space<hbm>> -> memref<10000xi32, #tpu.memory_space<hbm>>
      tpu.wait_dma2 semaphore(%run_scoped3A_73 : memref<!tpu.dma_semaphore, #tpu.memory_space<semaphore_mem>>) src(%dma_wait3A_77 : memref<10000xi32, #tpu.memory_space<hbm>>) dst(%arg7 : memref<10000xi32, #tpu.memory_space<vmem>>)
      tpu.yield
    }) : () -> ()
    "tpu.region"() ({
      %run_scoped3A_73 = tpu.sem_alloc : memref<!tpu.dma_semaphore, #tpu.memory_space<semaphore_mem>>
      %dma_start3A_74 = arith.constant 0 : i32
      %dma_start3A_75 = arith.constant 0 : i32
      %dma_start3A_76 = tpu.memref_slice %arg4[%add3A, %dma_start3A_74, %dma_start3A_75] : memref<32x125x80xi32, #tpu.memory_space<hbm>> -> memref<1x125x80xi32, #tpu.memory_space<hbm>>
      %dma_start3A_77 = tpu.memref_squeeze %dma_start3A_76 : memref<1x125x80xi32, #tpu.memory_space<hbm>> -> memref<125x80xi32, #tpu.memory_space<hbm>>
      %dma_start3A_78 = arith.constant 0 : i32
      %dma_start3A_79 = arith.constant 0 : i32
      %dma_start3A_80 = tpu.memref_slice %arg4[%add3A, %dma_start3A_78, %dma_start3A_79] : memref<32x125x80xi32, #tpu.memory_space<hbm>> -> memref<1x125x80xi32, #tpu.memory_space<hbm>>
      %dma_start3A_81 = tpu.memref_squeeze %dma_start3A_80 : memref<1x125x80xi32, #tpu.memory_space<hbm>> -> memref<125x80xi32, #tpu.memory_space<hbm>>
      tpu.enqueue_dma source(%dma_start3A_81 : memref<125x80xi32, #tpu.memory_space<hbm>>) target(%arg8 : memref<125x80xi32, #tpu.memory_space<vmem>>) target_semaphore(%run_scoped3A_73 : memref<!tpu.dma_semaphore, #tpu.memory_space<semaphore_mem>>)
      %dma_wait3A_82 = arith.constant 0 : i32
      %dma_wait3A_83 = arith.constant 0 : i32
      %dma_wait3A_84 = tpu.memref_slice %arg4[%add3A, %dma_wait3A_82, %dma_wait3A_83] : memref<32x125x80xi32, #tpu.memory_space<hbm>> -> memref<1x125x80xi32, #tpu.memory_space<hbm>>
      %dma_wait3A_85 = tpu.memref_squeeze %dma_wait3A_84 : memref<1x125x80xi32, #tpu.memory_space<hbm>> -> memref<125x80xi32, #tpu.memory_space<hbm>>
      %dma_wait3A_86 = arith.constant 0 : i32
      %dma_wait3A_87 = arith.constant 0 : i32
      %dma_wait3A_88 = tpu.memref_slice %arg4[%add3A, %dma_wait3A_86, %dma_wait3A_87] : memref<32x125x80xi32, #tpu.memory_space<hbm>> -> memref<1x125x80xi32, #tpu.memory_space<hbm>>
      %dma_wait3A_89 = tpu.memref_squeeze %dma_wait3A_88 : memref<1x125x80xi32, #tpu.memory_space<hbm>> -> memref<125x80xi32, #tpu.memory_space<hbm>>
      tpu.wait_dma2 semaphore(%run_scoped3A_73 : memref<!tpu.dma_semaphore, #tpu.memory_space<semaphore_mem>>) src(%dma_wait3A_89 : memref<125x80xi32, #tpu.memory_space<hbm>>) dst(%arg8 : memref<125x80xi32, #tpu.memory_space<vmem>>)
      tpu.yield
    }) : () -> ()
    %barrier3A = arith.constant 0 : index
    tpu.barrier barrier_id(%barrier3A)
    %dma_start3A = arith.constant 0 : i32
    %dma_start3A_7 = tpu.memref_slice %arg7[%dma_start3A] : memref<10000xi32, #tpu.memory_space<vmem>> -> memref<80xi32, #tpu.memory_space<vmem>>
    %dma_start3A_8 = arith.constant 0 : i32
    %dma_start3A_9 = arith.constant 0 : i32
    %dma_start3A_10 = tpu.memref_slice %arg2[%dma_start3A_8, %dma_start3A_9] : memref<10240x128xf32, #tpu.memory_space<hbm>> -> memref<10240x128xf32, #tpu.memory_space<hbm>>
    tpu.enqueue_indirect_dma source(%dma_start3A_10 : memref<10240x128xf32, #tpu.memory_space<hbm>>) target(%arg9 : memref<80x128xf32, #tpu.memory_space<vmem>>) offsets(%dma_start3A_7 : memref<80xi32, #tpu.memory_space<vmem>>) semaphore(%arg12 : memref<!tpu.dma_semaphore, #tpu.memory_space<semaphore_mem>>)
    %dma_start3A_11 = arith.constant 80 : i32
    %dma_start3A_12 = tpu.memref_slice %arg7[%dma_start3A_11] : memref<10000xi32, #tpu.memory_space<vmem>> -> memref<80xi32, #tpu.memory_space<vmem>>
    %dma_start3A_13 = arith.constant 0 : i32
    %dma_start3A_14 = arith.constant 0 : i32
    %dma_start3A_15 = tpu.memref_slice %arg2[%dma_start3A_13, %dma_start3A_14] : memref<10240x128xf32, #tpu.memory_space<hbm>> -> memref<10240x128xf32, #tpu.memory_space<hbm>>
    tpu.enqueue_indirect_dma source(%dma_start3A_15 : memref<10240x128xf32, #tpu.memory_space<hbm>>) target(%arg10 : memref<80x128xf32, #tpu.memory_space<vmem>>) offsets(%dma_start3A_12 : memref<80xi32, #tpu.memory_space<vmem>>) semaphore(%arg13 : memref<!tpu.dma_semaphore, #tpu.memory_space<semaphore_mem>>)
    %scan3A = arith.constant 0 : i32
    %scan3A_16 = arith.constant 0 : i32
    %scan3A_17 = arith.constant 61 : i32
    %scan3A_18 = arith.addi %scan3A_16, %scan3A_17 : i32
    %scan3A_19 = arith.constant 1 : i32
    scf.for %scan3A_73 = %scan3A_16 to %scan3A_18 step %scan3A_19  : i32 {
      %mul3A_74 = arith.constant 2 : i32
      %mul3A_75 = arith.muli %mul3A_74, %scan3A_73 : i32
      %dma_wait3A_76 = arith.constant 0 : i32
      %dma_wait3A_77 = tpu.memref_slice %arg7[%dma_wait3A_76] : memref<10000xi32, #tpu.memory_space<vmem>> -> memref<80xi32, #tpu.memory_space<vmem>>
      %dma_wait3A_78 = arith.constant 0 : i32
      %dma_wait3A_79 = arith.constant 0 : i32
      %dma_wait3A_80 = tpu.memref_slice %arg2[%dma_wait3A_78, %dma_wait3A_79] : memref<10240x128xf32, #tpu.memory_space<hbm>> -> memref<10240x128xf32, #tpu.memory_space<hbm>>
      tpu.wait_indirect_dma semaphore(%arg12 : memref<!tpu.dma_semaphore, #tpu.memory_space<semaphore_mem>>) src(%dma_wait3A_80 : memref<10240x128xf32, #tpu.memory_space<hbm>>) dst(%arg9 : memref<80x128xf32, #tpu.memory_space<vmem>>)
      %dma_start3A_81 = arith.constant 0 : i32
      %dma_start3A_82 = tpu.memref_slice %arg8[%mul3A_75, %dma_start3A_81] : memref<125x80xi32, #tpu.memory_space<vmem>> -> memref<1x80xi32, #tpu.memory_space<vmem>>
      %dma_start3A_83 = tpu.memref_squeeze %dma_start3A_82 : memref<1x80xi32, #tpu.memory_space<vmem>> -> memref<80xi32, #tpu.memory_space<vmem>>
      %dma_start3A_84 = arith.constant 0 : i32
      %dma_start3A_85 = arith.constant 0 : i32
      %dma_start3A_86 = tpu.memref_slice %arg11[%dma_start3A_84, %dma_start3A_85] : memref<10240x128xf32, #tpu.memory_space<vmem_shared>> -> memref<10240x128xf32, #tpu.memory_space<vmem_shared>>
      tpu.enqueue_indirect_dma source(%arg9 : memref<80x128xf32, #tpu.memory_space<vmem>>) target(%dma_start3A_86 : memref<10240x128xf32, #tpu.memory_space<vmem_shared>>) offsets(%dma_start3A_83 : memref<80xi32, #tpu.memory_space<vmem>>) semaphore(%arg14 : memref<!tpu.dma_semaphore, #tpu.memory_space<semaphore_mem>>) {add = true}
      %dma_wait3A_87 = arith.constant 0 : i32
      %dma_wait3A_88 = tpu.memref_slice %arg7[%dma_wait3A_87] : memref<10000xi32, #tpu.memory_space<vmem>> -> memref<80xi32, #tpu.memory_space<vmem>>
      %dma_wait3A_89 = arith.constant 0 : i32
      %dma_wait3A_90 = arith.constant 0 : i32
      %dma_wait3A_91 = tpu.memref_slice %arg2[%dma_wait3A_89, %dma_wait3A_90] : memref<10240x128xf32, #tpu.memory_space<hbm>> -> memref<10240x128xf32, #tpu.memory_space<hbm>>
      tpu.wait_indirect_dma semaphore(%arg13 : memref<!tpu.dma_semaphore, #tpu.memory_space<semaphore_mem>>) src(%dma_wait3A_91 : memref<10240x128xf32, #tpu.memory_space<hbm>>) dst(%arg10 : memref<80x128xf32, #tpu.memory_space<vmem>>)
      %add3A_92 = arith.constant 1 : i32
      %add3A_93 = arith.addi %mul3A_75, %add3A_92 : i32
      %dma_start3A_94 = arith.constant 0 : i32
      %dma_start3A_95 = tpu.memref_slice %arg8[%add3A_93, %dma_start3A_94] : memref<125x80xi32, #tpu.memory_space<vmem>> -> memref<1x80xi32, #tpu.memory_space<vmem>>
      %dma_start3A_96 = tpu.memref_squeeze %dma_start3A_95 : memref<1x80xi32, #tpu.memory_space<vmem>> -> memref<80xi32, #tpu.memory_space<vmem>>
      %dma_start3A_97 = arith.constant 0 : i32
      %dma_start3A_98 = arith.constant 0 : i32
      %dma_start3A_99 = tpu.memref_slice %arg11[%dma_start3A_97, %dma_start3A_98] : memref<10240x128xf32, #tpu.memory_space<vmem_shared>> -> memref<10240x128xf32, #tpu.memory_space<vmem_shared>>
      tpu.enqueue_indirect_dma source(%arg10 : memref<80x128xf32, #tpu.memory_space<vmem>>) target(%dma_start3A_99 : memref<10240x128xf32, #tpu.memory_space<vmem_shared>>) offsets(%dma_start3A_96 : memref<80xi32, #tpu.memory_space<vmem>>) semaphore(%arg15 : memref<!tpu.dma_semaphore, #tpu.memory_space<semaphore_mem>>) {add = true}
      %dma_wait3A_100 = arith.constant 0 : i32
      %dma_wait3A_101 = arith.constant 0 : i32
      %dma_wait3A_102 = tpu.memref_slice %arg8[%dma_wait3A_100, %dma_wait3A_101] : memref<125x80xi32, #tpu.memory_space<vmem>> -> memref<1x80xi32, #tpu.memory_space<vmem>>
      %dma_wait3A_103 = tpu.memref_squeeze %dma_wait3A_102 : memref<1x80xi32, #tpu.memory_space<vmem>> -> memref<80xi32, #tpu.memory_space<vmem>>
      %dma_wait3A_104 = arith.constant 0 : i32
      %dma_wait3A_105 = arith.constant 0 : i32
      %dma_wait3A_106 = tpu.memref_slice %arg11[%dma_wait3A_104, %dma_wait3A_105] : memref<10240x128xf32, #tpu.memory_space<vmem_shared>> -> memref<10240x128xf32, #tpu.memory_space<vmem_shared>>
      tpu.wait_indirect_dma semaphore(%arg14 : memref<!tpu.dma_semaphore, #tpu.memory_space<semaphore_mem>>) src(%arg9 : memref<80x128xf32, #tpu.memory_space<vmem>>) dst(%dma_wait3A_106 : memref<10240x128xf32, #tpu.memory_space<vmem_shared>>)
      %add3A_107 = arith.constant 2 : i32
      %add3A_108 = arith.addi %mul3A_75, %add3A_107 : i32
      %mul3A_109 = arith.constant 80 : i32
      %mul3A_110 = arith.muli %add3A_108, %mul3A_109 : i32
      %dma_start3A_111 = tpu.memref_slice %arg7[%mul3A_110] : memref<10000xi32, #tpu.memory_space<vmem>> -> memref<80xi32, #tpu.memory_space<vmem>>
      %dma_start3A_112 = arith.constant 0 : i32
      %dma_start3A_113 = arith.constant 0 : i32
      %dma_start3A_114 = tpu.memref_slice %arg2[%dma_start3A_112, %dma_start3A_113] : memref<10240x128xf32, #tpu.memory_space<hbm>> -> memref<10240x128xf32, #tpu.memory_space<hbm>>
      tpu.enqueue_indirect_dma source(%dma_start3A_114 : memref<10240x128xf32, #tpu.memory_space<hbm>>) target(%arg9 : memref<80x128xf32, #tpu.memory_space<vmem>>) offsets(%dma_start3A_111 : memref<80xi32, #tpu.memory_space<vmem>>) semaphore(%arg12 : memref<!tpu.dma_semaphore, #tpu.memory_space<semaphore_mem>>)
      %dma_wait3A_115 = arith.constant 0 : i32
      %dma_wait3A_116 = arith.constant 0 : i32
      %dma_wait3A_117 = tpu.memref_slice %arg8[%dma_wait3A_115, %dma_wait3A_116] : memref<125x80xi32, #tpu.memory_space<vmem>> -> memref<1x80xi32, #tpu.memory_space<vmem>>
      %dma_wait3A_118 = tpu.memref_squeeze %dma_wait3A_117 : memref<1x80xi32, #tpu.memory_space<vmem>> -> memref<80xi32, #tpu.memory_space<vmem>>
      %dma_wait3A_119 = arith.constant 0 : i32
      %dma_wait3A_120 = arith.constant 0 : i32
      %dma_wait3A_121 = tpu.memref_slice %arg11[%dma_wait3A_119, %dma_wait3A_120] : memref<10240x128xf32, #tpu.memory_space<vmem_shared>> -> memref<10240x128xf32, #tpu.memory_space<vmem_shared>>
      tpu.wait_indirect_dma semaphore(%arg15 : memref<!tpu.dma_semaphore, #tpu.memory_space<semaphore_mem>>) src(%arg10 : memref<80x128xf32, #tpu.memory_space<vmem>>) dst(%dma_wait3A_121 : memref<10240x128xf32, #tpu.memory_space<vmem_shared>>)
      %add3A_122 = arith.constant 3 : i32
      %add3A_123 = arith.addi %mul3A_75, %add3A_122 : i32
      %mul3A_124 = arith.constant 80 : i32
      %mul3A_125 = arith.muli %add3A_123, %mul3A_124 : i32
      %dma_start3A_126 = tpu.memref_slice %arg7[%mul3A_125] : memref<10000xi32, #tpu.memory_space<vmem>> -> memref<80xi32, #tpu.memory_space<vmem>>
      %dma_start3A_127 = arith.constant 0 : i32
      %dma_start3A_128 = arith.constant 0 : i32
      %dma_start3A_129 = tpu.memref_slice %arg2[%dma_start3A_127, %dma_start3A_128] : memref<10240x128xf32, #tpu.memory_space<hbm>> -> memref<10240x128xf32, #tpu.memory_space<hbm>>
      tpu.enqueue_indirect_dma source(%dma_start3A_129 : memref<10240x128xf32, #tpu.memory_space<hbm>>) target(%arg10 : memref<80x128xf32, #tpu.memory_space<vmem>>) offsets(%dma_start3A_126 : memref<80xi32, #tpu.memory_space<vmem>>) semaphore(%arg13 : memref<!tpu.dma_semaphore, #tpu.memory_space<semaphore_mem>>)
    }
    %scan3A_20 = arith.constant 61 : i32
    %dma_wait3A = arith.constant 0 : i32
    %dma_wait3A_21 = tpu.memref_slice %arg7[%dma_wait3A] : memref<10000xi32, #tpu.memory_space<vmem>> -> memref<80xi32, #tpu.memory_space<vmem>>
    %dma_wait3A_22 = arith.constant 0 : i32
    %dma_wait3A_23 = arith.constant 0 : i32
    %dma_wait3A_24 = tpu.memref_slice %arg2[%dma_wait3A_22, %dma_wait3A_23] : memref<10240x128xf32, #tpu.memory_space<hbm>> -> memref<10240x128xf32, #tpu.memory_space<hbm>>
    tpu.wait_indirect_dma semaphore(%arg12 : memref<!tpu.dma_semaphore, #tpu.memory_space<semaphore_mem>>) src(%dma_wait3A_24 : memref<10240x128xf32, #tpu.memory_space<hbm>>) dst(%arg9 : memref<80x128xf32, #tpu.memory_space<vmem>>)
    %dma_start3A_25 = arith.constant 122 : i32
    %dma_start3A_26 = arith.constant 0 : i32
    %dma_start3A_27 = tpu.memref_slice %arg8[%dma_start3A_25, %dma_start3A_26] : memref<125x80xi32, #tpu.memory_space<vmem>> -> memref<1x80xi32, #tpu.memory_space<vmem>>
    %dma_start3A_28 = tpu.memref_squeeze %dma_start3A_27 : memref<1x80xi32, #tpu.memory_space<vmem>> -> memref<80xi32, #tpu.memory_space<vmem>>
    %dma_start3A_29 = arith.constant 0 : i32
    %dma_start3A_30 = arith.constant 0 : i32
    %dma_start3A_31 = tpu.memref_slice %arg11[%dma_start3A_29, %dma_start3A_30] : memref<10240x128xf32, #tpu.memory_space<vmem_shared>> -> memref<10240x128xf32, #tpu.memory_space<vmem_shared>>
    tpu.enqueue_indirect_dma source(%arg9 : memref<80x128xf32, #tpu.memory_space<vmem>>) target(%dma_start3A_31 : memref<10240x128xf32, #tpu.memory_space<vmem_shared>>) offsets(%dma_start3A_28 : memref<80xi32, #tpu.memory_space<vmem>>) semaphore(%arg14 : memref<!tpu.dma_semaphore, #tpu.memory_space<semaphore_mem>>) {add = true}
    %dma_wait3A_32 = arith.constant 0 : i32
    %dma_wait3A_33 = tpu.memref_slice %arg7[%dma_wait3A_32] : memref<10000xi32, #tpu.memory_space<vmem>> -> memref<80xi32, #tpu.memory_space<vmem>>
    %dma_wait3A_34 = arith.constant 0 : i32
    %dma_wait3A_35 = arith.constant 0 : i32
    %dma_wait3A_36 = tpu.memref_slice %arg2[%dma_wait3A_34, %dma_wait3A_35] : memref<10240x128xf32, #tpu.memory_space<hbm>> -> memref<10240x128xf32, #tpu.memory_space<hbm>>
    tpu.wait_indirect_dma semaphore(%arg13 : memref<!tpu.dma_semaphore, #tpu.memory_space<semaphore_mem>>) src(%dma_wait3A_36 : memref<10240x128xf32, #tpu.memory_space<hbm>>) dst(%arg10 : memref<80x128xf32, #tpu.memory_space<vmem>>)
    %dma_start3A_37 = arith.constant 123 : i32
    %dma_start3A_38 = arith.constant 0 : i32
    %dma_start3A_39 = tpu.memref_slice %arg8[%dma_start3A_37, %dma_start3A_38] : memref<125x80xi32, #tpu.memory_space<vmem>> -> memref<1x80xi32, #tpu.memory_space<vmem>>
    %dma_start3A_40 = tpu.memref_squeeze %dma_start3A_39 : memref<1x80xi32, #tpu.memory_space<vmem>> -> memref<80xi32, #tpu.memory_space<vmem>>
    %dma_start3A_41 = arith.constant 0 : i32
    %dma_start3A_42 = arith.constant 0 : i32
    %dma_start3A_43 = tpu.memref_slice %arg11[%dma_start3A_41, %dma_start3A_42] : memref<10240x128xf32, #tpu.memory_space<vmem_shared>> -> memref<10240x128xf32, #tpu.memory_space<vmem_shared>>
    tpu.enqueue_indirect_dma source(%arg10 : memref<80x128xf32, #tpu.memory_space<vmem>>) target(%dma_start3A_43 : memref<10240x128xf32, #tpu.memory_space<vmem_shared>>) offsets(%dma_start3A_40 : memref<80xi32, #tpu.memory_space<vmem>>) semaphore(%arg15 : memref<!tpu.dma_semaphore, #tpu.memory_space<semaphore_mem>>) {add = true}
    %dma_wait3A_44 = arith.constant 0 : i32
    %dma_wait3A_45 = arith.constant 0 : i32
    %dma_wait3A_46 = tpu.memref_slice %arg8[%dma_wait3A_44, %dma_wait3A_45] : memref<125x80xi32, #tpu.memory_space<vmem>> -> memref<1x80xi32, #tpu.memory_space<vmem>>
    %dma_wait3A_47 = tpu.memref_squeeze %dma_wait3A_46 : memref<1x80xi32, #tpu.memory_space<vmem>> -> memref<80xi32, #tpu.memory_space<vmem>>
    %dma_wait3A_48 = arith.constant 0 : i32
    %dma_wait3A_49 = arith.constant 0 : i32
    %dma_wait3A_50 = tpu.memref_slice %arg11[%dma_wait3A_48, %dma_wait3A_49] : memref<10240x128xf32, #tpu.memory_space<vmem_shared>> -> memref<10240x128xf32, #tpu.memory_space<vmem_shared>>
    tpu.wait_indirect_dma semaphore(%arg14 : memref<!tpu.dma_semaphore, #tpu.memory_space<semaphore_mem>>) src(%arg9 : memref<80x128xf32, #tpu.memory_space<vmem>>) dst(%dma_wait3A_50 : memref<10240x128xf32, #tpu.memory_space<vmem_shared>>)
    %dma_start3A_51 = arith.constant 9920 : i32
    %dma_start3A_52 = tpu.memref_slice %arg7[%dma_start3A_51] : memref<10000xi32, #tpu.memory_space<vmem>> -> memref<80xi32, #tpu.memory_space<vmem>>
    %dma_start3A_53 = arith.constant 0 : i32
    %dma_start3A_54 = arith.constant 0 : i32
    %dma_start3A_55 = tpu.memref_slice %arg2[%dma_start3A_53, %dma_start3A_54] : memref<10240x128xf32, #tpu.memory_space<hbm>> -> memref<10240x128xf32, #tpu.memory_space<hbm>>
    tpu.enqueue_indirect_dma source(%dma_start3A_55 : memref<10240x128xf32, #tpu.memory_space<hbm>>) target(%arg9 : memref<80x128xf32, #tpu.memory_space<vmem>>) offsets(%dma_start3A_52 : memref<80xi32, #tpu.memory_space<vmem>>) semaphore(%arg12 : memref<!tpu.dma_semaphore, #tpu.memory_space<semaphore_mem>>)
    %dma_wait3A_56 = arith.constant 0 : i32
    %dma_wait3A_57 = arith.constant 0 : i32
    %dma_wait3A_58 = tpu.memref_slice %arg8[%dma_wait3A_56, %dma_wait3A_57] : memref<125x80xi32, #tpu.memory_space<vmem>> -> memref<1x80xi32, #tpu.memory_space<vmem>>
    %dma_wait3A_59 = tpu.memref_squeeze %dma_wait3A_58 : memref<1x80xi32, #tpu.memory_space<vmem>> -> memref<80xi32, #tpu.memory_space<vmem>>
    %dma_wait3A_60 = arith.constant 0 : i32
    %dma_wait3A_61 = arith.constant 0 : i32
    %dma_wait3A_62 = tpu.memref_slice %arg11[%dma_wait3A_60, %dma_wait3A_61] : memref<10240x128xf32, #tpu.memory_space<vmem_shared>> -> memref<10240x128xf32, #tpu.memory_space<vmem_shared>>
    tpu.wait_indirect_dma semaphore(%arg15 : memref<!tpu.dma_semaphore, #tpu.memory_space<semaphore_mem>>) src(%arg10 : memref<80x128xf32, #tpu.memory_space<vmem>>) dst(%dma_wait3A_62 : memref<10240x128xf32, #tpu.memory_space<vmem_shared>>)
    %dma_wait3A_63 = arith.constant 0 : i32
    %dma_wait3A_64 = tpu.memref_slice %arg7[%dma_wait3A_63] : memref<10000xi32, #tpu.memory_space<vmem>> -> memref<80xi32, #tpu.memory_space<vmem>>
    %dma_wait3A_65 = arith.constant 0 : i32
    %dma_wait3A_66 = arith.constant 0 : i32
    %dma_wait3A_67 = tpu.memref_slice %arg2[%dma_wait3A_65, %dma_wait3A_66] : memref<10240x128xf32, #tpu.memory_space<hbm>> -> memref<10240x128xf32, #tpu.memory_space<hbm>>
    tpu.wait_indirect_dma semaphore(%arg12 : memref<!tpu.dma_semaphore, #tpu.memory_space<semaphore_mem>>) src(%dma_wait3A_67 : memref<10240x128xf32, #tpu.memory_space<hbm>>) dst(%arg9 : memref<80x128xf32, #tpu.memory_space<vmem>>)
    %run_scoped3A = arith.constant 124 : i32
    "tpu.region"() ({
      %run_scoped3A_73 = tpu.sem_alloc : memref<!tpu.dma_semaphore, #tpu.memory_space<semaphore_mem>>
      %dma_start3A_74 = arith.constant 0 : i32
      %dma_start3A_75 = tpu.memref_slice %arg8[%run_scoped3A, %dma_start3A_74] : memref<125x80xi32, #tpu.memory_space<vmem>> -> memref<1x80xi32, #tpu.memory_space<vmem>>
      %dma_start3A_76 = tpu.memref_squeeze %dma_start3A_75 : memref<1x80xi32, #tpu.memory_space<vmem>> -> memref<80xi32, #tpu.memory_space<vmem>>
      %dma_start3A_77 = arith.constant 0 : i32
      %dma_start3A_78 = arith.constant 0 : i32
      %dma_start3A_79 = tpu.memref_slice %arg11[%dma_start3A_77, %dma_start3A_78] : memref<10240x128xf32, #tpu.memory_space<vmem_shared>> -> memref<10240x128xf32, #tpu.memory_space<vmem_shared>>
      tpu.enqueue_indirect_dma source(%arg9 : memref<80x128xf32, #tpu.memory_space<vmem>>) target(%dma_start3A_79 : memref<10240x128xf32, #tpu.memory_space<vmem_shared>>) offsets(%dma_start3A_76 : memref<80xi32, #tpu.memory_space<vmem>>) semaphore(%run_scoped3A_73 : memref<!tpu.dma_semaphore, #tpu.memory_space<semaphore_mem>>) {add = true}
      %dma_wait3A_80 = arith.constant 0 : i32
      %dma_wait3A_81 = tpu.memref_slice %arg8[%run_scoped3A, %dma_wait3A_80] : memref<125x80xi32, #tpu.memory_space<vmem>> -> memref<1x80xi32, #tpu.memory_space<vmem>>
      %dma_wait3A_82 = tpu.memref_squeeze %dma_wait3A_81 : memref<1x80xi32, #tpu.memory_space<vmem>> -> memref<80xi32, #tpu.memory_space<vmem>>
      %dma_wait3A_83 = arith.constant 0 : i32
      %dma_wait3A_84 = arith.constant 0 : i32
      %dma_wait3A_85 = tpu.memref_slice %arg11[%dma_wait3A_83, %dma_wait3A_84] : memref<10240x128xf32, #tpu.memory_space<vmem_shared>> -> memref<10240x128xf32, #tpu.memory_space<vmem_shared>>
      tpu.wait_indirect_dma semaphore(%run_scoped3A_73 : memref<!tpu.dma_semaphore, #tpu.memory_space<semaphore_mem>>) src(%arg9 : memref<80x128xf32, #tpu.memory_space<vmem>>) dst(%dma_wait3A_85 : memref<10240x128xf32, #tpu.memory_space<vmem_shared>>)
      tpu.yield
    }) : () -> ()
    %barrier3A_68 = arith.constant 0 : index
    tpu.barrier barrier_id(%barrier3A_68)
    %mul3A_69 = arith.constant 640 : i32
    %mul3A_70 = arith.muli %arg1, %mul3A_69 : i32
    %mul3A_71 = arith.constant 640 : i32
    %mul3A_72 = arith.muli %arg1, %mul3A_71 : i32
    "tpu.region"() ({
      %run_scoped3A_73 = tpu.sem_alloc : memref<!tpu.dma_semaphore, #tpu.memory_space<semaphore_mem>>
      %dma_start3A_74 = arith.constant 0 : i32
      %dma_start3A_75 = tpu.memref_slice %arg6[%arg0, %mul3A_72, %dma_start3A_74] : memref<2x10240x128xf32, #tpu.memory_space<hbm>> -> memref<1x640x128xf32, #tpu.memory_space<hbm>>
      %dma_start3A_76 = tpu.memref_squeeze %dma_start3A_75 : memref<1x640x128xf32, #tpu.memory_space<hbm>> -> memref<640x128xf32, #tpu.memory_space<hbm>>
      %dma_start3A_77 = arith.constant 0 : i32
      %dma_start3A_78 = tpu.memref_slice %arg11[%mul3A_70, %dma_start3A_77] : memref<10240x128xf32, #tpu.memory_space<vmem_shared>> -> memref<640x128xf32, #tpu.memory_space<vmem_shared>>
      tpu.enqueue_dma source(%dma_start3A_78 : memref<640x128xf32, #tpu.memory_space<vmem_shared>>) target(%dma_start3A_76 : memref<640x128xf32, #tpu.memory_space<hbm>>) target_semaphore(%run_scoped3A_73 : memref<!tpu.dma_semaphore, #tpu.memory_space<semaphore_mem>>)
      %dma_wait3A_79 = arith.constant 0 : i32
      %dma_wait3A_80 = tpu.memref_slice %arg6[%arg0, %mul3A_72, %dma_wait3A_79] : memref<2x10240x128xf32, #tpu.memory_space<hbm>> -> memref<1x640x128xf32, #tpu.memory_space<hbm>>
      %dma_wait3A_81 = tpu.memref_squeeze %dma_wait3A_80 : memref<1x640x128xf32, #tpu.memory_space<hbm>> -> memref<640x128xf32, #tpu.memory_space<hbm>>
      %dma_wait3A_82 = arith.constant 0 : i32
      %dma_wait3A_83 = tpu.memref_slice %arg11[%mul3A_70, %dma_wait3A_82] : memref<10240x128xf32, #tpu.memory_space<vmem_shared>> -> memref<640x128xf32, #tpu.memory_space<vmem_shared>>
      tpu.wait_dma2 semaphore(%run_scoped3A_73 : memref<!tpu.dma_semaphore, #tpu.memory_space<semaphore_mem>>) src(%dma_wait3A_83 : memref<640x128xf32, #tpu.memory_space<vmem_shared>>) dst(%dma_wait3A_81 : memref<640x128xf32, #tpu.memory_space<hbm>>)
      tpu.yield
    }) : () -> ()
    return
  }
}

module attributes {stable_mosaic.version = 14 : i64} {
  func.func @_lin_body(%arg0: i32, %arg1: memref<5120x128xf32, #tpu.memory_space<vmem>>, %arg2: memref<128x128xf32, #tpu.memory_space<vmem>>, %arg3: memref<1x128xf32, #tpu.memory_space<vmem>>, %arg4: memref<5120x128xf32, #tpu.memory_space<vmem>>) attributes {dimension_semantics = [#tpu.dimension_semantics<arbitrary>], iteration_bounds = array<i64: 2>, scalar_prefetch = 0 : i64, scratch_operands = 0 : i64, tpu.core_type = #tpu.core_type<tc>, window_params = [{transform_indices = @transform_0, window_bounds = array<i64: 5120, 128>}, {pipeline_mode = #tpu.pipeline_mode<synchronous>, transform_indices = @transform_1, window_bounds = array<i64: 128, 128>}, {pipeline_mode = #tpu.pipeline_mode<synchronous>, transform_indices = @transform_2, window_bounds = array<i64: 1, 128>}, {transform_indices = @transform_3, window_bounds = array<i64: 5120, 128>}]} {
    %get3A = arith.constant 0 : index
    %get3A_0 = arith.constant 0 : index
    %get3A_1 = vector.load %arg1[%get3A, %get3A_0] : memref<5120x128xf32, #tpu.memory_space<vmem>>, vector<5120x128xf32>
    %get3A_2 = arith.constant 0 : index
    %get3A_3 = arith.constant 0 : index
    %get3A_4 = vector.load %arg2[%get3A_2, %get3A_3] : memref<128x128xf32, #tpu.memory_space<vmem>>, vector<128x128xf32>
    %dot_general3A = arith.constant dense<0.000000e+00> : vector<5120x128xf32>
    %dot_general3A_5 = tpu.matmul %get3A_1, %get3A_4, %dot_general3A {dimension_numbers = #tpu.dot_dimension_numbers<[1], [0], [0], [1], [0, 0, 1, 1], [], []>, transpose_lhs_hint = false} : vector<5120x128xf32>, vector<128x128xf32>, vector<5120x128xf32> -> vector<5120x128xf32>
    %get3A_6 = arith.constant 0 : index
    %get3A_7 = arith.constant 0 : index
    %get3A_8 = vector.load %arg3[%get3A_6, %get3A_7] : memref<1x128xf32, #tpu.memory_space<vmem>>, vector<1x128xf32>
    %add3A = vector.broadcast %get3A_8 : vector<1x128xf32> to vector<5120x128xf32>
    %add3A_9 = arith.addf %dot_general3A_5, %add3A : vector<5120x128xf32>
    %swap3A = arith.constant 0 : index
    %swap3A_10 = arith.constant 0 : index
    %swap3A_11 = vector.load %arg4[%swap3A, %swap3A_10] : memref<5120x128xf32, #tpu.memory_space<vmem>>, vector<5120x128xf32>
    tpu.vector_store %arg4[%swap3A, %swap3A_10], %add3A_9 {strides = array<i32>} : memref<5120x128xf32, #tpu.memory_space<vmem>>, vector<5120x128xf32>,
    return
  }
  func.func @transform_0(%arg0: i32) -> (i32, i32) {
    %c0_i32 = arith.constant 0 : i32
    %c0_i32_0 = arith.constant 0 : i32
    return %arg0, %c0_i32 : i32, i32
  }
  func.func @transform_1(%arg0: i32) -> (i32, i32) {
    %c0_i32 = arith.constant 0 : i32
    %c0_i32_0 = arith.constant 0 : i32
    %c0_i32_1 = arith.constant 0 : i32
    return %c0_i32, %c0_i32_0 : i32, i32
  }
  func.func @transform_2(%arg0: i32) -> (i32, i32) {
    %c0_i32 = arith.constant 0 : i32
    %c0_i32_0 = arith.constant 0 : i32
    %c0_i32_1 = arith.constant 0 : i32
    return %c0_i32, %c0_i32_0 : i32, i32
  }
  func.func @transform_3(%arg0: i32) -> (i32, i32) {
    %c0_i32 = arith.constant 0 : i32
    %c0_i32_0 = arith.constant 0 : i32
    return %arg0, %c0_i32 : i32, i32
  }
}

module attributes {stable_mosaic.version = 14 : i64} {
  func.func @_upd_lin_body(%arg0: i32, %arg1: memref<2x5120x128xf32, #tpu.memory_space<vmem>>, %arg2: memref<2x5120x128xf32, #tpu.memory_space<vmem>>, %arg3: memref<5120x128xf32, #tpu.memory_space<vmem>>, %arg4: memref<128x128xf32, #tpu.memory_space<vmem>>, %arg5: memref<1x128xf32, #tpu.memory_space<vmem>>, %arg6: memref<1x128xf32, #tpu.memory_space<vmem>>, %arg7: memref<1x128xf32, #tpu.memory_space<vmem>>, %arg8: memref<128x128xf32, #tpu.memory_space<vmem>>, %arg9: memref<1x128xf32, #tpu.memory_space<vmem>>, %arg10: memref<5120x128xf32, #tpu.memory_space<vmem>>, %arg11: memref<5120x128xf32, #tpu.memory_space<vmem>>) attributes {dimension_semantics = [#tpu.dimension_semantics<arbitrary>], iteration_bounds = array<i64: 2>, scalar_prefetch = 0 : i64, scratch_operands = 0 : i64, tpu.core_type = #tpu.core_type<tc>, window_params = [{transform_indices = @transform_0, window_bounds = array<i64: 2, 5120, 128>}, {transform_indices = @transform_1, window_bounds = array<i64: 2, 5120, 128>}, {transform_indices = @transform_2, window_bounds = array<i64: 5120, 128>}, {pipeline_mode = #tpu.pipeline_mode<synchronous>, transform_indices = @transform_3, window_bounds = array<i64: 128, 128>}, {pipeline_mode = #tpu.pipeline_mode<synchronous>, transform_indices = @transform_4, window_bounds = array<i64: 1, 128>}, {pipeline_mode = #tpu.pipeline_mode<synchronous>, transform_indices = @transform_5, window_bounds = array<i64: 1, 128>}, {pipeline_mode = #tpu.pipeline_mode<synchronous>, transform_indices = @transform_6, window_bounds = array<i64: 1, 128>}, {pipeline_mode = #tpu.pipeline_mode<synchronous>, transform_indices = @transform_7, window_bounds = array<i64: 128, 128>}, {pipeline_mode = #tpu.pipeline_mode<synchronous>, transform_indices = @transform_8, window_bounds = array<i64: 1, 128>}, {transform_indices = @transform_9, window_bounds = array<i64: 5120, 128>}, {transform_indices = @transform_10, window_bounds = array<i64: 5120, 128>}]} {
    %get3A = arith.constant 0 : index
    %get3A_0 = arith.constant 0 : index
    %get3A_1 = arith.constant 0 : index
    %get3A_2 = vector.load %arg1[%get3A, %get3A_0, %get3A_1] : memref<2x5120x128xf32, #tpu.memory_space<vmem>>, vector<1x5120x128xf32>
    %get3A_3 = vector.shape_cast %get3A_2 : vector<1x5120x128xf32> to vector<5120x128xf32>
    %get3A_4 = arith.constant 1 : index
    %get3A_5 = arith.constant 0 : index
    %get3A_6 = arith.constant 0 : index
    %get3A_7 = vector.load %arg1[%get3A_4, %get3A_5, %get3A_6] : memref<2x5120x128xf32, #tpu.memory_space<vmem>>, vector<1x5120x128xf32>
    %get3A_8 = vector.shape_cast %get3A_7 : vector<1x5120x128xf32> to vector<5120x128xf32>
    %add3A = arith.addf %get3A_3, %get3A_8 : vector<5120x128xf32>
    %get3A_9 = arith.constant 0 : index
    %get3A_10 = arith.constant 0 : index
    %get3A_11 = arith.constant 0 : index
    %get3A_12 = vector.load %arg2[%get3A_9, %get3A_10, %get3A_11] : memref<2x5120x128xf32, #tpu.memory_space<vmem>>, vector<1x5120x128xf32>
    %get3A_13 = vector.shape_cast %get3A_12 : vector<1x5120x128xf32> to vector<5120x128xf32>
    %get3A_14 = arith.constant 1 : index
    %get3A_15 = arith.constant 0 : index
    %get3A_16 = arith.constant 0 : index
    %get3A_17 = vector.load %arg2[%get3A_14, %get3A_15, %get3A_16] : memref<2x5120x128xf32, #tpu.memory_space<vmem>>, vector<1x5120x128xf32>
    %get3A_18 = vector.shape_cast %get3A_17 : vector<1x5120x128xf32> to vector<5120x128xf32>
    %add3A_19 = arith.addf %get3A_13, %get3A_18 : vector<5120x128xf32>
    %slice3A = vector.extract_strided_slice %add3A_19 {offsets = [0, 0], sizes = [5120, 1], strides = [1, 1]} : vector<5120x128xf32> to vector<5120x1xf32>
    %max3A = arith.constant 1.000000e+00 : f32
    %max3A_20 = vector.broadcast %max3A : f32 to vector<5120x1xf32>
    %max3A_21 = arith.maximumf %slice3A, %max3A_20 : vector<5120x1xf32>
    %div3A = vector.broadcast %max3A_21 : vector<5120x1xf32> to vector<5120x128xf32>
    %div3A_22 = arith.divf %add3A, %div3A : vector<5120x128xf32>
    %get3A_23 = arith.constant 0 : index
    %get3A_24 = arith.constant 0 : index
    %get3A_25 = vector.load %arg3[%get3A_23, %get3A_24] : memref<5120x128xf32, #tpu.memory_space<vmem>>, vector<5120x128xf32>
    %get3A_26 = arith.constant 0 : index
    %get3A_27 = arith.constant 0 : index
    %get3A_28 = vector.load %arg4[%get3A_26, %get3A_27] : memref<128x128xf32, #tpu.memory_space<vmem>>, vector<128x128xf32>
    %dot_general3A = arith.constant dense<0.000000e+00> : vector<5120x128xf32>
    %dot_general3A_29 = tpu.matmul %get3A_25, %get3A_28, %dot_general3A {dimension_numbers = #tpu.dot_dimension_numbers<[1], [0], [0], [1], [0, 0, 1, 1], [], []>, transpose_lhs_hint = false} : vector<5120x128xf32>, vector<128x128xf32>, vector<5120x128xf32> -> vector<5120x128xf32>
    %add3A_30 = arith.addf %div3A_22, %dot_general3A_29 : vector<5120x128xf32>
    %get3A_31 = arith.constant 0 : index
    %get3A_32 = arith.constant 0 : index
    %get3A_33 = vector.load %arg5[%get3A_31, %get3A_32] : memref<1x128xf32, #tpu.memory_space<vmem>>, vector<1x128xf32>
    %add3A_34 = vector.broadcast %get3A_33 : vector<1x128xf32> to vector<5120x128xf32>
    %add3A_35 = arith.addf %add3A_30, %add3A_34 : vector<5120x128xf32>
    %mul3A = arith.mulf %add3A_35, %add3A_35 : vector<5120x128xf32>
    %reduce_sum3A = arith.constant dense<0.000000e+00> : vector<5120xf32>
    %reduce_sum3A_36 = vector.multi_reduction <add>, %mul3A, %reduce_sum3A [1] : vector<5120x128xf32> to vector<5120xf32>
    %broadcast_in_dim3A = vector.shape_cast %reduce_sum3A_36 : vector<5120xf32> to vector<5120x1xf32>
    %sqrt3A = math.sqrt %broadcast_in_dim3A : vector<5120x1xf32>
    %max3A_37 = arith.constant 9.99999996E-13 : f32
    %max3A_38 = vector.broadcast %max3A_37 : f32 to vector<5120x1xf32>
    %max3A_39 = arith.maximumf %sqrt3A, %max3A_38 : vector<5120x1xf32>
    %div3A_40 = vector.broadcast %max3A_39 : vector<5120x1xf32> to vector<5120x128xf32>
    %div3A_41 = arith.divf %add3A_35, %div3A_40 : vector<5120x128xf32>
    %get3A_42 = arith.constant 0 : index
    %get3A_43 = arith.constant 0 : index
    %get3A_44 = vector.load %arg6[%get3A_42, %get3A_43] : memref<1x128xf32, #tpu.memory_space<vmem>>, vector<1x128xf32>
    %sqrt3A_45 = arith.constant 1.000010e+00 : f32
    %sqrt3A_46 = math.sqrt %sqrt3A_45 : f32
    %div3A_47 = vector.broadcast %sqrt3A_46 : f32 to vector<1x128xf32>
    %div3A_48 = arith.divf %get3A_44, %div3A_47 : vector<1x128xf32>
    %mul3A_49 = vector.broadcast %div3A_48 : vector<1x128xf32> to vector<5120x128xf32>
    %mul3A_50 = arith.mulf %div3A_41, %mul3A_49 : vector<5120x128xf32>
    %get3A_51 = arith.constant 0 : index
    %get3A_52 = arith.constant 0 : index
    %get3A_53 = vector.load %arg7[%get3A_51, %get3A_52] : memref<1x128xf32, #tpu.memory_space<vmem>>, vector<1x128xf32>
    %add3A_54 = vector.broadcast %get3A_53 : vector<1x128xf32> to vector<5120x128xf32>
    %add3A_55 = arith.addf %mul3A_50, %add3A_54 : vector<5120x128xf32>
    %max3A_56 = arith.constant 0.000000e+00 : f32
    %max3A_57 = vector.broadcast %max3A_56 : f32 to vector<5120x128xf32>
    %max3A_58 = arith.maximumf %add3A_55, %max3A_57 : vector<5120x128xf32>
    %swap3A = arith.constant 0 : index
    %swap3A_59 = arith.constant 0 : index
    %swap3A_60 = vector.load %arg10[%swap3A, %swap3A_59] : memref<5120x128xf32, #tpu.memory_space<vmem>>, vector<5120x128xf32>
    tpu.vector_store %arg10[%swap3A, %swap3A_59], %max3A_58 {strides = array<i32>} : memref<5120x128xf32, #tpu.memory_space<vmem>>, vector<5120x128xf32>,
    %get3A_61 = arith.constant 0 : index
    %get3A_62 = arith.constant 0 : index
    %get3A_63 = vector.load %arg8[%get3A_61, %get3A_62] : memref<128x128xf32, #tpu.memory_space<vmem>>, vector<128x128xf32>
    %dot_general3A_64 = arith.constant dense<0.000000e+00> : vector<5120x128xf32>
    %dot_general3A_65 = tpu.matmul %max3A_58, %get3A_63, %dot_general3A_64 {dimension_numbers = #tpu.dot_dimension_numbers<[1], [0], [0], [1], [0, 0, 1, 1], [], []>, transpose_lhs_hint = false} : vector<5120x128xf32>, vector<128x128xf32>, vector<5120x128xf32> -> vector<5120x128xf32>
    %get3A_66 = arith.constant 0 : index
    %get3A_67 = arith.constant 0 : index
    %get3A_68 = vector.load %arg9[%get3A_66, %get3A_67] : memref<1x128xf32, #tpu.memory_space<vmem>>, vector<1x128xf32>
    %add3A_69 = vector.broadcast %get3A_68 : vector<1x128xf32> to vector<5120x128xf32>
    %add3A_70 = arith.addf %dot_general3A_65, %add3A_69 : vector<5120x128xf32>
    %swap3A_71 = arith.constant 0 : index
    %swap3A_72 = arith.constant 0 : index
    %swap3A_73 = vector.load %arg11[%swap3A_71, %swap3A_72] : memref<5120x128xf32, #tpu.memory_space<vmem>>, vector<5120x128xf32>
    tpu.vector_store %arg11[%swap3A_71, %swap3A_72], %add3A_70 {strides = array<i32>} : memref<5120x128xf32, #tpu.memory_space<vmem>>, vector<5120x128xf32>,
    return
  }
  func.func @transform_0(%arg0: i32) -> (i32, i32, i32) {
    %c0_i32 = arith.constant 0 : i32
    %c0_i32_0 = arith.constant 0 : i32
    %c0_i32_1 = arith.constant 0 : i32
    return %c0_i32, %arg0, %c0_i32_0 : i32, i32, i32
  }
  func.func @transform_1(%arg0: i32) -> (i32, i32, i32) {
    %c0_i32 = arith.constant 0 : i32
    %c0_i32_0 = arith.constant 0 : i32
    %c0_i32_1 = arith.constant 0 : i32
    return %c0_i32, %arg0, %c0_i32_0 : i32, i32, i32
  }
  func.func @transform_2(%arg0: i32) -> (i32, i32) {
    %c0_i32 = arith.constant 0 : i32
    %c0_i32_0 = arith.constant 0 : i32
    return %arg0, %c0_i32 : i32, i32
  }
  func.func @transform_3(%arg0: i32) -> (i32, i32) {
    %c0_i32 = arith.constant 0 : i32
    %c0_i32_0 = arith.constant 0 : i32
    %c0_i32_1 = arith.constant 0 : i32
    return %c0_i32, %c0_i32_0 : i32, i32
  }
  func.func @transform_4(%arg0: i32) -> (i32, i32) {
    %c0_i32 = arith.constant 0 : i32
    %c0_i32_0 = arith.constant 0 : i32
    %c0_i32_1 = arith.constant 0 : i32
    return %c0_i32, %c0_i32_0 : i32, i32
  }
  func.func @transform_5(%arg0: i32) -> (i32, i32) {
    %c0_i32 = arith.constant 0 : i32
    %c0_i32_0 = arith.constant 0 : i32
    %c0_i32_1 = arith.constant 0 : i32
    return %c0_i32, %c0_i32_0 : i32, i32
  }
  func.func @transform_6(%arg0: i32) -> (i32, i32) {
    %c0_i32 = arith.constant 0 : i32
    %c0_i32_0 = arith.constant 0 : i32
    %c0_i32_1 = arith.constant 0 : i32
    return %c0_i32, %c0_i32_0 : i32, i32
  }
  func.func @transform_7(%arg0: i32) -> (i32, i32) {
    %c0_i32 = arith.constant 0 : i32
    %c0_i32_0 = arith.constant 0 : i32
    %c0_i32_1 = arith.constant 0 : i32
    return %c0_i32, %c0_i32_0 : i32, i32
  }
  func.func @transform_8(%arg0: i32) -> (i32, i32) {
    %c0_i32 = arith.constant 0 : i32
    %c0_i32_0 = arith.constant 0 : i32
    %c0_i32_1 = arith.constant 0 : i32
    return %c0_i32, %c0_i32_0 : i32, i32
  }
  func.func @transform_9(%arg0: i32) -> (i32, i32) {
    %c0_i32 = arith.constant 0 : i32
    %c0_i32_0 = arith.constant 0 : i32
    return %arg0, %c0_i32 : i32, i32
  }
  func.func @transform_10(%arg0: i32) -> (i32, i32) {
    %c0_i32 = arith.constant 0 : i32
    %c0_i32_0 = arith.constant 0 : i32
    return %arg0, %c0_i32 : i32, i32
  }
}

module attributes {stable_mosaic.version = 14 : i64} {
  func.func @_upd_head_body(%arg0: i32, %arg1: memref<2x5120x128xf32, #tpu.memory_space<vmem>>, %arg2: memref<2x5120x128xf32, #tpu.memory_space<vmem>>, %arg3: memref<5120x128xf32, #tpu.memory_space<vmem>>, %arg4: memref<128x128xf32, #tpu.memory_space<vmem>>, %arg5: memref<1x128xf32, #tpu.memory_space<vmem>>, %arg6: memref<1x128xf32, #tpu.memory_space<vmem>>, %arg7: memref<1x128xf32, #tpu.memory_space<vmem>>, %arg8: memref<128x128xf32, #tpu.memory_space<vmem>>, %arg9: memref<1x128xf32, #tpu.memory_space<vmem>>, %arg10: memref<128x128xf32, #tpu.memory_space<vmem>>, %arg11: memref<1x128xf32, #tpu.memory_space<vmem>>, %arg12: memref<5120x1xi32, #tpu.memory_space<vmem>>, %arg13: memref<64x128xf32, #tpu.memory_space<vmem>>) attributes {dimension_semantics = [#tpu.dimension_semantics<arbitrary>], iteration_bounds = array<i64: 2>, scalar_prefetch = 0 : i64, scratch_operands = 0 : i64, tpu.core_type = #tpu.core_type<tc>, window_params = [{transform_indices = @transform_0, window_bounds = array<i64: 2, 5120, 128>}, {transform_indices = @transform_1, window_bounds = array<i64: 2, 5120, 128>}, {transform_indices = @transform_2, window_bounds = array<i64: 5120, 128>}, {pipeline_mode = #tpu.pipeline_mode<synchronous>, transform_indices = @transform_3, window_bounds = array<i64: 128, 128>}, {pipeline_mode = #tpu.pipeline_mode<synchronous>, transform_indices = @transform_4, window_bounds = array<i64: 1, 128>}, {pipeline_mode = #tpu.pipeline_mode<synchronous>, transform_indices = @transform_5, window_bounds = array<i64: 1, 128>}, {pipeline_mode = #tpu.pipeline_mode<synchronous>, transform_indices = @transform_6, window_bounds = array<i64: 1, 128>}, {pipeline_mode = #tpu.pipeline_mode<synchronous>, transform_indices = @transform_7, window_bounds = array<i64: 128, 128>}, {pipeline_mode = #tpu.pipeline_mode<synchronous>, transform_indices = @transform_8, window_bounds = array<i64: 1, 128>}, {pipeline_mode = #tpu.pipeline_mode<synchronous>, transform_indices = @transform_9, window_bounds = array<i64: 128, 128>}, {pipeline_mode = #tpu.pipeline_mode<synchronous>, transform_indices = @transform_10, window_bounds = array<i64: 1, 128>}, {transform_indices = @transform_11, window_bounds = array<i64: 5120, 1>}, {pipeline_mode = #tpu.pipeline_mode<synchronous>, transform_indices = @transform_12, window_bounds = array<i64: 64, 128>}]} {
    %get3A = arith.constant 0 : index
    %get3A_0 = arith.constant 0 : index
    %get3A_1 = arith.constant 0 : index
    %get3A_2 = vector.load %arg1[%get3A, %get3A_0, %get3A_1] : memref<2x5120x128xf32, #tpu.memory_space<vmem>>, vector<1x5120x128xf32>
    %get3A_3 = vector.shape_cast %get3A_2 : vector<1x5120x128xf32> to vector<5120x128xf32>
    %get3A_4 = arith.constant 1 : index
    %get3A_5 = arith.constant 0 : index
    %get3A_6 = arith.constant 0 : index
    %get3A_7 = vector.load %arg1[%get3A_4, %get3A_5, %get3A_6] : memref<2x5120x128xf32, #tpu.memory_space<vmem>>, vector<1x5120x128xf32>
    %get3A_8 = vector.shape_cast %get3A_7 : vector<1x5120x128xf32> to vector<5120x128xf32>
    %add3A = arith.addf %get3A_3, %get3A_8 : vector<5120x128xf32>
    %get3A_9 = arith.constant 0 : index
    %get3A_10 = arith.constant 0 : index
    %get3A_11 = arith.constant 0 : index
    %get3A_12 = vector.load %arg2[%get3A_9, %get3A_10, %get3A_11] : memref<2x5120x128xf32, #tpu.memory_space<vmem>>, vector<1x5120x128xf32>
    %get3A_13 = vector.shape_cast %get3A_12 : vector<1x5120x128xf32> to vector<5120x128xf32>
    %get3A_14 = arith.constant 1 : index
    %get3A_15 = arith.constant 0 : index
    %get3A_16 = arith.constant 0 : index
    %get3A_17 = vector.load %arg2[%get3A_14, %get3A_15, %get3A_16] : memref<2x5120x128xf32, #tpu.memory_space<vmem>>, vector<1x5120x128xf32>
    %get3A_18 = vector.shape_cast %get3A_17 : vector<1x5120x128xf32> to vector<5120x128xf32>
    %add3A_19 = arith.addf %get3A_13, %get3A_18 : vector<5120x128xf32>
    %slice3A = vector.extract_strided_slice %add3A_19 {offsets = [0, 0], sizes = [5120, 1], strides = [1, 1]} : vector<5120x128xf32> to vector<5120x1xf32>
    %max3A = arith.constant 1.000000e+00 : f32
    %max3A_20 = vector.broadcast %max3A : f32 to vector<5120x1xf32>
    %max3A_21 = arith.maximumf %slice3A, %max3A_20 : vector<5120x1xf32>
    %div3A = vector.broadcast %max3A_21 : vector<5120x1xf32> to vector<5120x128xf32>
    %div3A_22 = arith.divf %add3A, %div3A : vector<5120x128xf32>
    %get3A_23 = arith.constant 0 : index
    %get3A_24 = arith.constant 0 : index
    %get3A_25 = vector.load %arg3[%get3A_23, %get3A_24] : memref<5120x128xf32, #tpu.memory_space<vmem>>, vector<5120x128xf32>
    %get3A_26 = arith.constant 0 : index
    %get3A_27 = arith.constant 0 : index
    %get3A_28 = vector.load %arg4[%get3A_26, %get3A_27] : memref<128x128xf32, #tpu.memory_space<vmem>>, vector<128x128xf32>
    %dot_general3A = arith.constant dense<0.000000e+00> : vector<5120x128xf32>
    %dot_general3A_29 = tpu.matmul %get3A_25, %get3A_28, %dot_general3A {dimension_numbers = #tpu.dot_dimension_numbers<[1], [0], [0], [1], [0, 0, 1, 1], [], []>, transpose_lhs_hint = false} : vector<5120x128xf32>, vector<128x128xf32>, vector<5120x128xf32> -> vector<5120x128xf32>
    %add3A_30 = arith.addf %div3A_22, %dot_general3A_29 : vector<5120x128xf32>
    %get3A_31 = arith.constant 0 : index
    %get3A_32 = arith.constant 0 : index
    %get3A_33 = vector.load %arg5[%get3A_31, %get3A_32] : memref<1x128xf32, #tpu.memory_space<vmem>>, vector<1x128xf32>
    %add3A_34 = vector.broadcast %get3A_33 : vector<1x128xf32> to vector<5120x128xf32>
    %add3A_35 = arith.addf %add3A_30, %add3A_34 : vector<5120x128xf32>
    %mul3A = arith.mulf %add3A_35, %add3A_35 : vector<5120x128xf32>
    %reduce_sum3A = arith.constant dense<0.000000e+00> : vector<5120xf32>
    %reduce_sum3A_36 = vector.multi_reduction <add>, %mul3A, %reduce_sum3A [1] : vector<5120x128xf32> to vector<5120xf32>
    %broadcast_in_dim3A = vector.shape_cast %reduce_sum3A_36 : vector<5120xf32> to vector<5120x1xf32>
    %sqrt3A = math.sqrt %broadcast_in_dim3A : vector<5120x1xf32>
    %max3A_37 = arith.constant 9.99999996E-13 : f32
    %max3A_38 = vector.broadcast %max3A_37 : f32 to vector<5120x1xf32>
    %max3A_39 = arith.maximumf %sqrt3A, %max3A_38 : vector<5120x1xf32>
    %div3A_40 = vector.broadcast %max3A_39 : vector<5120x1xf32> to vector<5120x128xf32>
    %div3A_41 = arith.divf %add3A_35, %div3A_40 : vector<5120x128xf32>
    %get3A_42 = arith.constant 0 : index
    %get3A_43 = arith.constant 0 : index
    %get3A_44 = vector.load %arg6[%get3A_42, %get3A_43] : memref<1x128xf32, #tpu.memory_space<vmem>>, vector<1x128xf32>
    %sqrt3A_45 = arith.constant 1.000010e+00 : f32
    %sqrt3A_46 = math.sqrt %sqrt3A_45 : f32
    %div3A_47 = vector.broadcast %sqrt3A_46 : f32 to vector<1x128xf32>
    %div3A_48 = arith.divf %get3A_44, %div3A_47 : vector<1x128xf32>
    %mul3A_49 = vector.broadcast %div3A_48 : vector<1x128xf32> to vector<5120x128xf32>
    %mul3A_50 = arith.mulf %div3A_41, %mul3A_49 : vector<5120x128xf32>
    %get3A_51 = arith.constant 0 : index
    %get3A_52 = arith.constant 0 : index
    %get3A_53 = vector.load %arg7[%get3A_51, %get3A_52] : memref<1x128xf32, #tpu.memory_space<vmem>>, vector<1x128xf32>
    %add3A_54 = vector.broadcast %get3A_53 : vector<1x128xf32> to vector<5120x128xf32>
    %add3A_55 = arith.addf %mul3A_50, %add3A_54 : vector<5120x128xf32>
    %max3A_56 = arith.constant 0.000000e+00 : f32
    %max3A_57 = vector.broadcast %max3A_56 : f32 to vector<5120x128xf32>
    %max3A_58 = arith.maximumf %add3A_55, %max3A_57 : vector<5120x128xf32>
    %get3A_59 = arith.constant 0 : index
    %get3A_60 = arith.constant 0 : index
    %get3A_61 = vector.load %arg8[%get3A_59, %get3A_60] : memref<128x128xf32, #tpu.memory_space<vmem>>, vector<128x128xf32>
    %dot_general3A_62 = arith.constant dense<0.000000e+00> : vector<5120x128xf32>
    %dot_general3A_63 = tpu.matmul %max3A_58, %get3A_61, %dot_general3A_62 {dimension_numbers = #tpu.dot_dimension_numbers<[1], [0], [0], [1], [0, 0, 1, 1], [], []>, transpose_lhs_hint = false} : vector<5120x128xf32>, vector<128x128xf32>, vector<5120x128xf32> -> vector<5120x128xf32>
    %get3A_64 = arith.constant 0 : index
    %get3A_65 = arith.constant 0 : index
    %get3A_66 = vector.load %arg9[%get3A_64, %get3A_65] : memref<1x128xf32, #tpu.memory_space<vmem>>, vector<1x128xf32>
    %add3A_67 = vector.broadcast %get3A_66 : vector<1x128xf32> to vector<5120x128xf32>
    %add3A_68 = arith.addf %dot_general3A_63, %add3A_67 : vector<5120x128xf32>
    %get3A_69 = arith.constant 0 : index
    %get3A_70 = arith.constant 0 : index
    %get3A_71 = vector.load %arg10[%get3A_69, %get3A_70] : memref<128x128xf32, #tpu.memory_space<vmem>>, vector<128x128xf32>
    %dot_general3A_72 = arith.constant dense<0.000000e+00> : vector<5120x128xf32>
    %dot_general3A_73 = tpu.matmul %add3A_68, %get3A_71, %dot_general3A_72 {dimension_numbers = #tpu.dot_dimension_numbers<[1], [0], [0], [1], [0, 0, 1, 1], [], []>, transpose_lhs_hint = false} : vector<5120x128xf32>, vector<128x128xf32>, vector<5120x128xf32> -> vector<5120x128xf32>
    %get3A_74 = arith.constant 0 : index
    %get3A_75 = arith.constant 0 : index
    %get3A_76 = vector.load %arg11[%get3A_74, %get3A_75] : memref<1x128xf32, #tpu.memory_space<vmem>>, vector<1x128xf32>
    %add3A_77 = vector.broadcast %get3A_76 : vector<1x128xf32> to vector<5120x128xf32>
    %add3A_78 = arith.addf %dot_general3A_73, %add3A_77 : vector<5120x128xf32>
    %eq3A = arith.constant 0 : i32
    %eq3A_79 = arith.cmpi eq, %arg0, %eq3A : i32
    %convert_element_type3A = arith.extui %eq3A_79 : i1 to i32
    %cond3A = arith.constant 0 : i32
    %cond3A_80 = arith.cmpi ne, %convert_element_type3A, %cond3A : i32
    scf.if %cond3A_80 {
      %broadcast_in_dim3A_102 = arith.constant 0.000000e+00 : f32
      %broadcast_in_dim3A_103 = vector.broadcast %broadcast_in_dim3A_102 : f32 to vector<64x128xf32>
      %swap3A_104 = arith.constant 0 : index
      %swap3A_105 = arith.constant 0 : index
      %swap3A_106 = vector.load %arg13[%swap3A_104, %swap3A_105] : memref<64x128xf32, #tpu.memory_space<vmem>>, vector<64x128xf32>
      tpu.vector_store %arg13[%swap3A_104, %swap3A_105], %broadcast_in_dim3A_103 {strides = array<i32>} : memref<64x128xf32, #tpu.memory_space<vmem>>, vector<64x128xf32>,
    } else {
    }
    %get3A_81 = arith.constant 0 : index
    %get3A_82 = arith.constant 0 : index
    %get3A_83 = vector.load %arg12[%get3A_81, %get3A_82] : memref<5120x1xi32, #tpu.memory_space<vmem>>, vector<5120x1xi32>
    %iota3A = tpu.iota {dimensions = array<i32: 1>} : vector<1x64xi32>
    %eq3A_84 = vector.broadcast %get3A_83 : vector<5120x1xi32> to vector<5120x64xi32>
    %eq3A_85 = vector.broadcast %iota3A : vector<1x64xi32> to vector<5120x64xi32>
    %eq3A_86 = arith.cmpi eq, %eq3A_84, %eq3A_85 : vector<5120x64xi32>
    %convert_element_type3A_87 = arith.extui %eq3A_86 : vector<5120x64xi1> to vector<5120x64xi32>
    %convert_element_type3A_88 = arith.sitofp %convert_element_type3A_87 : vector<5120x64xi32> to vector<5120x64xf32>
    %get3A_89 = arith.constant 0 : index
    %get3A_90 = arith.constant 0 : index
    %get3A_91 = vector.load %arg13[%get3A_89, %get3A_90] : memref<64x128xf32, #tpu.memory_space<vmem>>, vector<64x128xf32>
    %dot_general3A_92 = arith.constant dense<0.000000e+00> : vector<64x128xf32>
    %dot_general3A_93 = tpu.matmul %convert_element_type3A_88, %add3A_78, %dot_general3A_92 {dimension_numbers = #tpu.dot_dimension_numbers<[0], [0], [1], [1], [0, 1, 1, 1], [], []>, transpose_lhs_hint = false} : vector<5120x64xf32>, vector<5120x128xf32>, vector<64x128xf32> -> vector<64x128xf32>
    %add3A_94 = arith.addf %get3A_91, %dot_general3A_93 : vector<64x128xf32>
    %swap3A = arith.constant 0 : index
    %swap3A_95 = arith.constant 0 : index
    %swap3A_96 = vector.load %arg13[%swap3A, %swap3A_95] : memref<64x128xf32, #tpu.memory_space<vmem>>, vector<64x128xf32>
    tpu.vector_store %arg13[%swap3A, %swap3A_95], %add3A_94 {strides = array<i32>} : memref<64x128xf32, #tpu.memory_space<vmem>>, vector<64x128xf32>,
    %eq3A_97 = arith.constant 1 : i32
    %eq3A_98 = arith.cmpi eq, %arg0, %eq3A_97 : i32
    %convert_element_type3A_99 = arith.extui %eq3A_98 : i1 to i32
    %cond3A_100 = arith.constant 0 : i32
    %cond3A_101 = arith.cmpi ne, %convert_element_type3A_99, %cond3A_100 : i32
    scf.if %cond3A_101 {
      %get3A_102 = arith.constant 0 : index
      %get3A_103 = arith.constant 0 : index
      %get3A_104 = vector.load %arg13[%get3A_102, %get3A_103] : memref<64x128xf32, #tpu.memory_space<vmem>>, vector<64x128xf32>
      %iota3A_105 = tpu.iota {dimensions = array<i32: 1>} : vector<64x128xi32>
      %lt3A = arith.constant 40 : i32
      %lt3A_106 = vector.broadcast %lt3A : i32 to vector<64x128xi32>
      %lt3A_107 = arith.cmpi slt, %iota3A_105, %lt3A_106 : vector<64x128xi32>
      %jit3A = arith.constant -1.000000e+30 : f32
      %broadcast_in_dim3A_108 = vector.broadcast %jit3A : f32 to vector<64x128xf32>
      %select_n3A = arith.select %lt3A_107, %get3A_104, %broadcast_in_dim3A_108 : vector<64x128xi1>, vector<64x128xf32>
      %reduce_max3A = arith.constant dense<0xFF800000> : vector<64xf32>
      %reduce_max3A_109 = vector.multi_reduction <maximumf>, %select_n3A, %reduce_max3A [1] : vector<64x128xf32> to vector<64xf32>
      %broadcast_in_dim3A_110 = vector.shape_cast %reduce_max3A_109 : vector<64xf32> to vector<64x1xf32>
      %sub3A = vector.broadcast %broadcast_in_dim3A_110 : vector<64x1xf32> to vector<64x128xf32>
      %sub3A_111 = arith.subf %get3A_104, %sub3A : vector<64x128xf32>
      %exp3A = math.exp %sub3A_111 : vector<64x128xf32>
      %jit3A_112 = arith.constant 0.000000e+00 : f32
      %broadcast_in_dim3A_113 = vector.broadcast %jit3A_112 : f32 to vector<64x128xf32>
      %select_n3A_114 = arith.select %lt3A_107, %exp3A, %broadcast_in_dim3A_113 : vector<64x128xi1>, vector<64x128xf32>
      %sub3A_115 = vector.broadcast %broadcast_in_dim3A_110 : vector<64x1xf32> to vector<64x128xf32>
      %sub3A_116 = arith.subf %get3A_104, %sub3A_115 : vector<64x128xf32>
      %reduce_sum3A_117 = arith.constant dense<0.000000e+00> : vector<64xf32>
      %reduce_sum3A_118 = vector.multi_reduction <add>, %select_n3A_114, %reduce_sum3A_117 [1] : vector<64x128xf32> to vector<64xf32>
      %broadcast_in_dim3A_119 = vector.shape_cast %reduce_sum3A_118 : vector<64xf32> to vector<64x1xf32>
      %log3A = math.log %broadcast_in_dim3A_119 : vector<64x1xf32>
      %sub3A_120 = vector.broadcast %log3A : vector<64x1xf32> to vector<64x128xf32>
      %sub3A_121 = arith.subf %sub3A_116, %sub3A_120 : vector<64x128xf32>
      %swap3A_122 = arith.constant 0 : index
      %swap3A_123 = arith.constant 0 : index
      %swap3A_124 = vector.load %arg13[%swap3A_122, %swap3A_123] : memref<64x128xf32, #tpu.memory_space<vmem>>, vector<64x128xf32>
      tpu.vector_store %arg13[%swap3A_122, %swap3A_123], %sub3A_121 {strides = array<i32>} : memref<64x128xf32, #tpu.memory_space<vmem>>, vector<64x128xf32>,
    } else {
    }
    return
  }
  func.func @transform_0(%arg0: i32) -> (i32, i32, i32) {
    %c0_i32 = arith.constant 0 : i32
    %c0_i32_0 = arith.constant 0 : i32
    %c0_i32_1 = arith.constant 0 : i32
    return %c0_i32, %arg0, %c0_i32_0 : i32, i32, i32
  }
  func.func @transform_1(%arg0: i32) -> (i32, i32, i32) {
    %c0_i32 = arith.constant 0 : i32
    %c0_i32_0 = arith.constant 0 : i32
    %c0_i32_1 = arith.constant 0 : i32
    return %c0_i32, %arg0, %c0_i32_0 : i32, i32, i32
  }
  func.func @transform_2(%arg0: i32) -> (i32, i32) {
    %c0_i32 = arith.constant 0 : i32
    %c0_i32_0 = arith.constant 0 : i32
    return %arg0, %c0_i32 : i32, i32
  }
  func.func @transform_3(%arg0: i32) -> (i32, i32) {
    %c0_i32 = arith.constant 0 : i32
    %c0_i32_0 = arith.constant 0 : i32
    %c0_i32_1 = arith.constant 0 : i32
    return %c0_i32, %c0_i32_0 : i32, i32
  }
  func.func @transform_4(%arg0: i32) -> (i32, i32) {
    %c0_i32 = arith.constant 0 : i32
    %c0_i32_0 = arith.constant 0 : i32
    %c0_i32_1 = arith.constant 0 : i32
    return %c0_i32, %c0_i32_0 : i32, i32
  }
  func.func @transform_5(%arg0: i32) -> (i32, i32) {
    %c0_i32 = arith.constant 0 : i32
    %c0_i32_0 = arith.constant 0 : i32
    %c0_i32_1 = arith.constant 0 : i32
    return %c0_i32, %c0_i32_0 : i32, i32
  }
  func.func @transform_6(%arg0: i32) -> (i32, i32) {
    %c0_i32 = arith.constant 0 : i32
    %c0_i32_0 = arith.constant 0 : i32
    %c0_i32_1 = arith.constant 0 : i32
    return %c0_i32, %c0_i32_0 : i32, i32
  }
  func.func @transform_7(%arg0: i32) -> (i32, i32) {
    %c0_i32 = arith.constant 0 : i32
    %c0_i32_0 = arith.constant 0 : i32
    %c0_i32_1 = arith.constant 0 : i32
    return %c0_i32, %c0_i32_0 : i32, i32
  }
  func.func @transform_8(%arg0: i32) -> (i32, i32) {
    %c0_i32 = arith.constant 0 : i32
    %c0_i32_0 = arith.constant 0 : i32
    %c0_i32_1 = arith.constant 0 : i32
    return %c0_i32, %c0_i32_0 : i32, i32
  }
  func.func @transform_9(%arg0: i32) -> (i32, i32) {
    %c0_i32 = arith.constant 0 : i32
    %c0_i32_0 = arith.constant 0 : i32
    %c0_i32_1 = arith.constant 0 : i32
    return %c0_i32, %c0_i32_0 : i32, i32
  }
  func.func @transform_10(%arg0: i32) -> (i32, i32) {
    %c0_i32 = arith.constant 0 : i32
    %c0_i32_0 = arith.constant 0 : i32
    %c0_i32_1 = arith.constant 0 : i32
    return %c0_i32, %c0_i32_0 : i32, i32
  }
  func.func @transform_11(%arg0: i32) -> (i32, i32) {
    %c0_i32 = arith.constant 0 : i32
    %c0_i32_0 = arith.constant 0 : i32
    return %arg0, %c0_i32 : i32, i32
  }
  func.func @transform_12(%arg0: i32) -> (i32, i32) {
    %c0_i32 = arith.constant 0 : i32
    %c0_i32_0 = arith.constant 0 : i32
    %c0_i32_1 = arith.constant 0 : i32
    return %c0_i32, %c0_i32_0 : i32, i32
  }
}

</mosaic_0001>

<sc_bundles>
// kernel: kernel.10.cloned.1.call-start
scs
__scs_entry_jumppad:
0x0: {  	(pc) =	sbr.rel $0x88, $3  }
0x1: {  	(tag) =	ssettag $0x0;
	lr =	simm.s32 $0x1  }
0x2: {  	[smem:$0x3F94] =	sst lr;
	_ =	strace $0xD0000000  }
0x3: {  	_ = 	snop  }
0x4: {  	_ = 	snop  }
0x5: {  	_ = 	snop  }
0x6: {  	_ = 	snop  }
0x7: {  	_ = 	snop  }
__scs_overlays_trampoline_lowered:
0x8: {  	[smem:$0x3FA3] =	sst s0  }
0x9: {  	[smem:$0x3FA4] =	sst s1  }
0xa: {  	[smem:$0x3FA5] =	sst s2  }
0xb: {  	[smem:$0x3FA6] =	sst s3  }
0xc: {  	[smem:$0x3FA7] =	sst s4  }
0xd: {  	[smem:$0x3FA8] =	sst s5  }
0xe: {  	[smem:$0x3FA9] =	sst s6  }
0xf: {  	[smem:$0x3FAA] =	sst s7  }
0x10: {  	[smem:$0x3FAB] =	sst s8  }
0x11: {  	[smem:$0x3FAC] =	sst s9;
	s0 =	simm.s32 @!p0 $0x0  }
0x12: {  	s1 =	sld [smem:$0x3F92];
	s0 =	simm.s32 @p0 $0x1  }
0x13: {  	[smem:$0x3FAD] =	sst s0;
	s0 =	simm.s32 @!p1 $0x0  }
0x14: {  	s2 =	sld [smem:$0x3F91];
	s0 =	simm.s32 @p1 $0x1  }
0x15: {  	[smem:$0x3FAE] =	sst s0;
	s0 =	simm.s32 @!p2 $0x0  }
0x16: {  	s3 =	sld [smem:$0x3FDB];
	s0 =	simm.s32 @p2 $0x1  }
0x17: {  	s4 =	simm.s32 $0x1BF5;
	[smem:$0x3FB0] =	sst s0  }
0x18: {  	s0 =	sld [smem:$0x3F93];
	_ =	swait.ge [sflag:s4], $0x0  }
0x19: {  	s7 =	sld [smem:$0x3F94]  }
0x1a: {  	s8 =	sadd.s32 $0xFFFFE003, lr  }
0x1b: {  	s9 =	sadd.s32 $0xFFFFFEF7, lr;
	s5 =	simm.s32 $0xFFFFFFFF;
	p2 =	slt.u32 s8, $0xFFFFF086  }
0x1c: {  	p1 =	slt.u32 s9, $0xF7A;
	s5 =	simm.s32 @!p2 $0x0  }
0x1d: {  	s5 =	simm.s32 @p1 $0x1;
	p0 =	seq.s32 s7, s2  }
0x1e: {  	s7 =	smul.u32 @!p0 $0xF7A, s2;
	p2 =	seq.s32 @!p0 s5, $0x0  }
0x1f: {  	s9 =	smul.u32 $0xF7A, s1;
	s8 =	simm.s32 @!p0 $0x1BF5;
	p2 =	por !p2, p0  }
0x20: {  	[sflag:s8] =	ssyncset.s32 @!p0 $0xFFFFF086;
	s6 =	sadd.s32 @!p0 s3, s7;
	s7 =	simm.s32 @!p0 $0x108  }
0x21: {  	s3 =	sadd.s32 s3, s9;
	s6 =	sadd.s32 @!p0 $0x88, s6;
	s7 =	simm.s32 @p2 $0x1082  }
0x22: {  	[simem:s7], [sflag:s8] =	dma.local @!p0 [hbm:s6], $0xF7A  }
0x23: {  	s9 =	sor.u32 $0xD0000000, s2;
	s6 =	simm.s32 $0x108;
	_ =	swait.ge @!p0 [sflag:s8], $0x0  }
0x24: {  	s3 =	sadd.s32 $0x88, s3;
	s6 =	simm.s32 @!p1 $0x1082;
	[sflag:s4] =	ssyncset.s32 $0xFFFFF086  }
0x25: {  	[simem:s6], [sflag:s4] =	dma.local [hbm:s3], $0xF7A  }
0x26: {  	[smem:$0x3F94] =	sst s1;
	(tag) =	ssettag s2;
	_ =	strace s9  }
0x27: {  	s1 =	sld [smem:$0x3FA4]  }
0x28: {  	s2 =	sld [smem:$0x3FA5]  }
0x29: {  	s4 =	sld [smem:$0x3FA7]  }
0x2a: {  	p0 =	seq.s32 s5, $0x0;
	s5 =	sld [smem:$0x3FA8]  }
0x2b: {  	s6 =	sld [smem:$0x3FA9]  }
0x2c: {  	s7 =	sld [smem:$0x3FAA]  }
0x2d: {  	s3 =	simm.s32 $0x108;
	s8 =	sld [smem:$0x3FAB]  }
0x2e: {  	s3 =	simm.s32 @!p0 $0x1082;
	s9 =	sld [smem:$0x3FAC]  }
0x2f: {  	lr =	sadd.s32 s0, s3;
	s0 =	sld [smem:$0x3FA3]  }
0x30: {  	s3 =	sld [smem:$0x3FA6]  }
0x31: {  	[smem:$0x3FAF] =	sst s10  }
0x32: {  	s10 =	sld [smem:$0x3FAD];
	_ =	sdelay $0x3  }
0x33: {  	p0 =	seq.s32 s10, $0x1;
	s10 =	sld [smem:$0x3FAF];
	_ =	sdelay $0x3  }
0x34: {  	[smem:$0x3FAF] =	sst s10  }
0x35: {  	s10 =	sld [smem:$0x3FAE];
	_ =	sdelay $0x3  }
0x36: {  	p1 =	seq.s32 s10, $0x1;
	s10 =	sld [smem:$0x3FAF];
	_ =	sdelay $0x3  }
0x37: {  	[smem:$0x3FAF] =	sst s10  }
0x38: {  	s10 =	sld [smem:$0x3FB0]  }
0x39: {  	_ = 	snop;
	(pc) =	sbr.ind lr, $3  }
0x3a: {  	_ = 	snop  }
0x3b: {  	_ = 	snop  }
0x3c: {  	p2 =	seq.s32 s10, $0x1;
	s10 =	sld [smem:$0x3FAF]  }
0x3d: {  	_ =	shalt  }
0x3e: {  	_ =	shalt  }
0x3f: {  	_ =	shalt  }
0x40: {  	_ =	shalt  }
0x41: {  	_ =	shalt  }
0x42: {  	_ =	shalt  }
0x43: {  	_ =	shalt  }
0x44: {  	_ =	shalt  }
0x45: {  	_ =	shalt  }
0x46: {  	_ =	shalt  }
0x47: {  	_ =	shalt  }
0x48: {  	_ =	shalt  }
0x49: {  	_ =	shalt  }
0x4a: {  	_ =	shalt  }
0x4b: {  	_ =	shalt  }
0x4c: {  	_ =	shalt  }
0x4d: {  	_ =	shalt  }
0x4e: {  	_ =	shalt  }
0x4f: {  	_ =	shalt  }
0x50: {  	_ =	shalt  }
0x51: {  	_ =	shalt  }
0x52: {  	_ =	shalt  }
0x53: {  	_ =	shalt  }
0x54: {  	_ =	shalt  }
0x55: {  	_ =	shalt  }
0x56: {  	_ =	shalt  }
0x57: {  	_ =	shalt  }
0x58: {  	_ =	shalt  }
0x59: {  	_ =	shalt  }
0x5a: {  	_ =	shalt  }
0x5b: {  	_ =	shalt  }
0x5c: {  	_ =	shalt  }
0x5d: {  	_ =	shalt  }
0x5e: {  	_ =	shalt  }
0x5f: {  	_ =	shalt  }
0x60: {  	_ =	shalt  }
0x61: {  	_ =	shalt  }
0x62: {  	_ =	shalt  }
0x63: {  	_ =	shalt  }
0x64: {  	_ =	shalt  }
0x65: {  	_ =	shalt  }
0x66: {  	_ =	shalt  }
0x67: {  	_ =	shalt  }
0x68: {  	_ =	shalt  }
0x69: {  	_ =	shalt  }
0x6a: {  	_ =	shalt  }
0x6b: {  	_ =	shalt  }
0x6c: {  	_ =	shalt  }
0x6d: {  	_ =	shalt  }
0x6e: {  	_ =	shalt  }
0x6f: {  	_ =	shalt  }
0x70: {  	_ =	shalt  }
0x71: {  	_ =	shalt  }
0x72: {  	_ =	shalt  }
0x73: {  	_ =	shalt  }
0x74: {  	_ =	shalt  }
0x75: {  	_ =	shalt  }
0x76: {  	_ =	shalt  }
0x77: {  	_ =	shalt  }
0x78: {  	_ =	shalt  }
0x79: {  	_ =	shalt  }
0x7a: {  	_ =	shalt  }
0x7b: {  	_ =	shalt  }
0x7c: {  	_ =	shalt  }
0x7d: {  	_ =	shalt  }
0x7e: {  	_ =	shalt  }
0x7f: {  	_ =	shalt  }
0x80: {  	_ =	shalt  }
0x81: {  	_ =	shalt  }
0x82: {  	_ =	shalt  }
0x83: {  	_ =	shalt  }
0x84: {  	_ =	shalt  }
0x85: {  	_ =	shalt  }
0x86: {  	_ =	shalt  }
0x87: {  	_ =	shalt  }
.Lfunc_end0:
.L_simem_size_0:
called_computation_lowered:
.L_overlay_start_0:
0x88: {  	s2 =	sld [smem:$0x3FD9]  }
0x89: {  	s3 =	sld [smem:$0x3FFE];
	_ =	sdelay $0x1  }
0x8a: {  	s1 =	srdreg.scid  }
0x8b: {  	s0 =	sand.u32 $0x1, s1  }
0x8c: {  	s17 =	sshll.u32 s0, $0xA;
	s2 =	sadd.s32 s3, s2  }
0x8d: {  	s2 =	sadd.s32 s2, s17  }
0x8e: {  	[smem:$0x3FBB] =	sst s2  }
0x8f: {  	_ = 	snop  }
0x90: {  	(tm) =	ssettm $0x1  }
0x91: {  	s18 =	sld [smem:$0x3FFB];
	_ =	sdelay $0x3  }
0x92: {  	_ =	strace s18  }
0x93: {  	s2 =	sld [smem:$0x3FFC];
	_ =	sdelay $0x3  }
0x94: {  	_ =	strace s2  }
0x95: {  	s2 =	sld [smem:$0x3FFD];
	_ =	sdelay $0x3  }
0x96: {  	_ =	strace s2  }
0x97: {  	_ =	strace $0x8FFFFFFF  }
0x98: {  	s19 =	sld [smem:$0x3FDB];
	_ =	sdelay $0x1  }
0x99: {  	s20 =	simm.s32 $_scs_section_size  }
0x9a: {  	s4 =	simm.s32 $_size__tile_overlayer_lowered;
	s5 =	simm.s32 $_tile_overlayer_lowered  }
0x9b: {  	s6 =	simm.s32 $0x1BFF;
	s21 =	sshll.u32 s5, $0x1;
	s3 =	sadd.s32 s20, s19  }
0x9c: {  	s22 =	simm.s32 $0x0;
	s4 =	sshll.u32 s4, $0x1;
	s5 =	sadd.s32 s21, s3  }
0x9d: {  	[timem:s22], [sflag:s6] =	dma.local [hbm:s5], s4  }
0x9e: {  	_ =	swait.ge [sflag:s6], s4  }
0x9f: {  	s4 =	ssub.s32 $0x0, s4;
	[sflag:s6] =	ssyncset.done $0x0  }
0xa0: {  	[sflag:s6] =	ssyncadd.s32 s4;
	_ =	sdelay $0x1  }
0xa1: {  	s23 =	simm.s32 $0x1B8B  }
0xa2: {  	_ =	swait.ge [sflag:s23], $0x1  }
0xa3: {  	[sflag:s23] =	ssyncset.done $0x0  }
0xa4: {  	[sflag:s23] =	ssyncadd.s32 $0xFFFFFFFF  }
0xa5: {  	s4 =	sld [smem:$0x0]  }
0xa6: {  	s5 =	sand.u32 $0xFFFFFFFE, s1  }
0xa7: {  	p0 =	sne.s32 s1, s5  }
0xa8: {  	s5 =	sshll.u32 @p0 s5, $0xE  }
0xa9: {  	s5 =	sadd.s32 @p0 $0x11B8D, s5;
	s6 =	sshll.u32 @p0 s4, $0x11  }
0xaa: {  	s5 =	sor.u32 @p0 s6, s5  }
0xab: {  	[sflag:s5] =	ssyncadd.remote.s32 @p0 $0x1;
	_ =	sdelay $0x1  }
0xac: {  	s5 =	simm.s32 @p0 $0x1B8D  }
0xad: {  	_ =	swait.eq @p0 [sflag:s5], $0x1  }
0xae: {  	[sflag:s5] =	ssyncadd.s32 @p0 $0xFFFFFFFF  }
0xaf: {  	s6 =	sshll.u32 @!p0 s1, $0xE  }
0xb0: {  	s6 =	sor.u32 @!p0 $0x4000, s6;
	s5 =	simm.s32 @!p0 $0x1B8D  }
0xb1: {  	s4 =	sshll.u32 @!p0 s4, $0x11;
	s6 =	sadd.s32 @!p0 $0x11B8D, s6;
	_ =	swait.eq @!p0 [sflag:s5], $0x1  }
0xb2: {  	s4 =	sor.u32 @!p0 s4, s6;
	[sflag:s5] =	ssyncadd.s32 @!p0 $0xFFFFFFFF  }
0xb3: {  	s25 =	simm.s32 $0x1B8E;
	s24 =	sld [smem:$0x3FFE];
	[sflag:s4] =	ssyncadd.remote.s32 @!p0 $0x1  }
0xb4: {  	s26 =	simm.s32 $execute0_lowered;
	[smem:$0x3FD2] =	sst s25  }
0xb5: {  	s5 =	sshll.u32 s26, $0x1;
	_ =	strace $0x80000049;
	[dreg:$0x1] =	wrdreg $0xFFFFFFFF  }
0xb6: {  	s28 =	simm.s32 $_size_execute0_lowered;
	s3 =	sadd.s32 s3, s5;
	[dreg:$0x0] =	wrdreg $0x0  }
0xb7: {  	s5 =	sshll.u32 s28, $0x1;
	[dreg:$0x2] =	wrdreg s3  }
0xb8: {  	[dreg:$0x3] =	wrdreg s5  }
0xb9: {  	[dreg:$0x4] =	wrdreg $0xC0  }
0xba: {  	_ =	task [dreg:s22], $0x5FFFF  }
0xbb: {  	[dreg:$0x1] =	wrdreg $0xFFFFFFFF  }
0xbc: {  	[dreg:$0x0] =	wrdreg $0x60  }
0xbd: {  	[dreg:$0x2] =	wrdreg s24  }
0xbe: {  	[dreg:$0x3] =	wrdreg $0x68000  }
0xbf: {  	[dreg:$0x4] =	wrdreg $0x9  }
0xc0: {  	_ =	task.clear_ibuf [dreg:s22], $0x5FFFF;
	_ =	strace $0x90000049  }
0xc1: {  	s29 =	simm.s32 $0x9;
	_ =	strace $0x8000004B  }
0xc2: {  	_ =	swait.ge [sflag:s29], $0x1  }
0xc3: {  	[sflag:s29] =	ssyncadd.s32 $0xFFFFFFFF  }
0xc4: {  	_ =	strace $0x9000004B  }
0xc5: {  	_ =	sfence  }
0xc6: {  	s30 =	sld [smem:$0x0];
	_ =	sdelay $0x2  }
0xc7: {  	s31 =	sshll.u32 s1, $0xD;
	s1 =	sshrl.u32 s1, $0x2  }
0xc8: {  	s4 =	sand.u32 $0x4000, s31;
	s1 =	sadd.s32 s1, s30  }
0xc9: {  	s0 =	sor.u32 s4, s0;
	s1 =	sshll.u32 s1, $0x11  }
0xca: {  	s0 =	sor.u32 s1, s0  }
0xcb: {  	s0 =	sadd.s32 $0x8F2B, s0  }
0xcc: {  	[sflag:s0] =	ssyncadd.remote.s32 $0x1  }
0xcd: {  	_ =	sfence.sel $0xFFFF  }
0xce: {  	[dreg:$0x0] =	wrdreg $0xFFFFFFFF;
	(pc) =	sbr.abs _section_cstart, $3  }
0xcf: {  	[dreg:$0x1] =	wrdreg $0xFFFFFFFF  }
0xd0: {  	_ =	task.clear_ibuf [dreg:s22], $0x2FFFF;
	_ =	strace $0x9FFFFFFF  }
0xd1: {  	(tm) =	ssettm $0x7FFFFFFF  }
tec
execute0_lowered:
.L_overlay_start_1:
0x0: {  	(tag) =	ssettag $0x1  }
0x1: {  	s0 =	srdreg.scid;
	s6 =	rddreg [dreg:$0x0]  }
0x2: {  	s2 =	rddreg [dreg:$0x1];
	s3 =	simm.s32 $0x0;
	s14 =	simm.s32 $0x1  }
0x3: {  	s15 =	simm.s32 $0x2;
	s5 =	sand.u32 $0x1, s0;
	s0 =	stileid.u32  }
0x4: {  	s16 =	simm.s32 $0x2700;
	s17 =	simm.s32 $0x0;
	s7 =	smul.u32 $0x14000, s0  }
0x5: {  	[smem:$0x7FF] =	sst s3;
	s1 =	sshll.u32 s5, $0x4;
	s8 =	smul.u32 $0x140000, s5  }
0x6: {  	s5 =	ssub.s32 $0x2, s5;
	s29 =	smul.u32 $0x50000, s0;
	s31 =	sshll.u32 s0, $0x6  }
0x7: {  	s4 =	sor.u32 s0, s1;
	s1 =	rddreg [dreg:$0x2];
	_ =	strace $0x8000004A  }
0x8: {  	s11 =	sshrl.u32 s5, $0x1;
	s4 =	smul.u32 $0x500, s4;
	s10 =	sshrl.u32 s7, $0x3  }
0x9: {  	s7 =	sadd.s32 s7, s8;
	s11 =	ssub.s32 s5, s11;
	s30 =	sshrl.u32 s29, $0x2  }
0xa: {  	s10 =	sadd.s32 s10, s6;
	s7 =	sshrl.u32 s7, $0x3;
	s13 =	sadd.s32 s30, s2  }
0xb: {  	s9 =	sadd.s32 s4, s6;
	s4 =	sadd.s32 $0xC7000, s6;
	s12 =	sadd.s32 s7, s6  }
0xc: {  	s5 =	sadd.s32 $0x45000, s10;
	s6 =	sor.u32 $0x1C03, s31;
	s10 =	sshrl.u32 s13, $0x3  }
0xd: {  	s13 =	simm.s32 $0x80;
	s7 =	sadd.s32 $0xBD000, s9;
	s8 =	sadd.s32 $0xC7800, s12  }
0xe: {  	s9 =	smax.u32 s11, $0x1;
	s11 =	simm.s32 $0x3;
	s12 =	simm.s32 $0x2800  }
.LBB2_1:
0xf: {  	[spmem:s10], [sflag:s6] =	dma.local [hbm:s5], $0x2800  }
0x10: {  	_ =	swait.ge [sflag:s11], $0x2800  }
0x11: {  	[sflag:s11] =	ssyncset.done $0x0  }
0x12: {  	[sflag:s11] =	ssyncadd.s32 $0xFFFFD800  }
0x13: {  	[tilespmem:s3], [sflag:$0x3] =	stream.linear.gather [hbm4b:s7+s3], $0x2780, $0x38;
	[tilespmem:$0x1A800] =	vst v63  }
0x14: {  	_ =	swait.ge [sflag:s11], $0x2780  }
0x15: {  	[sflag:s11] =	ssyncset.done $0x0  }
0x16: {  	[sflag:s11] =	ssyncadd.s32 $0xFFFFD880  }
0x17: {  	[tilespmem:s12], [sflag:$0x3] =	stream.linear.gather [hbm4b:s4+s3], $0x4000, $0x38;
	[tilespmem:$0x1A800] =	vst v63  }
0x18: {  	_ =	swait.ge [sflag:s11], $0x4000  }
0x19: {  	[sflag:s11] =	ssyncset.done $0x0  }
0x1a: {  	[sflag:s11] =	ssyncadd.s32 $0xFFFFC000  }
0x1b: {  	s18 =	simm.s32 $0x0;
	[bflag:$0x0] =	sbarrier.arrive $0xFFFF  }
0x1c: {  	[spmem:s2] =	stream.indirect.scatter.add.f32 [tilespmem:s12], [sflag:$0x1], $0x80, s18, s13, $0xb8;
	[tilespmem:$0x1A800] =	vst v63  }
0x1d: {  	s31 =	simm.s32 $0x80  }
0x1e: {  	[spmem:s2] =	stream.indirect.scatter.add.f32 [tilespmem:s12], [sflag:$0x2], $0x80, s31, s13, $0xb8;
	[tilespmem:$0x1A800] =	vst v63  }
0x1f: {  	_ =	swait.ge [sflag:s14], $0x4000  }
0x20: {  	[sflag:s14] =	ssyncset.done $0x0  }
0x21: {  	[sflag:s14] =	ssyncadd.s32 $0xFFFFC000  }
0x22: {  	_ =	swait.ge [sflag:s15], $0x4000  }
0x23: {  	s19 =	simm.s32 $0x800;
	s18 =	simm.s32 $0x400;
	[sflag:s15] =	ssyncset.done $0x0  }
.LBB2_2:
0x24: {  	s20 =	sshra.s32 s18, $0x2  }
0x25: {  	[sflag:s15] =	ssyncadd.s32 $0xFFFFC000;
	s18 =	smov.u32 s19;
	s21 =	sadd.s32 $0x400, s19  }
0x26: {  	[spmem:s2] =	stream.indirect.scatter.add.f32 [tilespmem:s12], [sflag:$0x1], $0x80, s20, s13, $0xb8;
	[tilespmem:$0x1A800] =	vst v63  }
0x27: {  	p0 =	sne.s32 s19, $0x9800;
	s19 =	sadd.s32 $0x80, s20  }
0x28: {  	[spmem:s2] =	stream.indirect.scatter.add.f32 [tilespmem:s12], [sflag:$0x2], $0x80, s19, s13, $0xb8;
	[tilespmem:$0x1A800] =	vst v63  }
.Ltmp0:
0x29: {  	_ =	swait.ge [sflag:s14], $0x4000;
	(pc) =	sbr.rel @p0 .LBB2_2-.Ltmp0, $4  }
0x2a: {  	[sflag:s14] =	ssyncset.done $0x0  }
0x2b: {  	[sflag:s14] =	ssyncadd.s32 $0xFFFFC000  }
0x2c: {  	_ =	swait.ge [sflag:s15], $0x4000  }
0x2d: {  	s19 =	smov.u32 s21;
	[sflag:s15] =	ssyncset.done $0x0  }
0x2e: {  	s18 =	sshra.s32 s18, $0x2;
	[sflag:s15] =	ssyncadd.s32 $0xFFFFC000  }
0x2f: {  	[spmem:s2] =	stream.indirect.scatter.add.f32 [tilespmem:s12], [sflag:$0x1], $0x80, s18, s13, $0xb8;
	[tilespmem:$0x1A800] =	vst v63  }
0x30: {  	s18 =	sadd.s32 $0x80, s18  }
0x31: {  	[spmem:s2] =	stream.indirect.scatter.add.f32 [tilespmem:s12], [sflag:$0x2], $0x80, s18, s13, $0xb8;
	[tilespmem:$0x1A800] =	vst v63  }
0x32: {  	_ =	swait.ge [sflag:s14], $0x4000  }
0x33: {  	[sflag:s14] =	ssyncset.done $0x0  }
0x34: {  	[sflag:s14] =	ssyncadd.s32 $0xFFFFC000  }
0x35: {  	_ =	swait.ge [sflag:s15], $0x4000  }
0x36: {  	[sflag:s15] =	ssyncset.done $0x0  }
0x37: {  	[sflag:s15] =	ssyncadd.s32 $0xFFFFC000  }
0x38: {  	[spmem:s2] =	stream.indirect.scatter.add.f32 [tilespmem:s12], [sflag:$0x3], $0x80, s16, s13, $0xb8;
	[tilespmem:$0x1A800] =	vst v63  }
0x39: {  	_ =	swait.ge [sflag:s11], $0x4000  }
0x3a: {  	s17 =	sadd.s32 $0x1, s17;
	[sflag:s11] =	ssyncset.done $0x0  }
0x3b: {  	p0 =	sne.s32 s17, s9;
	[sflag:s11] =	ssyncadd.s32 $0xFFFFC000  }
.Ltmp1:
0x3c: {  	[bflag:$0x0] =	sbarrier.arrive $0xFFFF;
	(pc) =	sbr.rel @p0 .LBB2_1-.Ltmp1, $4  }
0x3d: {  	[hbm:s8], [sflag:s6] =	dma.local [spmem:s10], $0x2800  }
0x3e: {  	_ =	swait.ge [sflag:s11], $0x2800  }
0x3f: {  	[sflag:s11] =	ssyncset.done $0x0  }
0x40: {  	[sflag:s11] =	ssyncadd.s32 $0xFFFFD800  }
0x41: {  	_ =	sfence.sel $0x180000  }
0x42: {  	[bflag:$0x0] =	sbarrier.arrive $0xFFFF  }
0x43: {  	p0 =	sne.s32 s0, $0x0;
	_ =	strace $0x9000004A  }
0x44: {  	s0 =	sadd.s32 @!p0 $0x100000, s1;
	[bflag:$0x2] =	sbarrier.arrive $0xFFFF  }
0x45: {  	[sflag:s0] =	ssyncadd.tile.s32 @!p0 $0x1;
	_ =	shalt  }
.Lfunc_end2:
_tile_overlayer_lowered:
.L_overlay_start_2:
0x46: {  	(tag) =	ssettag $0x2  }
0x47: {  	s0 =	rddreg [dreg:$0x0];
	s2 =	stileid.u32  }
0x48: {  	s1 =	rddreg [dreg:$0x1];
	p0 =	sne.s32 s2, $0x0  }
0x49: {  	s3 =	rddreg [dreg:$0x2];
	[bflag:$0x3] =	sbarrier.arrive $0xFFFF;
	s2 =	simm.s32 @!p0 $0x1C03  }
0x4a: {  	[timem:s3], [sflag:s2] =	dma.local @!p0 [hbm:s0], s1  }
0x4b: {  	s0 =	simm.s32 @!p0 $0x3  }
0x4c: {  	_ =	swait.ge @!p0 [sflag:s0], s1  }
0x4d: {  	s1 =	ssub.s32 @!p0 $0x0, s1;
	[sflag:s0] =	ssyncset.done @!p0 $0x0  }
0x4e: {  	[sflag:s0] =	ssyncadd.s32 @!p0 s1  }
0x4f: {  	[bflag:$0x3] =	sbarrier.arrive $0xFFFF  }
0x50: {  	_ =	shalt  }

// kernel: kernel.13.cloned.1.call-start
scs
__scs_entry_jumppad:
0x0: {  	(pc) =	sbr.rel $0x88, $3  }
0x1: {  	(tag) =	ssettag $0x0;
	lr =	simm.s32 $0x1  }
0x2: {  	[smem:$0x3F94] =	sst lr;
	_ =	strace $0xD0000000  }
0x3: {  	_ = 	snop  }
0x4: {  	_ = 	snop  }
0x5: {  	_ = 	snop  }
0x6: {  	_ = 	snop  }
0x7: {  	_ = 	snop  }
__scs_overlays_trampoline_lowered:
0x8: {  	[smem:$0x3FA3] =	sst s0  }
0x9: {  	[smem:$0x3FA4] =	sst s1  }
0xa: {  	[smem:$0x3FA5] =	sst s2  }
0xb: {  	[smem:$0x3FA6] =	sst s3  }
0xc: {  	[smem:$0x3FA7] =	sst s4  }
0xd: {  	[smem:$0x3FA8] =	sst s5  }
0xe: {  	[smem:$0x3FA9] =	sst s6  }
0xf: {  	[smem:$0x3FAA] =	sst s7  }
0x10: {  	[smem:$0x3FAB] =	sst s8  }
0x11: {  	[smem:$0x3FAC] =	sst s9;
	s0 =	simm.s32 @!p0 $0x0  }
0x12: {  	s1 =	sld [smem:$0x3F92];
	s0 =	simm.s32 @p0 $0x1  }
0x13: {  	[smem:$0x3FAD] =	sst s0;
	s0 =	simm.s32 @!p1 $0x0  }
0x14: {  	s2 =	sld [smem:$0x3F91];
	s0 =	simm.s32 @p1 $0x1  }
0x15: {  	[smem:$0x3FAE] =	sst s0;
	s0 =	simm.s32 @!p2 $0x0  }
0x16: {  	s3 =	sld [smem:$0x3FDB];
	s0 =	simm.s32 @p2 $0x1  }
0x17: {  	s4 =	simm.s32 $0x1BF5;
	[smem:$0x3FB0] =	sst s0  }
0x18: {  	s0 =	sld [smem:$0x3F93];
	_ =	swait.ge [sflag:s4], $0x0  }
0x19: {  	s7 =	sld [smem:$0x3F94]  }
0x1a: {  	s8 =	sadd.s32 $0xFFFFE003, lr  }
0x1b: {  	s9 =	sadd.s32 $0xFFFFFEF7, lr;
	s5 =	simm.s32 $0xFFFFFFFF;
	p2 =	slt.u32 s8, $0xFFFFF086  }
0x1c: {  	p1 =	slt.u32 s9, $0xF7A;
	s5 =	simm.s32 @!p2 $0x0  }
0x1d: {  	s5 =	simm.s32 @p1 $0x1;
	p0 =	seq.s32 s7, s2  }
0x1e: {  	s7 =	smul.u32 @!p0 $0xF7A, s2;
	p2 =	seq.s32 @!p0 s5, $0x0  }
0x1f: {  	s9 =	smul.u32 $0xF7A, s1;
	s8 =	simm.s32 @!p0 $0x1BF5;
	p2 =	por !p2, p0  }
0x20: {  	[sflag:s8] =	ssyncset.s32 @!p0 $0xFFFFF086;
	s6 =	sadd.s32 @!p0 s3, s7;
	s7 =	simm.s32 @!p0 $0x108  }
0x21: {  	s3 =	sadd.s32 s3, s9;
	s6 =	sadd.s32 @!p0 $0x88, s6;
	s7 =	simm.s32 @p2 $0x1082  }
0x22: {  	[simem:s7], [sflag:s8] =	dma.local @!p0 [hbm:s6], $0xF7A  }
0x23: {  	s9 =	sor.u32 $0xD0000000, s2;
	s6 =	simm.s32 $0x108;
	_ =	swait.ge @!p0 [sflag:s8], $0x0  }
0x24: {  	s3 =	sadd.s32 $0x88, s3;
	s6 =	simm.s32 @!p1 $0x1082;
	[sflag:s4] =	ssyncset.s32 $0xFFFFF086  }
0x25: {  	[simem:s6], [sflag:s4] =	dma.local [hbm:s3], $0xF7A  }
0x26: {  	[smem:$0x3F94] =	sst s1;
	(tag) =	ssettag s2;
	_ =	strace s9  }
0x27: {  	s1 =	sld [smem:$0x3FA4]  }
0x28: {  	s2 =	sld [smem:$0x3FA5]  }
0x29: {  	s4 =	sld [smem:$0x3FA7]  }
0x2a: {  	p0 =	seq.s32 s5, $0x0;
	s5 =	sld [smem:$0x3FA8]  }
0x2b: {  	s6 =	sld [smem:$0x3FA9]  }
0x2c: {  	s7 =	sld [smem:$0x3FAA]  }
0x2d: {  	s3 =	simm.s32 $0x108;
	s8 =	sld [smem:$0x3FAB]  }
0x2e: {  	s3 =	simm.s32 @!p0 $0x1082;
	s9 =	sld [smem:$0x3FAC]  }
0x2f: {  	lr =	sadd.s32 s0, s3;
	s0 =	sld [smem:$0x3FA3]  }
0x30: {  	s3 =	sld [smem:$0x3FA6]  }
0x31: {  	[smem:$0x3FAF] =	sst s10  }
0x32: {  	s10 =	sld [smem:$0x3FAD];
	_ =	sdelay $0x3  }
0x33: {  	p0 =	seq.s32 s10, $0x1;
	s10 =	sld [smem:$0x3FAF];
	_ =	sdelay $0x3  }
0x34: {  	[smem:$0x3FAF] =	sst s10  }
0x35: {  	s10 =	sld [smem:$0x3FAE];
	_ =	sdelay $0x3  }
0x36: {  	p1 =	seq.s32 s10, $0x1;
	s10 =	sld [smem:$0x3FAF];
	_ =	sdelay $0x3  }
0x37: {  	[smem:$0x3FAF] =	sst s10  }
0x38: {  	s10 =	sld [smem:$0x3FB0]  }
0x39: {  	_ = 	snop;
	(pc) =	sbr.ind lr, $3  }
0x3a: {  	_ = 	snop  }
0x3b: {  	_ = 	snop  }
0x3c: {  	p2 =	seq.s32 s10, $0x1;
	s10 =	sld [smem:$0x3FAF]  }
0x3d: {  	_ =	shalt  }
0x3e: {  	_ =	shalt  }
0x3f: {  	_ =	shalt  }
0x40: {  	_ =	shalt  }
0x41: {  	_ =	shalt  }
0x42: {  	_ =	shalt  }
0x43: {  	_ =	shalt  }
0x44: {  	_ =	shalt  }
0x45: {  	_ =	shalt  }
0x46: {  	_ =	shalt  }
0x47: {  	_ =	shalt  }
0x48: {  	_ =	shalt  }
0x49: {  	_ =	shalt  }
0x4a: {  	_ =	shalt  }
0x4b: {  	_ =	shalt  }
0x4c: {  	_ =	shalt  }
0x4d: {  	_ =	shalt  }
0x4e: {  	_ =	shalt  }
0x4f: {  	_ =	shalt  }
0x50: {  	_ =	shalt  }
0x51: {  	_ =	shalt  }
0x52: {  	_ =	shalt  }
0x53: {  	_ =	shalt  }
0x54: {  	_ =	shalt  }
0x55: {  	_ =	shalt  }
0x56: {  	_ =	shalt  }
0x57: {  	_ =	shalt  }
0x58: {  	_ =	shalt  }
0x59: {  	_ =	shalt  }
0x5a: {  	_ =	shalt  }
0x5b: {  	_ =	shalt  }
0x5c: {  	_ =	shalt  }
0x5d: {  	_ =	shalt  }
0x5e: {  	_ =	shalt  }
0x5f: {  	_ =	shalt  }
0x60: {  	_ =	shalt  }
0x61: {  	_ =	shalt  }
0x62: {  	_ =	shalt  }
0x63: {  	_ =	shalt  }
0x64: {  	_ =	shalt  }
0x65: {  	_ =	shalt  }
0x66: {  	_ =	shalt  }
0x67: {  	_ =	shalt  }
0x68: {  	_ =	shalt  }
0x69: {  	_ =	shalt  }
0x6a: {  	_ =	shalt  }
0x6b: {  	_ =	shalt  }
0x6c: {  	_ =	shalt  }
0x6d: {  	_ =	shalt  }
0x6e: {  	_ =	shalt  }
0x6f: {  	_ =	shalt  }
0x70: {  	_ =	shalt  }
0x71: {  	_ =	shalt  }
0x72: {  	_ =	shalt  }
0x73: {  	_ =	shalt  }
0x74: {  	_ =	shalt  }
0x75: {  	_ =	shalt  }
0x76: {  	_ =	shalt  }
0x77: {  	_ =	shalt  }
0x78: {  	_ =	shalt  }
0x79: {  	_ =	shalt  }
0x7a: {  	_ =	shalt  }
0x7b: {  	_ =	shalt  }
0x7c: {  	_ =	shalt  }
0x7d: {  	_ =	shalt  }
0x7e: {  	_ =	shalt  }
0x7f: {  	_ =	shalt  }
0x80: {  	_ =	shalt  }
0x81: {  	_ =	shalt  }
0x82: {  	_ =	shalt  }
0x83: {  	_ =	shalt  }
0x84: {  	_ =	shalt  }
0x85: {  	_ =	shalt  }
0x86: {  	_ =	shalt  }
0x87: {  	_ =	shalt  }
.Lfunc_end0:
.L_simem_size_0:
called_computation.1_lowered:
.L_overlay_start_0:
0x88: {  	s2 =	sld [smem:$0x3FD9]  }
0x89: {  	s3 =	sld [smem:$0x3FFE];
	_ =	sdelay $0x1  }
0x8a: {  	s1 =	srdreg.scid  }
0x8b: {  	s0 =	sand.u32 $0x1, s1  }
0x8c: {  	s16 =	sshll.u32 s0, $0xA;
	s2 =	sadd.s32 s3, s2  }
0x8d: {  	s2 =	sadd.s32 s2, s16  }
0x8e: {  	[smem:$0x3FBB] =	sst s2  }
0x8f: {  	_ = 	snop  }
0x90: {  	(tm) =	ssettm $0x1  }
0x91: {  	s17 =	sld [smem:$0x3FFB];
	_ =	sdelay $0x3  }
0x92: {  	_ =	strace s17  }
0x93: {  	s2 =	sld [smem:$0x3FFC];
	_ =	sdelay $0x3  }
0x94: {  	_ =	strace s2  }
0x95: {  	s2 =	sld [smem:$0x3FFD];
	_ =	sdelay $0x3  }
0x96: {  	_ =	strace s2  }
0x97: {  	_ =	strace $0x8FFFFFFF  }
0x98: {  	s18 =	sld [smem:$0x3FDB];
	_ =	sdelay $0x1  }
0x99: {  	s19 =	simm.s32 $_scs_section_size  }
0x9a: {  	s4 =	simm.s32 $_size__tile_overlayer_lowered;
	s5 =	simm.s32 $_tile_overlayer_lowered  }
0x9b: {  	s22 =	simm.s32 $0x1BFF;
	s21 =	sshll.u32 s5, $0x1;
	s2 =	sadd.s32 s19, s18  }
0x9c: {  	s6 =	simm.s32 $0x0;
	s20 =	sshll.u32 s4, $0x1;
	s4 =	sadd.s32 s21, s2  }
0x9d: {  	[timem:s6], [sflag:s22] =	dma.local [hbm:s4], s20  }
0x9e: {  	_ =	swait.ge [sflag:s22], s20  }
0x9f: {  	s3 =	ssub.s32 $0x0, s20;
	[sflag:s22] =	ssyncset.done $0x0  }
0xa0: {  	[sflag:s22] =	ssyncadd.s32 s3;
	_ =	sdelay $0x1  }
0xa1: {  	s23 =	simm.s32 $0x1B8B  }
0xa2: {  	_ =	swait.ge [sflag:s23], $0x1  }
0xa3: {  	[sflag:s23] =	ssyncset.done $0x0  }
0xa4: {  	s25 =	simm.s32 $0x1B8E;
	s24 =	sld [smem:$0x3FFE];
	[sflag:s23] =	ssyncadd.s32 $0xFFFFFFFF  }
0xa5: {  	s26 =	simm.s32 $execute0_lowered;
	[smem:$0x3FD2] =	sst s25  }
0xa6: {  	s4 =	sshll.u32 s26, $0x1;
	_ =	strace $0x80000046;
	[dreg:$0x1] =	wrdreg $0xFFFFFFFF  }
0xa7: {  	s28 =	simm.s32 $_size_execute0_lowered;
	s2 =	sadd.s32 s2, s4;
	[dreg:$0x0] =	wrdreg $0x0  }
0xa8: {  	s4 =	sshll.u32 s28, $0x1;
	[dreg:$0x2] =	wrdreg s2  }
0xa9: {  	[dreg:$0x3] =	wrdreg s4  }
0xaa: {  	[dreg:$0x4] =	wrdreg $0xC0  }
0xab: {  	_ =	task [dreg:s6], $0x5FFFF  }
0xac: {  	[dreg:$0x1] =	wrdreg $0xFFFFFFFF  }
0xad: {  	[dreg:$0x0] =	wrdreg $0x60  }
0xae: {  	[dreg:$0x2] =	wrdreg s24  }
0xaf: {  	[dreg:$0x3] =	wrdreg $0xB7800  }
0xb0: {  	[dreg:$0x4] =	wrdreg $0xA  }
0xb1: {  	_ =	task.clear_ibuf [dreg:s6], $0x5FFFF;
	_ =	strace $0x90000046  }
0xb2: {  	s29 =	simm.s32 $0xA;
	_ =	strace $0x80000048  }
0xb3: {  	_ =	swait.ge [sflag:s29], $0x1  }
0xb4: {  	[sflag:s29] =	ssyncadd.s32 $0xFFFFFFFF  }
0xb5: {  	_ =	strace $0x90000048  }
0xb6: {  	_ =	sfence  }
0xb7: {  	s30 =	sld [smem:$0x0];
	_ =	sdelay $0x2  }
0xb8: {  	s31 =	sshll.u32 s1, $0xD;
	s1 =	sshrl.u32 s1, $0x2  }
0xb9: {  	s3 =	sand.u32 $0x4000, s31;
	s1 =	sadd.s32 s1, s30  }
0xba: {  	s0 =	sor.u32 s3, s0;
	s1 =	sshll.u32 s1, $0x11  }
0xbb: {  	s0 =	sor.u32 s1, s0  }
0xbc: {  	s0 =	sadd.s32 $0x8F2B, s0  }
0xbd: {  	[sflag:s0] =	ssyncadd.remote.s32 $0x1  }
0xbe: {  	_ =	sfence.sel $0xFFFF  }
0xbf: {  	[dreg:$0x0] =	wrdreg $0xFFFFFFFF;
	(pc) =	sbr.abs _section_cstart, $3  }
0xc0: {  	[dreg:$0x1] =	wrdreg $0xFFFFFFFF  }
0xc1: {  	_ =	task.clear_ibuf [dreg:s6], $0x2FFFF;
	_ =	strace $0x9FFFFFFF  }
0xc2: {  	(tm) =	ssettm $0x7FFFFFFF  }
0xc3: {  	_ =	shalt  }
tec
execute0_lowered:
.L_overlay_start_1:
0x0: {  	(tag) =	ssettag $0x1  }
0x1: {  	s6 =	rddreg [dreg:$0x0]  }
0x2: {  	s0 =	srdreg.scid;
	s2 =	rddreg [dreg:$0x1]  }
0x3: {  	s3 =	simm.s32 $0x0;
	s14 =	simm.s32 $0x50;
	s15 =	simm.s32 $0x6780  }
0x4: {  	s16 =	simm.s32 $0x8F80;
	s17 =	simm.s32 $0x1;
	s18 =	simm.s32 $0x2  }
0x5: {  	s19 =	simm.s32 $0x3;
	s20 =	simm.s32 $0x4;
	s21 =	simm.s32 $0x6480  }
0x6: {  	s22 =	simm.s32 $0x6500;
	s5 =	sand.u32 $0x1, s0;
	s0 =	stileid.u32  }
0x7: {  	s23 =	simm.s32 $0x26C0;
	s24 =	simm.s32 $0x6580;
	s8 =	smul.u32 $0x14000, s0  }
0x8: {  	s25 =	simm.s32 $0x0;
	[smem:$0x7FF] =	sst s3;
	s10 =	smul.u32 $0x140000, s5  }
0x9: {  	s1 =	sshll.u32 s5, $0x4;
	s26 =	smul.u32 $0x50000, s0;
	s5 =	ssub.s32 $0x2, s5  }
0xa: {  	s31 =	sshll.u32 s0, $0x6;
	s4 =	sor.u32 s0, s1;
	s1 =	rddreg [dreg:$0x2]  }
0xb: {  	_ =	strace $0x80000047;
	s28 =	sshrl.u32 s5, $0x1;
	s7 =	smul.u32 $0x4E2, s4  }
0xc: {  	s9 =	sshll.u32 s4, $0xB;
	s4 =	sadd.s32 $0x1D000, s6;
	s11 =	sshrl.u32 s8, $0x3  }
0xd: {  	s8 =	sadd.s32 s8, s10;
	s29 =	sshrl.u32 s26, $0x2;
	s30 =	ssub.s32 s5, s28  }
0xe: {  	s9 =	sadd.s32 s9, s6;
	s11 =	sadd.s32 s11, s6;
	s8 =	sshrl.u32 s8, $0x3  }
0xf: {  	s13 =	sadd.s32 s29, s2;
	s10 =	smax.u32 s30, $0x1;
	s7 =	sadd.s32 s7, s6  }
0x10: {  	s12 =	sadd.s32 s8, s6;
	s5 =	sadd.s32 $0x45000, s11;
	s6 =	sor.u32 $0x1C05, s31  }
0x11: {  	s8 =	sadd.s32 $0xD000, s9;
	s11 =	sshrl.u32 s13, $0x3;
	s13 =	simm.s32 $0x2780  }
0x12: {  	s7 =	sadd.s32 $0x3200, s7;
	s9 =	sadd.s32 $0x6D000, s12;
	s12 =	simm.s32 $0x5  }
.LBB2_1:
0x13: {  	[spmem:s11], [sflag:s6] =	dma.local [hbm:s5], $0x2800  }
0x14: {  	_ =	swait.ge [sflag:s12], $0x2800  }
0x15: {  	[sflag:s12] =	ssyncset.done $0x0  }
0x16: {  	[sflag:s12] =	ssyncadd.s32 $0xFFFFD800  }
0x17: {  	[tilespmem:s3], [sflag:$0x5] =	stream.linear.gather [hbm4b:s7+s3], $0x2710, $0x38;
	[tilespmem:$0x1F780] =	vst v63  }
0x18: {  	_ =	swait.ge [sflag:s12], $0x2710  }
0x19: {  	[sflag:s12] =	ssyncset.done $0x0  }
0x1a: {  	[sflag:s12] =	ssyncadd.s32 $0xFFFFD8F0  }
0x1b: {  	[tilespmem:s13], [sflag:$0x5] =	stream.linear.gather [hbm4b:s8+s3], $0x3E80, $0x38;
	[tilespmem:$0x1F780] =	vst v63  }
0x1c: {  	_ =	swait.ge [sflag:s12], $0x3E80  }
0x1d: {  	[sflag:s12] =	ssyncset.done $0x0  }
0x1e: {  	[sflag:s12] =	ssyncadd.s32 $0xFFFFC180  }
0x1f: {  	[bflag:$0x0] =	sbarrier.arrive $0xFFFF  }
0x20: {  	[tilespmem:s15], [sflag:$0x1] =	stream.indirect.gather [hbm4b:s4+s14], $0x80, s3, s14, $0xb8;
	[tilespmem:$0x1F780] =	vst v63  }
0x21: {  	_ = 	snop  }
0x22: {  	[tilespmem:s16], [sflag:$0x2] =	stream.indirect.gather [hbm4b:s4+s14], $0x80, s14, s14, $0xb8;
	[tilespmem:$0x1F780] =	vst v63  }
0x23: {  	_ =	swait.ge [sflag:s17], $0x2800  }
0x24: {  	[sflag:s17] =	ssyncset.done $0x0  }
0x25: {  	s26 =	simm.s32 $0x2780;
	[sflag:s17] =	ssyncadd.s32 $0xFFFFD800  }
0x26: {  	[spmem:s2] =	stream.indirect.scatter.add.f32 [tilespmem:s15], [sflag:$0x3], $0x80, s26, s14, $0xb8;
	[tilespmem:$0x1F780] =	vst v63  }
0x27: {  	_ =	swait.ge [sflag:s18], $0x2800  }
0x28: {  	[sflag:s18] =	ssyncset.done $0x0  }
0x29: {  	s30 =	simm.s32 $0x2800;
	[sflag:s18] =	ssyncadd.s32 $0xFFFFD800  }
0x2a: {  	[spmem:s2] =	stream.indirect.scatter.add.f32 [tilespmem:s16], [sflag:$0x4], $0x80, s30, s14, $0xb8;
	[tilespmem:$0x1F780] =	vst v63  }
0x2b: {  	_ =	swait.ge [sflag:s19], $0x2800  }
0x2c: {  	[sflag:s19] =	ssyncset.done $0x0  }
0x2d: {  	s31 =	simm.s32 $0xA0;
	[sflag:s19] =	ssyncadd.s32 $0xFFFFD800  }
0x2e: {  	[tilespmem:s15], [sflag:$0x1] =	stream.indirect.gather [hbm4b:s4+s14], $0x80, s31, s14, $0xb8;
	[tilespmem:$0x1F780] =	vst v63  }
0x2f: {  	_ =	swait.ge [sflag:s20], $0x2800  }
0x30: {  	s28 =	simm.s32 $0x400;
	[sflag:s20] =	ssyncset.done $0x0  }
0x31: {  	s29 =	simm.s32 $0x190;
	s26 =	simm.s32 $0xF0;
	[sflag:s20] =	ssyncadd.s32 $0xFFFFD800  }
.LBB2_2:
0x32: {  	[tilespmem:s16], [sflag:$0x2] =	stream.indirect.gather [hbm4b:s4+s14], $0x80, s26, s14, $0xb8;
	[tilespmem:$0x1F780] =	vst v63  }
0x33: {  	s30 =	smov.u32 s28;
	s26 =	smov.u32 s29  }
0x34: {  	p0 =	sne.s32 s28, $0xF000;
	s28 =	sadd.s32 $0x400, s28;
	_ =	swait.ge [sflag:s17], $0x2800  }
0x35: {  	s30 =	sshra.s32 s30, $0x2;
	[sflag:s17] =	ssyncset.done $0x0  }
0x36: {  	s31 =	sadd.s32 $0x2780, s30;
	[sflag:s17] =	ssyncadd.s32 $0xFFFFD800  }
0x37: {  	[spmem:s2] =	stream.indirect.scatter.add.f32 [tilespmem:s15], [sflag:$0x3], $0x80, s31, s14, $0xb8;
	[tilespmem:$0x1F780] =	vst v63  }
0x38: {  	_ =	swait.ge [sflag:s18], $0x2800  }
0x39: {  	[sflag:s18] =	ssyncset.done $0x0  }
0x3a: {  	s30 =	sadd.s32 $0x2800, s30;
	[sflag:s18] =	ssyncadd.s32 $0xFFFFD800  }
0x3b: {  	[spmem:s2] =	stream.indirect.scatter.add.f32 [tilespmem:s16], [sflag:$0x4], $0x80, s30, s14, $0xb8;
	[tilespmem:$0x1F780] =	vst v63  }
0x3c: {  	_ =	swait.ge [sflag:s19], $0x2800  }
0x3d: {  	[sflag:s19] =	ssyncset.done $0x0  }
.Ltmp0:
0x3e: {  	s30 =	sadd.s32 $0xFFFFFFB0, s29;
	[sflag:s19] =	ssyncadd.s32 $0xFFFFD800;
	(pc) =	sbr.rel @p0 .LBB2_2-.Ltmp0, $4  }
0x3f: {  	[tilespmem:s15], [sflag:$0x1] =	stream.indirect.gather [hbm4b:s4+s14], $0x80, s30, s14, $0xb8;
	[tilespmem:$0x1F780] =	vst v63  }
0x40: {  	_ =	swait.ge [sflag:s20], $0x2800  }
0x41: {  	[sflag:s20] =	ssyncset.done $0x0  }
0x42: {  	s29 =	sadd.s32 $0xA0, s29;
	[sflag:s20] =	ssyncadd.s32 $0xFFFFD800  }
0x43: {  	[tilespmem:s16], [sflag:$0x2] =	stream.indirect.gather [hbm4b:s4+s14], $0x80, s26, s14, $0xb8;
	[tilespmem:$0x1F780] =	vst v63  }
0x44: {  	_ =	swait.ge [sflag:s17], $0x2800  }
0x45: {  	[sflag:s17] =	ssyncset.done $0x0  }
0x46: {  	[sflag:s17] =	ssyncadd.s32 $0xFFFFD800  }
0x47: {  	[spmem:s2] =	stream.indirect.scatter.add.f32 [tilespmem:s15], [sflag:$0x3], $0x80, s21, s14, $0xb8;
	[tilespmem:$0x1F780] =	vst v63  }
0x48: {  	_ =	swait.ge [sflag:s18], $0x2800  }
0x49: {  	[sflag:s18] =	ssyncset.done $0x0  }
0x4a: {  	[sflag:s18] =	ssyncadd.s32 $0xFFFFD800  }
0x4b: {  	[spmem:s2] =	stream.indirect.scatter.add.f32 [tilespmem:s16], [sflag:$0x4], $0x80, s22, s14, $0xb8;
	[tilespmem:$0x1F780] =	vst v63  }
0x4c: {  	_ =	swait.ge [sflag:s19], $0x2800  }
0x4d: {  	[sflag:s19] =	ssyncset.done $0x0  }
0x4e: {  	[sflag:s19] =	ssyncadd.s32 $0xFFFFD800  }
0x4f: {  	[tilespmem:s15], [sflag:$0x1] =	stream.indirect.gather [hbm4b:s4+s14], $0x80, s23, s14, $0xb8;
	[tilespmem:$0x1F780] =	vst v63  }
0x50: {  	_ =	swait.ge [sflag:s20], $0x2800  }
0x51: {  	[sflag:s20] =	ssyncset.done $0x0  }
0x52: {  	[sflag:s20] =	ssyncadd.s32 $0xFFFFD800  }
0x53: {  	_ =	swait.ge [sflag:s17], $0x2800  }
0x54: {  	[sflag:s17] =	ssyncset.done $0x0  }
0x55: {  	[sflag:s17] =	ssyncadd.s32 $0xFFFFD800  }
0x56: {  	[spmem:s2] =	stream.indirect.scatter.add.f32 [tilespmem:s15], [sflag:$0x5], $0x80, s24, s14, $0xb8;
	[tilespmem:$0x1F780] =	vst v63  }
0x57: {  	_ =	swait.ge [sflag:s12], $0x2800  }
0x58: {  	s25 =	sadd.s32 $0x1, s25;
	[sflag:s12] =	ssyncset.done $0x0  }
0x59: {  	p0 =	sne.s32 s25, s10;
	[sflag:s12] =	ssyncadd.s32 $0xFFFFD800  }
.Ltmp1:
0x5a: {  	[bflag:$0x0] =	sbarrier.arrive $0xFFFF;
	(pc) =	sbr.rel @p0 .LBB2_1-.Ltmp1, $4  }
0x5b: {  	[hbm:s9], [sflag:s6] =	dma.local [spmem:s11], $0x2800  }
0x5c: {  	_ =	swait.ge [sflag:s12], $0x2800  }
0x5d: {  	[sflag:s12] =	ssyncset.done $0x0  }
0x5e: {  	[sflag:s12] =	ssyncadd.s32 $0xFFFFD800  }
0x5f: {  	_ =	sfence.sel $0x180000  }
0x60: {  	[bflag:$0x0] =	sbarrier.arrive $0xFFFF  }
0x61: {  	p0 =	sne.s32 s0, $0x0;
	_ =	strace $0x90000047  }
0x62: {  	s0 =	sadd.s32 @!p0 $0x100000, s1;
	[bflag:$0x2] =	sbarrier.arrive $0xFFFF  }
0x63: {  	[sflag:s0] =	ssyncadd.tile.s32 @!p0 $0x1;
	_ =	shalt  }
.Lfunc_end2:
_tile_overlayer_lowered:
.L_overlay_start_2:
0x64: {  	(tag) =	ssettag $0x2  }
0x65: {  	s0 =	rddreg [dreg:$0x0];
	s2 =	stileid.u32  }
0x66: {  	s1 =	rddreg [dreg:$0x1];
	p0 =	sne.s32 s2, $0x0  }
0x67: {  	s3 =	rddreg [dreg:$0x2];
	[bflag:$0x3] =	sbarrier.arrive $0xFFFF;
	s2 =	simm.s32 @!p0 $0x1C05  }
0x68: {  	[timem:s3], [sflag:s2] =	dma.local @!p0 [hbm:s0], s1  }
0x69: {  	s0 =	simm.s32 @!p0 $0x5  }
0x6a: {  	_ =	swait.ge @!p0 [sflag:s0], s1  }
0x6b: {  	s1 =	ssub.s32 @!p0 $0x0, s1;
	[sflag:s0] =	ssyncset.done @!p0 $0x0  }
0x6c: {  	[sflag:s0] =	ssyncadd.s32 @!p0 s1  }
0x6d: {  	[bflag:$0x3] =	sbarrier.arrive $0xFFFF  }
0x6e: {  	_ =	shalt  }

// kernel: kernel.16.cloned.1.call-start
scs
__scs_entry_jumppad:
0x0: {  	(pc) =	sbr.rel $0x88, $3  }
0x1: {  	(tag) =	ssettag $0x0;
	lr =	simm.s32 $0x1  }
0x2: {  	[smem:$0x3F94] =	sst lr;
	_ =	strace $0xD0000000  }
0x3: {  	_ = 	snop  }
0x4: {  	_ = 	snop  }
0x5: {  	_ = 	snop  }
0x6: {  	_ = 	snop  }
0x7: {  	_ = 	snop  }
__scs_overlays_trampoline_lowered:
0x8: {  	[smem:$0x3FA3] =	sst s0  }
0x9: {  	[smem:$0x3FA4] =	sst s1  }
0xa: {  	[smem:$0x3FA5] =	sst s2  }
0xb: {  	[smem:$0x3FA6] =	sst s3  }
0xc: {  	[smem:$0x3FA7] =	sst s4  }
0xd: {  	[smem:$0x3FA8] =	sst s5  }
0xe: {  	[smem:$0x3FA9] =	sst s6  }
0xf: {  	[smem:$0x3FAA] =	sst s7  }
0x10: {  	[smem:$0x3FAB] =	sst s8  }
0x11: {  	[smem:$0x3FAC] =	sst s9;
	s0 =	simm.s32 @!p0 $0x0  }
0x12: {  	s1 =	sld [smem:$0x3F92];
	s0 =	simm.s32 @p0 $0x1  }
0x13: {  	[smem:$0x3FAD] =	sst s0;
	s0 =	simm.s32 @!p1 $0x0  }
0x14: {  	s2 =	sld [smem:$0x3F91];
	s0 =	simm.s32 @p1 $0x1  }
0x15: {  	[smem:$0x3FAE] =	sst s0;
	s0 =	simm.s32 @!p2 $0x0  }
0x16: {  	s3 =	sld [smem:$0x3FDB];
	s0 =	simm.s32 @p2 $0x1  }
0x17: {  	s4 =	simm.s32 $0x1BF5;
	[smem:$0x3FB0] =	sst s0  }
0x18: {  	s0 =	sld [smem:$0x3F93];
	_ =	swait.ge [sflag:s4], $0x0  }
0x19: {  	s7 =	sld [smem:$0x3F94]  }
0x1a: {  	s8 =	sadd.s32 $0xFFFFE003, lr  }
0x1b: {  	s9 =	sadd.s32 $0xFFFFFEF7, lr;
	s5 =	simm.s32 $0xFFFFFFFF;
	p2 =	slt.u32 s8, $0xFFFFF086  }
0x1c: {  	p1 =	slt.u32 s9, $0xF7A;
	s5 =	simm.s32 @!p2 $0x0  }
0x1d: {  	s5 =	simm.s32 @p1 $0x1;
	p0 =	seq.s32 s7, s2  }
0x1e: {  	s7 =	smul.u32 @!p0 $0xF7A, s2;
	p2 =	seq.s32 @!p0 s5, $0x0  }
0x1f: {  	s9 =	smul.u32 $0xF7A, s1;
	s8 =	simm.s32 @!p0 $0x1BF5;
	p2 =	por !p2, p0  }
0x20: {  	[sflag:s8] =	ssyncset.s32 @!p0 $0xFFFFF086;
	s6 =	sadd.s32 @!p0 s3, s7;
	s7 =	simm.s32 @!p0 $0x108  }
0x21: {  	s3 =	sadd.s32 s3, s9;
	s6 =	sadd.s32 @!p0 $0x88, s6;
	s7 =	simm.s32 @p2 $0x1082  }
0x22: {  	[simem:s7], [sflag:s8] =	dma.local @!p0 [hbm:s6], $0xF7A  }
0x23: {  	s9 =	sor.u32 $0xD0000000, s2;
	s6 =	simm.s32 $0x108;
	_ =	swait.ge @!p0 [sflag:s8], $0x0  }
0x24: {  	s3 =	sadd.s32 $0x88, s3;
	s6 =	simm.s32 @!p1 $0x1082;
	[sflag:s4] =	ssyncset.s32 $0xFFFFF086  }
0x25: {  	[simem:s6], [sflag:s4] =	dma.local [hbm:s3], $0xF7A  }
0x26: {  	[smem:$0x3F94] =	sst s1;
	(tag) =	ssettag s2;
	_ =	strace s9  }
0x27: {  	s1 =	sld [smem:$0x3FA4]  }
0x28: {  	s2 =	sld [smem:$0x3FA5]  }
0x29: {  	s4 =	sld [smem:$0x3FA7]  }
0x2a: {  	p0 =	seq.s32 s5, $0x0;
	s5 =	sld [smem:$0x3FA8]  }
0x2b: {  	s6 =	sld [smem:$0x3FA9]  }
0x2c: {  	s7 =	sld [smem:$0x3FAA]  }
0x2d: {  	s3 =	simm.s32 $0x108;
	s8 =	sld [smem:$0x3FAB]  }
0x2e: {  	s3 =	simm.s32 @!p0 $0x1082;
	s9 =	sld [smem:$0x3FAC]  }
0x2f: {  	lr =	sadd.s32 s0, s3;
	s0 =	sld [smem:$0x3FA3]  }
0x30: {  	s3 =	sld [smem:$0x3FA6]  }
0x31: {  	[smem:$0x3FAF] =	sst s10  }
0x32: {  	s10 =	sld [smem:$0x3FAD];
	_ =	sdelay $0x3  }
0x33: {  	p0 =	seq.s32 s10, $0x1;
	s10 =	sld [smem:$0x3FAF];
	_ =	sdelay $0x3  }
0x34: {  	[smem:$0x3FAF] =	sst s10  }
0x35: {  	s10 =	sld [smem:$0x3FAE];
	_ =	sdelay $0x3  }
0x36: {  	p1 =	seq.s32 s10, $0x1;
	s10 =	sld [smem:$0x3FAF];
	_ =	sdelay $0x3  }
0x37: {  	[smem:$0x3FAF] =	sst s10  }
0x38: {  	s10 =	sld [smem:$0x3FB0]  }
0x39: {  	_ = 	snop;
	(pc) =	sbr.ind lr, $3  }
0x3a: {  	_ = 	snop  }
0x3b: {  	_ = 	snop  }
0x3c: {  	p2 =	seq.s32 s10, $0x1;
	s10 =	sld [smem:$0x3FAF]  }
0x3d: {  	_ =	shalt  }
0x3e: {  	_ =	shalt  }
0x3f: {  	_ =	shalt  }
0x40: {  	_ =	shalt  }
0x41: {  	_ =	shalt  }
0x42: {  	_ =	shalt  }
0x43: {  	_ =	shalt  }
0x44: {  	_ =	shalt  }
0x45: {  	_ =	shalt  }
0x46: {  	_ =	shalt  }
0x47: {  	_ =	shalt  }
0x48: {  	_ =	shalt  }
0x49: {  	_ =	shalt  }
0x4a: {  	_ =	shalt  }
0x4b: {  	_ =	shalt  }
0x4c: {  	_ =	shalt  }
0x4d: {  	_ =	shalt  }
0x4e: {  	_ =	shalt  }
0x4f: {  	_ =	shalt  }
0x50: {  	_ =	shalt  }
0x51: {  	_ =	shalt  }
0x52: {  	_ =	shalt  }
0x53: {  	_ =	shalt  }
0x54: {  	_ =	shalt  }
0x55: {  	_ =	shalt  }
0x56: {  	_ =	shalt  }
0x57: {  	_ =	shalt  }
0x58: {  	_ =	shalt  }
0x59: {  	_ =	shalt  }
0x5a: {  	_ =	shalt  }
0x5b: {  	_ =	shalt  }
0x5c: {  	_ =	shalt  }
0x5d: {  	_ =	shalt  }
0x5e: {  	_ =	shalt  }
0x5f: {  	_ =	shalt  }
0x60: {  	_ =	shalt  }
0x61: {  	_ =	shalt  }
0x62: {  	_ =	shalt  }
0x63: {  	_ =	shalt  }
0x64: {  	_ =	shalt  }
0x65: {  	_ =	shalt  }
0x66: {  	_ =	shalt  }
0x67: {  	_ =	shalt  }
0x68: {  	_ =	shalt  }
0x69: {  	_ =	shalt  }
0x6a: {  	_ =	shalt  }
0x6b: {  	_ =	shalt  }
0x6c: {  	_ =	shalt  }
0x6d: {  	_ =	shalt  }
0x6e: {  	_ =	shalt  }
0x6f: {  	_ =	shalt  }
0x70: {  	_ =	shalt  }
0x71: {  	_ =	shalt  }
0x72: {  	_ =	shalt  }
0x73: {  	_ =	shalt  }
0x74: {  	_ =	shalt  }
0x75: {  	_ =	shalt  }
0x76: {  	_ =	shalt  }
0x77: {  	_ =	shalt  }
0x78: {  	_ =	shalt  }
0x79: {  	_ =	shalt  }
0x7a: {  	_ =	shalt  }
0x7b: {  	_ =	shalt  }
0x7c: {  	_ =	shalt  }
0x7d: {  	_ =	shalt  }
0x7e: {  	_ =	shalt  }
0x7f: {  	_ =	shalt  }
0x80: {  	_ =	shalt  }
0x81: {  	_ =	shalt  }
0x82: {  	_ =	shalt  }
0x83: {  	_ =	shalt  }
0x84: {  	_ =	shalt  }
0x85: {  	_ =	shalt  }
0x86: {  	_ =	shalt  }
0x87: {  	_ =	shalt  }
.Lfunc_end0:
.L_simem_size_0:
called_computation.2_lowered:
.L_overlay_start_0:
0x88: {  	s2 =	sld [smem:$0x3FD9]  }
0x89: {  	s3 =	sld [smem:$0x3FFE];
	_ =	sdelay $0x1  }
0x8a: {  	s1 =	srdreg.scid  }
0x8b: {  	s0 =	sand.u32 $0x1, s1  }
0x8c: {  	s16 =	sshll.u32 s0, $0xA;
	s2 =	sadd.s32 s3, s2  }
0x8d: {  	s2 =	sadd.s32 s2, s16  }
0x8e: {  	[smem:$0x3FBB] =	sst s2  }
0x8f: {  	_ = 	snop  }
0x90: {  	(tm) =	ssettm $0x1  }
0x91: {  	s17 =	sld [smem:$0x3FFB];
	_ =	sdelay $0x3  }
0x92: {  	_ =	strace s17  }
0x93: {  	s2 =	sld [smem:$0x3FFC];
	_ =	sdelay $0x3  }
0x94: {  	_ =	strace s2  }
0x95: {  	s2 =	sld [smem:$0x3FFD];
	_ =	sdelay $0x3  }
0x96: {  	_ =	strace s2  }
0x97: {  	_ =	strace $0x8FFFFFFF  }
0x98: {  	s18 =	sld [smem:$0x3FDB];
	_ =	sdelay $0x1  }
0x99: {  	s19 =	simm.s32 $_scs_section_size  }
0x9a: {  	s4 =	simm.s32 $_size__tile_overlayer_lowered;
	s5 =	simm.s32 $_tile_overlayer_lowered  }
0x9b: {  	s22 =	simm.s32 $0x1BFF;
	s21 =	sshll.u32 s5, $0x1;
	s2 =	sadd.s32 s19, s18  }
0x9c: {  	s6 =	simm.s32 $0x0;
	s20 =	sshll.u32 s4, $0x1;
	s4 =	sadd.s32 s21, s2  }
0x9d: {  	[timem:s6], [sflag:s22] =	dma.local [hbm:s4], s20  }
0x9e: {  	_ =	swait.ge [sflag:s22], s20  }
0x9f: {  	s3 =	ssub.s32 $0x0, s20;
	[sflag:s22] =	ssyncset.done $0x0  }
0xa0: {  	[sflag:s22] =	ssyncadd.s32 s3;
	_ =	sdelay $0x1  }
0xa1: {  	s23 =	simm.s32 $0x1B8B  }
0xa2: {  	_ =	swait.ge [sflag:s23], $0x1  }
0xa3: {  	[sflag:s23] =	ssyncset.done $0x0  }
0xa4: {  	s25 =	simm.s32 $0x1B8E;
	s24 =	sld [smem:$0x3FFE];
	[sflag:s23] =	ssyncadd.s32 $0xFFFFFFFF  }
0xa5: {  	s26 =	simm.s32 $execute0_lowered;
	[smem:$0x3FD2] =	sst s25  }
0xa6: {  	s4 =	sshll.u32 s26, $0x1;
	_ =	strace $0x8000004C;
	[dreg:$0x1] =	wrdreg $0xFFFFFFFF  }
0xa7: {  	s28 =	simm.s32 $_size_execute0_lowered;
	s2 =	sadd.s32 s2, s4;
	[dreg:$0x0] =	wrdreg $0x0  }
0xa8: {  	s4 =	sshll.u32 s28, $0x1;
	[dreg:$0x2] =	wrdreg s2  }
0xa9: {  	[dreg:$0x3] =	wrdreg s4  }
0xaa: {  	[dreg:$0x4] =	wrdreg $0xC0  }
0xab: {  	_ =	task [dreg:s6], $0x5FFFF  }
0xac: {  	[dreg:$0x1] =	wrdreg $0xFFFFFFFF  }
0xad: {  	[dreg:$0x0] =	wrdreg $0x60  }
0xae: {  	[dreg:$0x2] =	wrdreg s24  }
0xaf: {  	[dreg:$0x3] =	wrdreg $0xB7800  }
0xb0: {  	[dreg:$0x4] =	wrdreg $0x9  }
0xb1: {  	_ =	task.clear_ibuf [dreg:s6], $0x5FFFF;
	_ =	strace $0x9000004C  }
0xb2: {  	s29 =	simm.s32 $0x9;
	_ =	strace $0x8000004E  }
0xb3: {  	_ =	swait.ge [sflag:s29], $0x1  }
0xb4: {  	[sflag:s29] =	ssyncadd.s32 $0xFFFFFFFF  }
0xb5: {  	_ =	strace $0x9000004E  }
0xb6: {  	_ =	sfence  }
0xb7: {  	s30 =	sld [smem:$0x0];
	_ =	sdelay $0x2  }
0xb8: {  	s31 =	sshll.u32 s1, $0xD;
	s1 =	sshrl.u32 s1, $0x2  }
0xb9: {  	s3 =	sand.u32 $0x4000, s31;
	s1 =	sadd.s32 s1, s30  }
0xba: {  	s0 =	sor.u32 s3, s0;
	s1 =	sshll.u32 s1, $0x11  }
0xbb: {  	s0 =	sor.u32 s1, s0  }
0xbc: {  	s0 =	sadd.s32 $0x8F2B, s0  }
0xbd: {  	[sflag:s0] =	ssyncadd.remote.s32 $0x1  }
0xbe: {  	_ =	sfence.sel $0xFFFF  }
0xbf: {  	[dreg:$0x0] =	wrdreg $0xFFFFFFFF;
	(pc) =	sbr.abs _section_cstart, $3  }
0xc0: {  	[dreg:$0x1] =	wrdreg $0xFFFFFFFF  }
0xc1: {  	_ =	task.clear_ibuf [dreg:s6], $0x2FFFF;
	_ =	strace $0x9FFFFFFF  }
0xc2: {  	(tm) =	ssettm $0x7FFFFFFF  }
0xc3: {  	_ =	shalt  }
tec
execute0_lowered:
.L_overlay_start_1:
0x0: {  	(tag) =	ssettag $0x1  }
0x1: {  	s6 =	rddreg [dreg:$0x0]  }
0x2: {  	s0 =	srdreg.scid;
	s2 =	rddreg [dreg:$0x1]  }
0x3: {  	s3 =	simm.s32 $0x0;
	s14 =	simm.s32 $0x50;
	s15 =	simm.s32 $0x6780  }
0x4: {  	s16 =	simm.s32 $0x8F80;
	s17 =	simm.s32 $0x1;
	s18 =	simm.s32 $0x2  }
0x5: {  	s19 =	simm.s32 $0x3;
	s20 =	simm.s32 $0x4;
	s21 =	simm.s32 $0x6480  }
0x6: {  	s22 =	simm.s32 $0x6500;
	s5 =	sand.u32 $0x1, s0;
	s0 =	stileid.u32  }
0x7: {  	s23 =	simm.s32 $0x26C0;
	s24 =	simm.s32 $0x6580;
	s8 =	smul.u32 $0x14000, s0  }
0x8: {  	s25 =	simm.s32 $0x0;
	[smem:$0x7FF] =	sst s3;
	s10 =	smul.u32 $0x140000, s5  }
0x9: {  	s1 =	sshll.u32 s5, $0x4;
	s26 =	smul.u32 $0x50000, s0;
	s5 =	ssub.s32 $0x2, s5  }
0xa: {  	s31 =	sshll.u32 s0, $0x6;
	s4 =	sor.u32 s0, s1;
	s1 =	rddreg [dreg:$0x2]  }
0xb: {  	_ =	strace $0x8000004D;
	s28 =	sshrl.u32 s5, $0x1;
	s7 =	smul.u32 $0x4E2, s4  }
0xc: {  	s9 =	sshll.u32 s4, $0xB;
	s4 =	sadd.s32 $0x1D000, s6;
	s11 =	sshrl.u32 s8, $0x3  }
0xd: {  	s8 =	sadd.s32 s8, s10;
	s29 =	sshrl.u32 s26, $0x2;
	s30 =	ssub.s32 s5, s28  }
0xe: {  	s9 =	sadd.s32 s9, s6;
	s11 =	sadd.s32 s11, s6;
	s8 =	sshrl.u32 s8, $0x3  }
0xf: {  	s13 =	sadd.s32 s29, s2;
	s10 =	smax.u32 s30, $0x1;
	s7 =	sadd.s32 s7, s6  }
0x10: {  	s12 =	sadd.s32 s8, s6;
	s5 =	sadd.s32 $0x45000, s11;
	s6 =	sor.u32 $0x1C05, s31  }
0x11: {  	s8 =	sadd.s32 $0xD000, s9;
	s11 =	sshrl.u32 s13, $0x3;
	s13 =	simm.s32 $0x2780  }
0x12: {  	s7 =	sadd.s32 $0x3200, s7;
	s9 =	sadd.s32 $0x6D000, s12;
	s12 =	simm.s32 $0x5  }
.LBB2_1:
0x13: {  	[spmem:s11], [sflag:s6] =	dma.local [hbm:s5], $0x2800  }
0x14: {  	_ =	swait.ge [sflag:s12], $0x2800  }
0x15: {  	[sflag:s12] =	ssyncset.done $0x0  }
0x16: {  	[sflag:s12] =	ssyncadd.s32 $0xFFFFD800  }
0x17: {  	[tilespmem:s3], [sflag:$0x5] =	stream.linear.gather [hbm4b:s7+s3], $0x2710, $0x38;
	[tilespmem:$0x1F780] =	vst v63  }
0x18: {  	_ =	swait.ge [sflag:s12], $0x2710  }
0x19: {  	[sflag:s12] =	ssyncset.done $0x0  }
0x1a: {  	[sflag:s12] =	ssyncadd.s32 $0xFFFFD8F0  }
0x1b: {  	[tilespmem:s13], [sflag:$0x5] =	stream.linear.gather [hbm4b:s8+s3], $0x3E80, $0x38;
	[tilespmem:$0x1F780] =	vst v63  }
0x1c: {  	_ =	swait.ge [sflag:s12], $0x3E80  }
0x1d: {  	[sflag:s12] =	ssyncset.done $0x0  }
0x1e: {  	[sflag:s12] =	ssyncadd.s32 $0xFFFFC180  }
0x1f: {  	[bflag:$0x0] =	sbarrier.arrive $0xFFFF  }
0x20: {  	[tilespmem:s15], [sflag:$0x1] =	stream.indirect.gather [hbm4b:s4+s14], $0x80, s3, s14, $0xb8;
	[tilespmem:$0x1F780] =	vst v63  }
0x21: {  	_ = 	snop  }
0x22: {  	[tilespmem:s16], [sflag:$0x2] =	stream.indirect.gather [hbm4b:s4+s14], $0x80, s14, s14, $0xb8;
	[tilespmem:$0x1F780] =	vst v63  }
0x23: {  	_ =	swait.ge [sflag:s17], $0x2800  }
0x24: {  	[sflag:s17] =	ssyncset.done $0x0  }
0x25: {  	s26 =	simm.s32 $0x2780;
	[sflag:s17] =	ssyncadd.s32 $0xFFFFD800  }
0x26: {  	[spmem:s2] =	stream.indirect.scatter.add.f32 [tilespmem:s15], [sflag:$0x3], $0x80, s26, s14, $0xb8;
	[tilespmem:$0x1F780] =	vst v63  }
0x27: {  	_ =	swait.ge [sflag:s18], $0x2800  }
0x28: {  	[sflag:s18] =	ssyncset.done $0x0  }
0x29: {  	s30 =	simm.s32 $0x2800;
	[sflag:s18] =	ssyncadd.s32 $0xFFFFD800  }
0x2a: {  	[spmem:s2] =	stream.indirect.scatter.add.f32 [tilespmem:s16], [sflag:$0x4], $0x80, s30, s14, $0xb8;
	[tilespmem:$0x1F780] =	vst v63  }
0x2b: {  	_ =	swait.ge [sflag:s19], $0x2800  }
0x2c: {  	[sflag:s19] =	ssyncset.done $0x0  }
0x2d: {  	s31 =	simm.s32 $0xA0;
	[sflag:s19] =	ssyncadd.s32 $0xFFFFD800  }
0x2e: {  	[tilespmem:s15], [sflag:$0x1] =	stream.indirect.gather [hbm4b:s4+s14], $0x80, s31, s14, $0xb8;
	[tilespmem:$0x1F780] =	vst v63  }
0x2f: {  	_ =	swait.ge [sflag:s20], $0x2800  }
0x30: {  	s28 =	simm.s32 $0x400;
	[sflag:s20] =	ssyncset.done $0x0  }
0x31: {  	s29 =	simm.s32 $0x190;
	s26 =	simm.s32 $0xF0;
	[sflag:s20] =	ssyncadd.s32 $0xFFFFD800  }
.LBB2_2:
0x32: {  	[tilespmem:s16], [sflag:$0x2] =	stream.indirect.gather [hbm4b:s4+s14], $0x80, s26, s14, $0xb8;
	[tilespmem:$0x1F780] =	vst v63  }
0x33: {  	s30 =	smov.u32 s28;
	s26 =	smov.u32 s29  }
0x34: {  	p0 =	sne.s32 s28, $0xF000;
	s28 =	sadd.s32 $0x400, s28;
	_ =	swait.ge [sflag:s17], $0x2800  }
0x35: {  	s30 =	sshra.s32 s30, $0x2;
	[sflag:s17] =	ssyncset.done $0x0  }
0x36: {  	s31 =	sadd.s32 $0x2780, s30;
	[sflag:s17] =	ssyncadd.s32 $0xFFFFD800  }
0x37: {  	[spmem:s2] =	stream.indirect.scatter.add.f32 [tilespmem:s15], [sflag:$0x3], $0x80, s31, s14, $0xb8;
	[tilespmem:$0x1F780] =	vst v63  }
0x38: {  	_ =	swait.ge [sflag:s18], $0x2800  }
0x39: {  	[sflag:s18] =	ssyncset.done $0x0  }
0x3a: {  	s30 =	sadd.s32 $0x2800, s30;
	[sflag:s18] =	ssyncadd.s32 $0xFFFFD800  }
0x3b: {  	[spmem:s2] =	stream.indirect.scatter.add.f32 [tilespmem:s16], [sflag:$0x4], $0x80, s30, s14, $0xb8;
	[tilespmem:$0x1F780] =	vst v63  }
0x3c: {  	_ =	swait.ge [sflag:s19], $0x2800  }
0x3d: {  	[sflag:s19] =	ssyncset.done $0x0  }
.Ltmp0:
0x3e: {  	s30 =	sadd.s32 $0xFFFFFFB0, s29;
	[sflag:s19] =	ssyncadd.s32 $0xFFFFD800;
	(pc) =	sbr.rel @p0 .LBB2_2-.Ltmp0, $4  }
0x3f: {  	[tilespmem:s15], [sflag:$0x1] =	stream.indirect.gather [hbm4b:s4+s14], $0x80, s30, s14, $0xb8;
	[tilespmem:$0x1F780] =	vst v63  }
0x40: {  	_ =	swait.ge [sflag:s20], $0x2800  }
0x41: {  	[sflag:s20] =	ssyncset.done $0x0  }
0x42: {  	s29 =	sadd.s32 $0xA0, s29;
	[sflag:s20] =	ssyncadd.s32 $0xFFFFD800  }
0x43: {  	[tilespmem:s16], [sflag:$0x2] =	stream.indirect.gather [hbm4b:s4+s14], $0x80, s26, s14, $0xb8;
	[tilespmem:$0x1F780] =	vst v63  }
0x44: {  	_ =	swait.ge [sflag:s17], $0x2800  }
0x45: {  	[sflag:s17] =	ssyncset.done $0x0  }
0x46: {  	[sflag:s17] =	ssyncadd.s32 $0xFFFFD800  }
0x47: {  	[spmem:s2] =	stream.indirect.scatter.add.f32 [tilespmem:s15], [sflag:$0x3], $0x80, s21, s14, $0xb8;
	[tilespmem:$0x1F780] =	vst v63  }
0x48: {  	_ =	swait.ge [sflag:s18], $0x2800  }
0x49: {  	[sflag:s18] =	ssyncset.done $0x0  }
0x4a: {  	[sflag:s18] =	ssyncadd.s32 $0xFFFFD800  }
0x4b: {  	[spmem:s2] =	stream.indirect.scatter.add.f32 [tilespmem:s16], [sflag:$0x4], $0x80, s22, s14, $0xb8;
	[tilespmem:$0x1F780] =	vst v63  }
0x4c: {  	_ =	swait.ge [sflag:s19], $0x2800  }
0x4d: {  	[sflag:s19] =	ssyncset.done $0x0  }
0x4e: {  	[sflag:s19] =	ssyncadd.s32 $0xFFFFD800  }
0x4f: {  	[tilespmem:s15], [sflag:$0x1] =	stream.indirect.gather [hbm4b:s4+s14], $0x80, s23, s14, $0xb8;
	[tilespmem:$0x1F780] =	vst v63  }
0x50: {  	_ =	swait.ge [sflag:s20], $0x2800  }
0x51: {  	[sflag:s20] =	ssyncset.done $0x0  }
0x52: {  	[sflag:s20] =	ssyncadd.s32 $0xFFFFD800  }
0x53: {  	_ =	swait.ge [sflag:s17], $0x2800  }
0x54: {  	[sflag:s17] =	ssyncset.done $0x0  }
0x55: {  	[sflag:s17] =	ssyncadd.s32 $0xFFFFD800  }
0x56: {  	[spmem:s2] =	stream.indirect.scatter.add.f32 [tilespmem:s15], [sflag:$0x5], $0x80, s24, s14, $0xb8;
	[tilespmem:$0x1F780] =	vst v63  }
0x57: {  	_ =	swait.ge [sflag:s12], $0x2800  }
0x58: {  	s25 =	sadd.s32 $0x1, s25;
	[sflag:s12] =	ssyncset.done $0x0  }
0x59: {  	p0 =	sne.s32 s25, s10;
	[sflag:s12] =	ssyncadd.s32 $0xFFFFD800  }
.Ltmp1:
0x5a: {  	[bflag:$0x0] =	sbarrier.arrive $0xFFFF;
	(pc) =	sbr.rel @p0 .LBB2_1-.Ltmp1, $4  }
0x5b: {  	[hbm:s9], [sflag:s6] =	dma.local [spmem:s11], $0x2800  }
0x5c: {  	_ =	swait.ge [sflag:s12], $0x2800  }
0x5d: {  	[sflag:s12] =	ssyncset.done $0x0  }
0x5e: {  	[sflag:s12] =	ssyncadd.s32 $0xFFFFD800  }
0x5f: {  	_ =	sfence.sel $0x180000  }
0x60: {  	[bflag:$0x0] =	sbarrier.arrive $0xFFFF  }
0x61: {  	p0 =	sne.s32 s0, $0x0;
	_ =	strace $0x9000004D  }
0x62: {  	s0 =	sadd.s32 @!p0 $0x100000, s1;
	[bflag:$0x2] =	sbarrier.arrive $0xFFFF  }
0x63: {  	[sflag:s0] =	ssyncadd.tile.s32 @!p0 $0x1;
	_ =	shalt  }
.Lfunc_end2:
_tile_overlayer_lowered:
.L_overlay_start_2:
0x64: {  	(tag) =	ssettag $0x2  }
0x65: {  	s0 =	rddreg [dreg:$0x0];
	s2 =	stileid.u32  }
0x66: {  	s1 =	rddreg [dreg:$0x1];
	p0 =	sne.s32 s2, $0x0  }
0x67: {  	s3 =	rddreg [dreg:$0x2];
	[bflag:$0x3] =	sbarrier.arrive $0xFFFF;
	s2 =	simm.s32 @!p0 $0x1C05  }
0x68: {  	[timem:s3], [sflag:s2] =	dma.local @!p0 [hbm:s0], s1  }
0x69: {  	s0 =	simm.s32 @!p0 $0x5  }
0x6a: {  	_ =	swait.ge @!p0 [sflag:s0], s1  }
0x6b: {  	s1 =	ssub.s32 @!p0 $0x0, s1;
	[sflag:s0] =	ssyncset.done @!p0 $0x0  }
0x6c: {  	[sflag:s0] =	ssyncadd.s32 @!p0 s1  }
0x6d: {  	[bflag:$0x3] =	sbarrier.arrive $0xFFFF  }
0x6e: {  	_ =	shalt  }

// kernel: kernel.19.cloned.1.call-start
scs
__scs_entry_jumppad:
0x0: {  	(pc) =	sbr.rel $0x88, $3  }
0x1: {  	(tag) =	ssettag $0x0;
	lr =	simm.s32 $0x1  }
0x2: {  	[smem:$0x3F94] =	sst lr;
	_ =	strace $0xD0000000  }
0x3: {  	_ = 	snop  }
0x4: {  	_ = 	snop  }
0x5: {  	_ = 	snop  }
0x6: {  	_ = 	snop  }
0x7: {  	_ = 	snop  }
__scs_overlays_trampoline_lowered:
0x8: {  	[smem:$0x3FA3] =	sst s0  }
0x9: {  	[smem:$0x3FA4] =	sst s1  }
0xa: {  	[smem:$0x3FA5] =	sst s2  }
0xb: {  	[smem:$0x3FA6] =	sst s3  }
0xc: {  	[smem:$0x3FA7] =	sst s4  }
0xd: {  	[smem:$0x3FA8] =	sst s5  }
0xe: {  	[smem:$0x3FA9] =	sst s6  }
0xf: {  	[smem:$0x3FAA] =	sst s7  }
0x10: {  	[smem:$0x3FAB] =	sst s8  }
0x11: {  	[smem:$0x3FAC] =	sst s9;
	s0 =	simm.s32 @!p0 $0x0  }
0x12: {  	s1 =	sld [smem:$0x3F92];
	s0 =	simm.s32 @p0 $0x1  }
0x13: {  	[smem:$0x3FAD] =	sst s0;
	s0 =	simm.s32 @!p1 $0x0  }
0x14: {  	s2 =	sld [smem:$0x3F91];
	s0 =	simm.s32 @p1 $0x1  }
0x15: {  	[smem:$0x3FAE] =	sst s0;
	s0 =	simm.s32 @!p2 $0x0  }
0x16: {  	s3 =	sld [smem:$0x3FDB];
	s0 =	simm.s32 @p2 $0x1  }
0x17: {  	s4 =	simm.s32 $0x1BF5;
	[smem:$0x3FB0] =	sst s0  }
0x18: {  	s0 =	sld [smem:$0x3F93];
	_ =	swait.ge [sflag:s4], $0x0  }
0x19: {  	s7 =	sld [smem:$0x3F94]  }
0x1a: {  	s8 =	sadd.s32 $0xFFFFE003, lr  }
0x1b: {  	s9 =	sadd.s32 $0xFFFFFEF7, lr;
	s5 =	simm.s32 $0xFFFFFFFF;
	p2 =	slt.u32 s8, $0xFFFFF086  }
0x1c: {  	p1 =	slt.u32 s9, $0xF7A;
	s5 =	simm.s32 @!p2 $0x0  }
0x1d: {  	s5 =	simm.s32 @p1 $0x1;
	p0 =	seq.s32 s7, s2  }
0x1e: {  	s7 =	smul.u32 @!p0 $0xF7A, s2;
	p2 =	seq.s32 @!p0 s5, $0x0  }
0x1f: {  	s9 =	smul.u32 $0xF7A, s1;
	s8 =	simm.s32 @!p0 $0x1BF5;
	p2 =	por !p2, p0  }
0x20: {  	[sflag:s8] =	ssyncset.s32 @!p0 $0xFFFFF086;
	s6 =	sadd.s32 @!p0 s3, s7;
	s7 =	simm.s32 @!p0 $0x108  }
0x21: {  	s3 =	sadd.s32 s3, s9;
	s6 =	sadd.s32 @!p0 $0x88, s6;
	s7 =	simm.s32 @p2 $0x1082  }
0x22: {  	[simem:s7], [sflag:s8] =	dma.local @!p0 [hbm:s6], $0xF7A  }
0x23: {  	s9 =	sor.u32 $0xD0000000, s2;
	s6 =	simm.s32 $0x108;
	_ =	swait.ge @!p0 [sflag:s8], $0x0  }
0x24: {  	s3 =	sadd.s32 $0x88, s3;
	s6 =	simm.s32 @!p1 $0x1082;
	[sflag:s4] =	ssyncset.s32 $0xFFFFF086  }
0x25: {  	[simem:s6], [sflag:s4] =	dma.local [hbm:s3], $0xF7A  }
0x26: {  	[smem:$0x3F94] =	sst s1;
	(tag) =	ssettag s2;
	_ =	strace s9  }
0x27: {  	s1 =	sld [smem:$0x3FA4]  }
0x28: {  	s2 =	sld [smem:$0x3FA5]  }
0x29: {  	s4 =	sld [smem:$0x3FA7]  }
0x2a: {  	p0 =	seq.s32 s5, $0x0;
	s5 =	sld [smem:$0x3FA8]  }
0x2b: {  	s6 =	sld [smem:$0x3FA9]  }
0x2c: {  	s7 =	sld [smem:$0x3FAA]  }
0x2d: {  	s3 =	simm.s32 $0x108;
	s8 =	sld [smem:$0x3FAB]  }
0x2e: {  	s3 =	simm.s32 @!p0 $0x1082;
	s9 =	sld [smem:$0x3FAC]  }
0x2f: {  	lr =	sadd.s32 s0, s3;
	s0 =	sld [smem:$0x3FA3]  }
0x30: {  	s3 =	sld [smem:$0x3FA6]  }
0x31: {  	[smem:$0x3FAF] =	sst s10  }
0x32: {  	s10 =	sld [smem:$0x3FAD];
	_ =	sdelay $0x3  }
0x33: {  	p0 =	seq.s32 s10, $0x1;
	s10 =	sld [smem:$0x3FAF];
	_ =	sdelay $0x3  }
0x34: {  	[smem:$0x3FAF] =	sst s10  }
0x35: {  	s10 =	sld [smem:$0x3FAE];
	_ =	sdelay $0x3  }
0x36: {  	p1 =	seq.s32 s10, $0x1;
	s10 =	sld [smem:$0x3FAF];
	_ =	sdelay $0x3  }
0x37: {  	[smem:$0x3FAF] =	sst s10  }
0x38: {  	s10 =	sld [smem:$0x3FB0]  }
0x39: {  	_ = 	snop;
	(pc) =	sbr.ind lr, $3  }
0x3a: {  	_ = 	snop  }
0x3b: {  	_ = 	snop  }
0x3c: {  	p2 =	seq.s32 s10, $0x1;
	s10 =	sld [smem:$0x3FAF]  }
0x3d: {  	_ =	shalt  }
0x3e: {  	_ =	shalt  }
0x3f: {  	_ =	shalt  }
0x40: {  	_ =	shalt  }
0x41: {  	_ =	shalt  }
0x42: {  	_ =	shalt  }
0x43: {  	_ =	shalt  }
0x44: {  	_ =	shalt  }
0x45: {  	_ =	shalt  }
0x46: {  	_ =	shalt  }
0x47: {  	_ =	shalt  }
0x48: {  	_ =	shalt  }
0x49: {  	_ =	shalt  }
0x4a: {  	_ =	shalt  }
0x4b: {  	_ =	shalt  }
0x4c: {  	_ =	shalt  }
0x4d: {  	_ =	shalt  }
0x4e: {  	_ =	shalt  }
0x4f: {  	_ =	shalt  }
0x50: {  	_ =	shalt  }
0x51: {  	_ =	shalt  }
0x52: {  	_ =	shalt  }
0x53: {  	_ =	shalt  }
0x54: {  	_ =	shalt  }
0x55: {  	_ =	shalt  }
0x56: {  	_ =	shalt  }
0x57: {  	_ =	shalt  }
0x58: {  	_ =	shalt  }
0x59: {  	_ =	shalt  }
0x5a: {  	_ =	shalt  }
0x5b: {  	_ =	shalt  }
0x5c: {  	_ =	shalt  }
0x5d: {  	_ =	shalt  }
0x5e: {  	_ =	shalt  }
0x5f: {  	_ =	shalt  }
0x60: {  	_ =	shalt  }
0x61: {  	_ =	shalt  }
0x62: {  	_ =	shalt  }
0x63: {  	_ =	shalt  }
0x64: {  	_ =	shalt  }
0x65: {  	_ =	shalt  }
0x66: {  	_ =	shalt  }
0x67: {  	_ =	shalt  }
0x68: {  	_ =	shalt  }
0x69: {  	_ =	shalt  }
0x6a: {  	_ =	shalt  }
0x6b: {  	_ =	shalt  }
0x6c: {  	_ =	shalt  }
0x6d: {  	_ =	shalt  }
0x6e: {  	_ =	shalt  }
0x6f: {  	_ =	shalt  }
0x70: {  	_ =	shalt  }
0x71: {  	_ =	shalt  }
0x72: {  	_ =	shalt  }
0x73: {  	_ =	shalt  }
0x74: {  	_ =	shalt  }
0x75: {  	_ =	shalt  }
0x76: {  	_ =	shalt  }
0x77: {  	_ =	shalt  }
0x78: {  	_ =	shalt  }
0x79: {  	_ =	shalt  }
0x7a: {  	_ =	shalt  }
0x7b: {  	_ =	shalt  }
0x7c: {  	_ =	shalt  }
0x7d: {  	_ =	shalt  }
0x7e: {  	_ =	shalt  }
0x7f: {  	_ =	shalt  }
0x80: {  	_ =	shalt  }
0x81: {  	_ =	shalt  }
0x82: {  	_ =	shalt  }
0x83: {  	_ =	shalt  }
0x84: {  	_ =	shalt  }
0x85: {  	_ =	shalt  }
0x86: {  	_ =	shalt  }
0x87: {  	_ =	shalt  }
.Lfunc_end0:
.L_simem_size_0:
called_computation.3_lowered:
.L_overlay_start_0:
0x88: {  	s2 =	sld [smem:$0x3FD9]  }
0x89: {  	s3 =	sld [smem:$0x3FFE];
	_ =	sdelay $0x1  }
0x8a: {  	s1 =	srdreg.scid  }
0x8b: {  	s0 =	sand.u32 $0x1, s1  }
0x8c: {  	s16 =	sshll.u32 s0, $0xA;
	s2 =	sadd.s32 s3, s2  }
0x8d: {  	s2 =	sadd.s32 s2, s16  }
0x8e: {  	[smem:$0x3FBB] =	sst s2  }
0x8f: {  	_ = 	snop  }
0x90: {  	(tm) =	ssettm $0x1  }
0x91: {  	s17 =	sld [smem:$0x3FFB];
	_ =	sdelay $0x3  }
0x92: {  	_ =	strace s17  }
0x93: {  	s2 =	sld [smem:$0x3FFC];
	_ =	sdelay $0x3  }
0x94: {  	_ =	strace s2  }
0x95: {  	s2 =	sld [smem:$0x3FFD];
	_ =	sdelay $0x3  }
0x96: {  	_ =	strace s2  }
0x97: {  	_ =	strace $0x8FFFFFFF  }
0x98: {  	s18 =	sld [smem:$0x3FDB];
	_ =	sdelay $0x1  }
0x99: {  	s19 =	simm.s32 $_scs_section_size  }
0x9a: {  	s4 =	simm.s32 $_size__tile_overlayer_lowered;
	s5 =	simm.s32 $_tile_overlayer_lowered  }
0x9b: {  	s22 =	simm.s32 $0x1BFF;
	s21 =	sshll.u32 s5, $0x1;
	s2 =	sadd.s32 s19, s18  }
0x9c: {  	s6 =	simm.s32 $0x0;
	s20 =	sshll.u32 s4, $0x1;
	s4 =	sadd.s32 s21, s2  }
0x9d: {  	[timem:s6], [sflag:s22] =	dma.local [hbm:s4], s20  }
0x9e: {  	_ =	swait.ge [sflag:s22], s20  }
0x9f: {  	s3 =	ssub.s32 $0x0, s20;
	[sflag:s22] =	ssyncset.done $0x0  }
0xa0: {  	[sflag:s22] =	ssyncadd.s32 s3;
	_ =	sdelay $0x1  }
0xa1: {  	s23 =	simm.s32 $0x1B8B  }
0xa2: {  	_ =	swait.ge [sflag:s23], $0x1  }
0xa3: {  	[sflag:s23] =	ssyncset.done $0x0  }
0xa4: {  	s25 =	simm.s32 $0x1B8E;
	s24 =	sld [smem:$0x3FFE];
	[sflag:s23] =	ssyncadd.s32 $0xFFFFFFFF  }
0xa5: {  	s26 =	simm.s32 $execute0_lowered;
	[smem:$0x3FD2] =	sst s25  }
0xa6: {  	s4 =	sshll.u32 s26, $0x1;
	_ =	strace $0x8000004F;
	[dreg:$0x1] =	wrdreg $0xFFFFFFFF  }
0xa7: {  	s28 =	simm.s32 $_size_execute0_lowered;
	s2 =	sadd.s32 s2, s4;
	[dreg:$0x0] =	wrdreg $0x0  }
0xa8: {  	s4 =	sshll.u32 s28, $0x1;
	[dreg:$0x2] =	wrdreg s2  }
0xa9: {  	[dreg:$0x3] =	wrdreg s4  }
0xaa: {  	[dreg:$0x4] =	wrdreg $0xC0  }
0xab: {  	_ =	task [dreg:s6], $0x5FFFF  }
0xac: {  	[dreg:$0x1] =	wrdreg $0xFFFFFFFF  }
0xad: {  	[dreg:$0x0] =	wrdreg $0x60  }
0xae: {  	[dreg:$0x2] =	wrdreg s24  }
0xaf: {  	[dreg:$0x3] =	wrdreg $0xB7800  }
0xb0: {  	[dreg:$0x4] =	wrdreg $0x9  }
0xb1: {  	_ =	task.clear_ibuf [dreg:s6], $0x5FFFF;
	_ =	strace $0x9000004F  }
0xb2: {  	s29 =	simm.s32 $0x9;
	_ =	strace $0x80000051  }
0xb3: {  	_ =	swait.ge [sflag:s29], $0x1  }
0xb4: {  	[sflag:s29] =	ssyncadd.s32 $0xFFFFFFFF  }
0xb5: {  	_ =	strace $0x90000051  }
0xb6: {  	_ =	sfence  }
0xb7: {  	s30 =	sld [smem:$0x0];
	_ =	sdelay $0x2  }
0xb8: {  	s31 =	sshll.u32 s1, $0xD;
	s1 =	sshrl.u32 s1, $0x2  }
0xb9: {  	s3 =	sand.u32 $0x4000, s31;
	s1 =	sadd.s32 s1, s30  }
0xba: {  	s0 =	sor.u32 s3, s0;
	s1 =	sshll.u32 s1, $0x11  }
0xbb: {  	s0 =	sor.u32 s1, s0  }
0xbc: {  	s0 =	sadd.s32 $0x8F2B, s0  }
0xbd: {  	[sflag:s0] =	ssyncadd.remote.s32 $0x1  }
0xbe: {  	_ =	sfence.sel $0xFFFF  }
0xbf: {  	[dreg:$0x0] =	wrdreg $0xFFFFFFFF;
	(pc) =	sbr.abs _section_cstart, $3  }
0xc0: {  	[dreg:$0x1] =	wrdreg $0xFFFFFFFF  }
0xc1: {  	_ =	task.clear_ibuf [dreg:s6], $0x2FFFF;
	_ =	strace $0x9FFFFFFF  }
0xc2: {  	(tm) =	ssettm $0x7FFFFFFF  }
0xc3: {  	_ =	shalt  }
tec
execute0_lowered:
.L_overlay_start_1:
0x0: {  	(tag) =	ssettag $0x1  }
0x1: {  	s6 =	rddreg [dreg:$0x0]  }
0x2: {  	s0 =	srdreg.scid;
	s2 =	rddreg [dreg:$0x1]  }
0x3: {  	s3 =	simm.s32 $0x0;
	s14 =	simm.s32 $0x50;
	s15 =	simm.s32 $0x6780  }
0x4: {  	s16 =	simm.s32 $0x8F80;
	s17 =	simm.s32 $0x1;
	s18 =	simm.s32 $0x2  }
0x5: {  	s19 =	simm.s32 $0x3;
	s20 =	simm.s32 $0x4;
	s21 =	simm.s32 $0x6480  }
0x6: {  	s22 =	simm.s32 $0x6500;
	s5 =	sand.u32 $0x1, s0;
	s0 =	stileid.u32  }
0x7: {  	s23 =	simm.s32 $0x26C0;
	s24 =	simm.s32 $0x6580;
	s8 =	smul.u32 $0x14000, s0  }
0x8: {  	s25 =	simm.s32 $0x0;
	[smem:$0x7FF] =	sst s3;
	s10 =	smul.u32 $0x140000, s5  }
0x9: {  	s1 =	sshll.u32 s5, $0x4;
	s26 =	smul.u32 $0x50000, s0;
	s5 =	ssub.s32 $0x2, s5  }
0xa: {  	s31 =	sshll.u32 s0, $0x6;
	s4 =	sor.u32 s0, s1;
	s1 =	rddreg [dreg:$0x2]  }
0xb: {  	_ =	strace $0x80000050;
	s28 =	sshrl.u32 s5, $0x1;
	s7 =	smul.u32 $0x4E2, s4  }
0xc: {  	s9 =	sshll.u32 s4, $0xB;
	s4 =	sadd.s32 $0x1D000, s6;
	s11 =	sshrl.u32 s8, $0x3  }
0xd: {  	s8 =	sadd.s32 s8, s10;
	s29 =	sshrl.u32 s26, $0x2;
	s30 =	ssub.s32 s5, s28  }
0xe: {  	s9 =	sadd.s32 s9, s6;
	s11 =	sadd.s32 s11, s6;
	s8 =	sshrl.u32 s8, $0x3  }
0xf: {  	s13 =	sadd.s32 s29, s2;
	s10 =	smax.u32 s30, $0x1;
	s7 =	sadd.s32 s7, s6  }
0x10: {  	s12 =	sadd.s32 s8, s6;
	s5 =	sadd.s32 $0x45000, s11;
	s6 =	sor.u32 $0x1C05, s31  }
0x11: {  	s8 =	sadd.s32 $0xD000, s9;
	s11 =	sshrl.u32 s13, $0x3;
	s13 =	simm.s32 $0x2780  }
0x12: {  	s7 =	sadd.s32 $0x3200, s7;
	s9 =	sadd.s32 $0x6D000, s12;
	s12 =	simm.s32 $0x5  }
.LBB2_1:
0x13: {  	[spmem:s11], [sflag:s6] =	dma.local [hbm:s5], $0x2800  }
0x14: {  	_ =	swait.ge [sflag:s12], $0x2800  }
0x15: {  	[sflag:s12] =	ssyncset.done $0x0  }
0x16: {  	[sflag:s12] =	ssyncadd.s32 $0xFFFFD800  }
0x17: {  	[tilespmem:s3], [sflag:$0x5] =	stream.linear.gather [hbm4b:s7+s3], $0x2710, $0x38;
	[tilespmem:$0x1F780] =	vst v63  }
0x18: {  	_ =	swait.ge [sflag:s12], $0x2710  }
0x19: {  	[sflag:s12] =	ssyncset.done $0x0  }
0x1a: {  	[sflag:s12] =	ssyncadd.s32 $0xFFFFD8F0  }
0x1b: {  	[tilespmem:s13], [sflag:$0x5] =	stream.linear.gather [hbm4b:s8+s3], $0x3E80, $0x38;
	[tilespmem:$0x1F780] =	vst v63  }
0x1c: {  	_ =	swait.ge [sflag:s12], $0x3E80  }
0x1d: {  	[sflag:s12] =	ssyncset.done $0x0  }
0x1e: {  	[sflag:s12] =	ssyncadd.s32 $0xFFFFC180  }
0x1f: {  	[bflag:$0x0] =	sbarrier.arrive $0xFFFF  }
0x20: {  	[tilespmem:s15], [sflag:$0x1] =	stream.indirect.gather [hbm4b:s4+s14], $0x80, s3, s14, $0xb8;
	[tilespmem:$0x1F780] =	vst v63  }
0x21: {  	_ = 	snop  }
0x22: {  	[tilespmem:s16], [sflag:$0x2] =	stream.indirect.gather [hbm4b:s4+s14], $0x80, s14, s14, $0xb8;
	[tilespmem:$0x1F780] =	vst v63  }
0x23: {  	_ =	swait.ge [sflag:s17], $0x2800  }
0x24: {  	[sflag:s17] =	ssyncset.done $0x0  }
0x25: {  	s26 =	simm.s32 $0x2780;
	[sflag:s17] =	ssyncadd.s32 $0xFFFFD800  }
0x26: {  	[spmem:s2] =	stream.indirect.scatter.add.f32 [tilespmem:s15], [sflag:$0x3], $0x80, s26, s14, $0xb8;
	[tilespmem:$0x1F780] =	vst v63  }
0x27: {  	_ =	swait.ge [sflag:s18], $0x2800  }
0x28: {  	[sflag:s18] =	ssyncset.done $0x0  }
0x29: {  	s30 =	simm.s32 $0x2800;
	[sflag:s18] =	ssyncadd.s32 $0xFFFFD800  }
0x2a: {  	[spmem:s2] =	stream.indirect.scatter.add.f32 [tilespmem:s16], [sflag:$0x4], $0x80, s30, s14, $0xb8;
	[tilespmem:$0x1F780] =	vst v63  }
0x2b: {  	_ =	swait.ge [sflag:s19], $0x2800  }
0x2c: {  	[sflag:s19] =	ssyncset.done $0x0  }
0x2d: {  	s31 =	simm.s32 $0xA0;
	[sflag:s19] =	ssyncadd.s32 $0xFFFFD800  }
0x2e: {  	[tilespmem:s15], [sflag:$0x1] =	stream.indirect.gather [hbm4b:s4+s14], $0x80, s31, s14, $0xb8;
	[tilespmem:$0x1F780] =	vst v63  }
0x2f: {  	_ =	swait.ge [sflag:s20], $0x2800  }
0x30: {  	s28 =	simm.s32 $0x400;
	[sflag:s20] =	ssyncset.done $0x0  }
0x31: {  	s29 =	simm.s32 $0x190;
	s26 =	simm.s32 $0xF0;
	[sflag:s20] =	ssyncadd.s32 $0xFFFFD800  }
.LBB2_2:
0x32: {  	[tilespmem:s16], [sflag:$0x2] =	stream.indirect.gather [hbm4b:s4+s14], $0x80, s26, s14, $0xb8;
	[tilespmem:$0x1F780] =	vst v63  }
0x33: {  	s30 =	smov.u32 s28;
	s26 =	smov.u32 s29  }
0x34: {  	p0 =	sne.s32 s28, $0xF000;
	s28 =	sadd.s32 $0x400, s28;
	_ =	swait.ge [sflag:s17], $0x2800  }
0x35: {  	s30 =	sshra.s32 s30, $0x2;
	[sflag:s17] =	ssyncset.done $0x0  }
0x36: {  	s31 =	sadd.s32 $0x2780, s30;
	[sflag:s17] =	ssyncadd.s32 $0xFFFFD800  }
0x37: {  	[spmem:s2] =	stream.indirect.scatter.add.f32 [tilespmem:s15], [sflag:$0x3], $0x80, s31, s14, $0xb8;
	[tilespmem:$0x1F780] =	vst v63  }
0x38: {  	_ =	swait.ge [sflag:s18], $0x2800  }
0x39: {  	[sflag:s18] =	ssyncset.done $0x0  }
0x3a: {  	s30 =	sadd.s32 $0x2800, s30;
	[sflag:s18] =	ssyncadd.s32 $0xFFFFD800  }
0x3b: {  	[spmem:s2] =	stream.indirect.scatter.add.f32 [tilespmem:s16], [sflag:$0x4], $0x80, s30, s14, $0xb8;
	[tilespmem:$0x1F780] =	vst v63  }
0x3c: {  	_ =	swait.ge [sflag:s19], $0x2800  }
0x3d: {  	[sflag:s19] =	ssyncset.done $0x0  }
.Ltmp0:
0x3e: {  	s30 =	sadd.s32 $0xFFFFFFB0, s29;
	[sflag:s19] =	ssyncadd.s32 $0xFFFFD800;
	(pc) =	sbr.rel @p0 .LBB2_2-.Ltmp0, $4  }
0x3f: {  	[tilespmem:s15], [sflag:$0x1] =	stream.indirect.gather [hbm4b:s4+s14], $0x80, s30, s14, $0xb8;
	[tilespmem:$0x1F780] =	vst v63  }
0x40: {  	_ =	swait.ge [sflag:s20], $0x2800  }
0x41: {  	[sflag:s20] =	ssyncset.done $0x0  }
0x42: {  	s29 =	sadd.s32 $0xA0, s29;
	[sflag:s20] =	ssyncadd.s32 $0xFFFFD800  }
0x43: {  	[tilespmem:s16], [sflag:$0x2] =	stream.indirect.gather [hbm4b:s4+s14], $0x80, s26, s14, $0xb8;
	[tilespmem:$0x1F780] =	vst v63  }
0x44: {  	_ =	swait.ge [sflag:s17], $0x2800  }
0x45: {  	[sflag:s17] =	ssyncset.done $0x0  }
0x46: {  	[sflag:s17] =	ssyncadd.s32 $0xFFFFD800  }
0x47: {  	[spmem:s2] =	stream.indirect.scatter.add.f32 [tilespmem:s15], [sflag:$0x3], $0x80, s21, s14, $0xb8;
	[tilespmem:$0x1F780] =	vst v63  }
0x48: {  	_ =	swait.ge [sflag:s18], $0x2800  }
0x49: {  	[sflag:s18] =	ssyncset.done $0x0  }
0x4a: {  	[sflag:s18] =	ssyncadd.s32 $0xFFFFD800  }
0x4b: {  	[spmem:s2] =	stream.indirect.scatter.add.f32 [tilespmem:s16], [sflag:$0x4], $0x80, s22, s14, $0xb8;
	[tilespmem:$0x1F780] =	vst v63  }
0x4c: {  	_ =	swait.ge [sflag:s19], $0x2800  }
0x4d: {  	[sflag:s19] =	ssyncset.done $0x0  }
0x4e: {  	[sflag:s19] =	ssyncadd.s32 $0xFFFFD800  }
0x4f: {  	[tilespmem:s15], [sflag:$0x1] =	stream.indirect.gather [hbm4b:s4+s14], $0x80, s23, s14, $0xb8;
	[tilespmem:$0x1F780] =	vst v63  }
0x50: {  	_ =	swait.ge [sflag:s20], $0x2800  }
0x51: {  	[sflag:s20] =	ssyncset.done $0x0  }
0x52: {  	[sflag:s20] =	ssyncadd.s32 $0xFFFFD800  }
0x53: {  	_ =	swait.ge [sflag:s17], $0x2800  }
0x54: {  	[sflag:s17] =	ssyncset.done $0x0  }
0x55: {  	[sflag:s17] =	ssyncadd.s32 $0xFFFFD800  }
0x56: {  	[spmem:s2] =	stream.indirect.scatter.add.f32 [tilespmem:s15], [sflag:$0x5], $0x80, s24, s14, $0xb8;
	[tilespmem:$0x1F780] =	vst v63  }
0x57: {  	_ =	swait.ge [sflag:s12], $0x2800  }
0x58: {  	s25 =	sadd.s32 $0x1, s25;
	[sflag:s12] =	ssyncset.done $0x0  }
0x59: {  	p0 =	sne.s32 s25, s10;
	[sflag:s12] =	ssyncadd.s32 $0xFFFFD800  }
.Ltmp1:
0x5a: {  	[bflag:$0x0] =	sbarrier.arrive $0xFFFF;
	(pc) =	sbr.rel @p0 .LBB2_1-.Ltmp1, $4  }
0x5b: {  	[hbm:s9], [sflag:s6] =	dma.local [spmem:s11], $0x2800  }
0x5c: {  	_ =	swait.ge [sflag:s12], $0x2800  }
0x5d: {  	[sflag:s12] =	ssyncset.done $0x0  }
0x5e: {  	[sflag:s12] =	ssyncadd.s32 $0xFFFFD800  }
0x5f: {  	_ =	sfence.sel $0x180000  }
0x60: {  	[bflag:$0x0] =	sbarrier.arrive $0xFFFF  }
0x61: {  	p0 =	sne.s32 s0, $0x0;
	_ =	strace $0x90000050  }
0x62: {  	s0 =	sadd.s32 @!p0 $0x100000, s1;
	[bflag:$0x2] =	sbarrier.arrive $0xFFFF  }
0x63: {  	[sflag:s0] =	ssyncadd.tile.s32 @!p0 $0x1;
	_ =	shalt  }
.Lfunc_end2:
_tile_overlayer_lowered:
.L_overlay_start_2:
0x64: {  	(tag) =	ssettag $0x2  }
0x65: {  	s0 =	rddreg [dreg:$0x0];
	s2 =	stileid.u32  }
0x66: {  	s1 =	rddreg [dreg:$0x1];
	p0 =	sne.s32 s2, $0x0  }
0x67: {  	s3 =	rddreg [dreg:$0x2];
	[bflag:$0x3] =	sbarrier.arrive $0xFFFF;
	s2 =	simm.s32 @!p0 $0x1C05  }
0x68: {  	[timem:s3], [sflag:s2] =	dma.local @!p0 [hbm:s0], s1  }
0x69: {  	s0 =	simm.s32 @!p0 $0x5  }
0x6a: {  	_ =	swait.ge @!p0 [sflag:s0], s1  }
0x6b: {  	s1 =	ssub.s32 @!p0 $0x0, s1;
	[sflag:s0] =	ssyncset.done @!p0 $0x0  }
0x6c: {  	[sflag:s0] =	ssyncadd.s32 @!p0 s1  }
0x6d: {  	[bflag:$0x3] =	sbarrier.arrive $0xFFFF  }
0x6e: {  	_ =	shalt  }

</sc_bundles>
